<compile_context>
chip_gen: v7x
topology: tpu7x:2x2x1
jax: 0.10.2.dev20260603
libtpu: 0.0.44.dev20260713+nightly
codegen_flags: <defaults>
</compile_context>

<pallas_src>
import functools

import jax
import jax.numpy as jnp
from jax import lax
from jax.experimental import pallas as pl
from jax.experimental.pallas import tpu as pltpu
from jax.experimental.pallas import tpu_sc as plsc

B = 16384
L = 200
D = 20
HID = 128

NC = 2
NS = 16
NW = NC * NS
BPW = B // NW
CB = 16
CHUNKS = BPW // CB
ROWS = CB * L
GW = 128
NG = ROWS // GW
XROWS = B * L // GW
PHW = 80


def _sc_body(x_hbm, table_hbm, out_hbm, idx_v, rows_v, acc_v, sem):
  wid = lax.axis_index("s") * NC + lax.axis_index("c")

  iota = lax.iota(jnp.int32, 16)
  rowoff = [(iota + 16 * k) // D for k in range(5)]
  cols = [(iota + 16 * k) % D for k in range(5)]

  def chunk(ci, _):
    b0 = wid * BPW + ci * CB
    pltpu.sync_copy(x_hbm.at[pl.ds(b0 * L, ROWS)], idx_v)
    copies = []
    for j in range(NG):
      copies.append(
          pltpu.async_copy(table_hbm.at[idx_v.at[pl.ds(j * GW, GW)]],
                           rows_v.at[pl.ds(j * GW, GW)], sem))
    for c in copies:
      c.wait()

    for c in range(CB):
      def step(i, accs):
        base = c * L + i * 4
        out = []
        for k in range(5):
          vals = plsc.load_gather(rows_v, [rowoff[k] + base, cols[k]])
          out.append(accs[k] + vals)
        return tuple(out)

      accs = lax.fori_loop(0, L // 4, step,
                           tuple(jnp.zeros((16,), jnp.float32)
                                 for _ in range(5)))
      for k in range(5):
        acc_v[pl.ds(c * PHW + k * 16, 16)] = accs[k]

    pltpu.sync_copy(acc_v, out_hbm.at[pl.ds(b0 * PHW, CB * PHW)])
    return 0

  lax.fori_loop(0, CHUNKS, chunk, 0)


_sc_pool = functools.partial(
    pl.kernel,
    out_type=jax.ShapeDtypeStruct((B * PHW,), jnp.float32),
    mesh=plsc.VectorSubcoreMesh(core_axis_name="c", subcore_axis_name="s"),
    scratch_types=[
        pltpu.VMEM((ROWS,), jnp.int32),
        pltpu.VMEM((ROWS, D), jnp.float32),
        pltpu.VMEM((CB * PHW,), jnp.float32),
        pltpu.SemaphoreType.DMA,
    ],
    compiler_params=pltpu.CompilerParams(
        use_tc_tiling_on_sc=False, needs_layout_passes=False),
)(_sc_body)


BM = 2048


def _tc_body(x_ref, p_ref, w1_ref, b1_ref, w2_ref, b2_ref, o_ref):
  xb = x_ref[...]
  cnt = jnp.sum((xb != 0).astype(jnp.float32), axis=1, keepdims=True)
  p = p_ref[...]
  pooled = (p[:, 0:20] + p[:, 20:40] + p[:, 40:60] + p[:, 60:80])
  pooled = pooled / jnp.maximum(cnt, 1e-9)
  h = jnp.dot(pooled, w1_ref[...], preferred_element_type=jnp.float32)
  h = jnp.maximum(h + b1_ref[...], 0.0)
  o = jnp.sum(h * w2_ref[...], axis=1, keepdims=True) + b2_ref[...]
  o_ref[...] = jax.nn.sigmoid(o)


def _tc_head(x, part, w1t, b1r, w2, b2):
  return pl.pallas_call(
      _tc_body,
      grid=(B // BM,),
      in_specs=[
          pl.BlockSpec((BM, L), lambda i: (i, 0)),
          pl.BlockSpec((BM, PHW), lambda i: (i, 0)),
          pl.BlockSpec((D, HID), lambda i: (0, 0)),
          pl.BlockSpec((1, HID), lambda i: (0, 0)),
          pl.BlockSpec((1, HID), lambda i: (0, 0)),
          pl.BlockSpec((1, 1), lambda i: (0, 0)),
      ],
      out_specs=pl.BlockSpec((BM, 1), lambda i: (i, 0)),
      out_shape=jax.ShapeDtypeStruct((B, 1), jnp.float32),
  )(x, part, w1t, b1r, w2, b2)


def kernel(x, table, W1, b1, W2, b2):
  part = _sc_pool(x.reshape(B * L), table)
  part = part.reshape(B, PHW)
  out = _tc_head(x, part, W1.T, b1.reshape(1, HID), W2,
                 b2.reshape(1, 1))
  return out.reshape(B)

# --- scband reference (transcript-rebuilt; emitter-appended) ---
"""Pipeline reference for scband-model-57148834840702 (READ-ONLY COPY).

The authoritative reference and input builder live on the scoring server;
editing this copy changes nothing except your own understanding.
"""

import jax, jax.numpy as jnp
import numpy as np

BATCH = 16384
HIST = 200
NUM_VOCAB = 1000000
EMB_DIM = 20
HID = 128

def setup_inputs(seed: int = 0) -> dict:
    key = jax.random.key(seed)
    k1, k2, k3, k4, k5 = jax.random.split(key, 5)
    x = jax.random.randint(k1, (BATCH, HIST), 0, NUM_VOCAB + 1, dtype=jnp.int32)
    table = jax.random.normal(k2, (NUM_VOCAB + 1, EMB_DIM), dtype=jnp.float32) * 0.02
    table = table.at[0].set(0.0)  # padding_idx=0
    W1 = jax.random.normal(k3, (HID, EMB_DIM), dtype=jnp.float32) * 0.05
    b1 = jnp.zeros((HID,), dtype=jnp.float32)
    W2 = jax.random.normal(k4, (1, HID), dtype=jnp.float32) * 0.05
    b2 = jnp.zeros((1,), dtype=jnp.float32)
    return {"x": x, "table": table, "W1": W1, "b1": b1, "W2": W2, "b2": b2}


def reference(x, table, W1, b1, W2, b2):
    mask = (x != 0).astype(jnp.float32)  # [B, L]
    emb = jnp.take(table, x, axis=0)     # [B, L, D] gather (embedding lookup)
    emb = emb * mask[..., None]          # padding rows contribute zero (row 0 is zero anyway)
    denom = jnp.clip(mask.sum(axis=1, keepdims=True), 1e-09, None)
    pooled = emb.sum(axis=1) / denom     # masked mean pooling [B, D]
    h = jax.nn.relu(pooled @ W1.T + b1)  # fc1 + relu
    # dropout is identity in eval mode
    out = jax.nn.sigmoid(h @ W2.T + b2)  # fc2 + sigmoid -> [B, 1]
    return jnp.squeeze(out)              # [B]

if __name__ == "__main__":
    import jax
    _d = setup_inputs()
    print(jax.jit(kernel)(*tuple(_d.values())))

</pallas_src>

<mosaic_0001>
#map = affine_map<(d0, d1) -> (0)>
#map1 = affine_map<(d0, d1) -> (0, 0)>
module attributes {stable_mosaic.version = 14 : i64} {
  func.func @_sc_body(%arg0: i32, %arg1: i32, %arg2: memref<3276800xi32, #tpu.memory_space<hbm>>, %arg3: memref<1000001x20xf32, #tpu.memory_space<hbm>>, %arg4: memref<1310720xf32, #tpu.memory_space<hbm>>, %arg5: memref<3200xi32, #tpu.memory_space<vmem>>, %arg6: memref<3200x20xf32, #tpu.memory_space<vmem>>, %arg7: memref<1280xf32, #tpu.memory_space<vmem>>, %arg8: memref<!tpu.dma_semaphore, #tpu.memory_space<semaphore_mem>>) attributes {dimension_semantics = [#tpu.dimension_semantics<core_parallel>, #tpu.dimension_semantics<subcore_parallel>], iteration_bounds = array<i64: 2, 16>, scalar_prefetch = 0 : i64, scratch_operands = 4 : i64, tpu.core_type = #tpu.core_type<sc_vector_subcore>, window_params = [{transform_indices = #map}, {transform_indices = #map1}, {transform_indices = #map}]} {
    %mul3A = arith.constant 2 : i32
    %mul3A_0 = arith.muli %arg1, %mul3A : i32
    %add3A = arith.addi %mul3A_0, %arg0 : i32
    %iota3A = tpu.iota {dimensions = array<i32: 0>} : vector<16xi32>
    %add3A_1 = arith.constant 0 : i32
    %add3A_2 = vector.broadcast %add3A_1 : i32 to vector<16xi32>
    %add3A_3 = arith.addi %iota3A, %add3A_2 : vector<16xi32>
    %jit3A = arith.constant 20 : i32
    %div3A = vector.broadcast %jit3A : i32 to vector<16xi32>
    %div3A_4 = arith.divsi %add3A_3, %div3A : vector<16xi32>
    %sign3A = arith.constant 0 : i32
    %sign3A_5 = vector.broadcast %sign3A : i32 to vector<16xi32>
    %sign3A_6 = arith.cmpi sgt, %add3A_3, %sign3A_5 : vector<16xi32>
    %sign3A_7 = arith.extui %sign3A_6 : vector<16xi1> to vector<16xi32>
    %sign3A_8 = arith.constant 0 : i32
    %sign3A_9 = vector.broadcast %sign3A_8 : i32 to vector<16xi32>
    %sign3A_10 = arith.cmpi slt, %add3A_3, %sign3A_9 : vector<16xi32>
    %sign3A_11 = arith.extui %sign3A_10 : vector<16xi1> to vector<16xi32>
    %sign3A_12 = arith.subi %sign3A_7, %sign3A_11 : vector<16xi32>
    %sign3A_13 = arith.constant 0 : i32
    %sign3A_14 = arith.cmpi sgt, %jit3A, %sign3A_13 : i32
    %sign3A_15 = arith.extui %sign3A_14 : i1 to i32
    %sign3A_16 = arith.constant 0 : i32
    %sign3A_17 = arith.cmpi slt, %jit3A, %sign3A_16 : i32
    %sign3A_18 = arith.extui %sign3A_17 : i1 to i32
    %sign3A_19 = arith.subi %sign3A_15, %sign3A_18 : i32
    %ne3A = vector.broadcast %sign3A_19 : i32 to vector<16xi32>
    %ne3A_20 = arith.cmpi ne, %sign3A_12, %ne3A : vector<16xi32>
    %rem3A = vector.broadcast %jit3A : i32 to vector<16xi32>
    %rem3A_21 = arith.remsi %add3A_3, %rem3A : vector<16xi32>
    %ne3A_22 = arith.constant 0 : i32
    %ne3A_23 = vector.broadcast %ne3A_22 : i32 to vector<16xi32>
    %ne3A_24 = arith.cmpi ne, %rem3A_21, %ne3A_23 : vector<16xi32>
    %and3A = arith.andi %ne3A_20, %ne3A_24 : vector<16xi1>
    %sub3A = arith.constant 1 : i32
    %sub3A_25 = vector.broadcast %sub3A : i32 to vector<16xi32>
    %sub3A_26 = arith.subi %div3A_4, %sub3A_25 : vector<16xi32>
    %select_n3A = arith.select %and3A, %sub3A_26, %div3A_4 : vector<16xi1>, vector<16xi32>
    %add3A_27 = arith.constant 16 : i32
    %add3A_28 = vector.broadcast %add3A_27 : i32 to vector<16xi32>
    %add3A_29 = arith.addi %iota3A, %add3A_28 : vector<16xi32>
    %jit3A_30 = arith.constant 20 : i32
    %div3A_31 = vector.broadcast %jit3A_30 : i32 to vector<16xi32>
    %div3A_32 = arith.divsi %add3A_29, %div3A_31 : vector<16xi32>
    %sign3A_33 = arith.constant 0 : i32
    %sign3A_34 = vector.broadcast %sign3A_33 : i32 to vector<16xi32>
    %sign3A_35 = arith.cmpi sgt, %add3A_29, %sign3A_34 : vector<16xi32>
    %sign3A_36 = arith.extui %sign3A_35 : vector<16xi1> to vector<16xi32>
    %sign3A_37 = arith.constant 0 : i32
    %sign3A_38 = vector.broadcast %sign3A_37 : i32 to vector<16xi32>
    %sign3A_39 = arith.cmpi slt, %add3A_29, %sign3A_38 : vector<16xi32>
    %sign3A_40 = arith.extui %sign3A_39 : vector<16xi1> to vector<16xi32>
    %sign3A_41 = arith.subi %sign3A_36, %sign3A_40 : vector<16xi32>
    %sign3A_42 = arith.constant 0 : i32
    %sign3A_43 = arith.cmpi sgt, %jit3A_30, %sign3A_42 : i32
    %sign3A_44 = arith.extui %sign3A_43 : i1 to i32
    %sign3A_45 = arith.constant 0 : i32
    %sign3A_46 = arith.cmpi slt, %jit3A_30, %sign3A_45 : i32
    %sign3A_47 = arith.extui %sign3A_46 : i1 to i32
    %sign3A_48 = arith.subi %sign3A_44, %sign3A_47 : i32
    %ne3A_49 = vector.broadcast %sign3A_48 : i32 to vector<16xi32>
    %ne3A_50 = arith.cmpi ne, %sign3A_41, %ne3A_49 : vector<16xi32>
    %rem3A_51 = vector.broadcast %jit3A_30 : i32 to vector<16xi32>
    %rem3A_52 = arith.remsi %add3A_29, %rem3A_51 : vector<16xi32>
    %ne3A_53 = arith.constant 0 : i32
    %ne3A_54 = vector.broadcast %ne3A_53 : i32 to vector<16xi32>
    %ne3A_55 = arith.cmpi ne, %rem3A_52, %ne3A_54 : vector<16xi32>
    %and3A_56 = arith.andi %ne3A_50, %ne3A_55 : vector<16xi1>
    %sub3A_57 = arith.constant 1 : i32
    %sub3A_58 = vector.broadcast %sub3A_57 : i32 to vector<16xi32>
    %sub3A_59 = arith.subi %div3A_32, %sub3A_58 : vector<16xi32>
    %select_n3A_60 = arith.select %and3A_56, %sub3A_59, %div3A_32 : vector<16xi1>, vector<16xi32>
    %add3A_61 = arith.constant 32 : i32
    %add3A_62 = vector.broadcast %add3A_61 : i32 to vector<16xi32>
    %add3A_63 = arith.addi %iota3A, %add3A_62 : vector<16xi32>
    %jit3A_64 = arith.constant 20 : i32
    %div3A_65 = vector.broadcast %jit3A_64 : i32 to vector<16xi32>
    %div3A_66 = arith.divsi %add3A_63, %div3A_65 : vector<16xi32>
    %sign3A_67 = arith.constant 0 : i32
    %sign3A_68 = vector.broadcast %sign3A_67 : i32 to vector<16xi32>
    %sign3A_69 = arith.cmpi sgt, %add3A_63, %sign3A_68 : vector<16xi32>
    %sign3A_70 = arith.extui %sign3A_69 : vector<16xi1> to vector<16xi32>
    %sign3A_71 = arith.constant 0 : i32
    %sign3A_72 = vector.broadcast %sign3A_71 : i32 to vector<16xi32>
    %sign3A_73 = arith.cmpi slt, %add3A_63, %sign3A_72 : vector<16xi32>
    %sign3A_74 = arith.extui %sign3A_73 : vector<16xi1> to vector<16xi32>
    %sign3A_75 = arith.subi %sign3A_70, %sign3A_74 : vector<16xi32>
    %sign3A_76 = arith.constant 0 : i32
    %sign3A_77 = arith.cmpi sgt, %jit3A_64, %sign3A_76 : i32
    %sign3A_78 = arith.extui %sign3A_77 : i1 to i32
    %sign3A_79 = arith.constant 0 : i32
    %sign3A_80 = arith.cmpi slt, %jit3A_64, %sign3A_79 : i32
    %sign3A_81 = arith.extui %sign3A_80 : i1 to i32
    %sign3A_82 = arith.subi %sign3A_78, %sign3A_81 : i32
    %ne3A_83 = vector.broadcast %sign3A_82 : i32 to vector<16xi32>
    %ne3A_84 = arith.cmpi ne, %sign3A_75, %ne3A_83 : vector<16xi32>
    %rem3A_85 = vector.broadcast %jit3A_64 : i32 to vector<16xi32>
    %rem3A_86 = arith.remsi %add3A_63, %rem3A_85 : vector<16xi32>
    %ne3A_87 = arith.constant 0 : i32
    %ne3A_88 = vector.broadcast %ne3A_87 : i32 to vector<16xi32>
    %ne3A_89 = arith.cmpi ne, %rem3A_86, %ne3A_88 : vector<16xi32>
    %and3A_90 = arith.andi %ne3A_84, %ne3A_89 : vector<16xi1>
    %sub3A_91 = arith.constant 1 : i32
    %sub3A_92 = vector.broadcast %sub3A_91 : i32 to vector<16xi32>
    %sub3A_93 = arith.subi %div3A_66, %sub3A_92 : vector<16xi32>
    %select_n3A_94 = arith.select %and3A_90, %sub3A_93, %div3A_66 : vector<16xi1>, vector<16xi32>
    %add3A_95 = arith.constant 48 : i32
    %add3A_96 = vector.broadcast %add3A_95 : i32 to vector<16xi32>
    %add3A_97 = arith.addi %iota3A, %add3A_96 : vector<16xi32>
    %jit3A_98 = arith.constant 20 : i32
    %div3A_99 = vector.broadcast %jit3A_98 : i32 to vector<16xi32>
    %div3A_100 = arith.divsi %add3A_97, %div3A_99 : vector<16xi32>
    %sign3A_101 = arith.constant 0 : i32
    %sign3A_102 = vector.broadcast %sign3A_101 : i32 to vector<16xi32>
    %sign3A_103 = arith.cmpi sgt, %add3A_97, %sign3A_102 : vector<16xi32>
    %sign3A_104 = arith.extui %sign3A_103 : vector<16xi1> to vector<16xi32>
    %sign3A_105 = arith.constant 0 : i32
    %sign3A_106 = vector.broadcast %sign3A_105 : i32 to vector<16xi32>
    %sign3A_107 = arith.cmpi slt, %add3A_97, %sign3A_106 : vector<16xi32>
    %sign3A_108 = arith.extui %sign3A_107 : vector<16xi1> to vector<16xi32>
    %sign3A_109 = arith.subi %sign3A_104, %sign3A_108 : vector<16xi32>
    %sign3A_110 = arith.constant 0 : i32
    %sign3A_111 = arith.cmpi sgt, %jit3A_98, %sign3A_110 : i32
    %sign3A_112 = arith.extui %sign3A_111 : i1 to i32
    %sign3A_113 = arith.constant 0 : i32
    %sign3A_114 = arith.cmpi slt, %jit3A_98, %sign3A_113 : i32
    %sign3A_115 = arith.extui %sign3A_114 : i1 to i32
    %sign3A_116 = arith.subi %sign3A_112, %sign3A_115 : i32
    %ne3A_117 = vector.broadcast %sign3A_116 : i32 to vector<16xi32>
    %ne3A_118 = arith.cmpi ne, %sign3A_109, %ne3A_117 : vector<16xi32>
    %rem3A_119 = vector.broadcast %jit3A_98 : i32 to vector<16xi32>
    %rem3A_120 = arith.remsi %add3A_97, %rem3A_119 : vector<16xi32>
    %ne3A_121 = arith.constant 0 : i32
    %ne3A_122 = vector.broadcast %ne3A_121 : i32 to vector<16xi32>
    %ne3A_123 = arith.cmpi ne, %rem3A_120, %ne3A_122 : vector<16xi32>
    %and3A_124 = arith.andi %ne3A_118, %ne3A_123 : vector<16xi1>
    %sub3A_125 = arith.constant 1 : i32
    %sub3A_126 = vector.broadcast %sub3A_125 : i32 to vector<16xi32>
    %sub3A_127 = arith.subi %div3A_100, %sub3A_126 : vector<16xi32>
    %select_n3A_128 = arith.select %and3A_124, %sub3A_127, %div3A_100 : vector<16xi1>, vector<16xi32>
    %add3A_129 = arith.constant 64 : i32
    %add3A_130 = vector.broadcast %add3A_129 : i32 to vector<16xi32>
    %add3A_131 = arith.addi %iota3A, %add3A_130 : vector<16xi32>
    %jit3A_132 = arith.constant 20 : i32
    %div3A_133 = vector.broadcast %jit3A_132 : i32 to vector<16xi32>
    %div3A_134 = arith.divsi %add3A_131, %div3A_133 : vector<16xi32>
    %sign3A_135 = arith.constant 0 : i32
    %sign3A_136 = vector.broadcast %sign3A_135 : i32 to vector<16xi32>
    %sign3A_137 = arith.cmpi sgt, %add3A_131, %sign3A_136 : vector<16xi32>
    %sign3A_138 = arith.extui %sign3A_137 : vector<16xi1> to vector<16xi32>
    %sign3A_139 = arith.constant 0 : i32
    %sign3A_140 = vector.broadcast %sign3A_139 : i32 to vector<16xi32>
    %sign3A_141 = arith.cmpi slt, %add3A_131, %sign3A_140 : vector<16xi32>
    %sign3A_142 = arith.extui %sign3A_141 : vector<16xi1> to vector<16xi32>
    %sign3A_143 = arith.subi %sign3A_138, %sign3A_142 : vector<16xi32>
    %sign3A_144 = arith.constant 0 : i32
    %sign3A_145 = arith.cmpi sgt, %jit3A_132, %sign3A_144 : i32
    %sign3A_146 = arith.extui %sign3A_145 : i1 to i32
    %sign3A_147 = arith.constant 0 : i32
    %sign3A_148 = arith.cmpi slt, %jit3A_132, %sign3A_147 : i32
    %sign3A_149 = arith.extui %sign3A_148 : i1 to i32
    %sign3A_150 = arith.subi %sign3A_146, %sign3A_149 : i32
    %ne3A_151 = vector.broadcast %sign3A_150 : i32 to vector<16xi32>
    %ne3A_152 = arith.cmpi ne, %sign3A_143, %ne3A_151 : vector<16xi32>
    %rem3A_153 = vector.broadcast %jit3A_132 : i32 to vector<16xi32>
    %rem3A_154 = arith.remsi %add3A_131, %rem3A_153 : vector<16xi32>
    %ne3A_155 = arith.constant 0 : i32
    %ne3A_156 = vector.broadcast %ne3A_155 : i32 to vector<16xi32>
    %ne3A_157 = arith.cmpi ne, %rem3A_154, %ne3A_156 : vector<16xi32>
    %and3A_158 = arith.andi %ne3A_152, %ne3A_157 : vector<16xi1>
    %sub3A_159 = arith.constant 1 : i32
    %sub3A_160 = vector.broadcast %sub3A_159 : i32 to vector<16xi32>
    %sub3A_161 = arith.subi %div3A_134, %sub3A_160 : vector<16xi32>
    %select_n3A_162 = arith.select %and3A_158, %sub3A_161, %div3A_134 : vector<16xi1>, vector<16xi32>
    %add3A_163 = arith.constant 0 : i32
    %add3A_164 = vector.broadcast %add3A_163 : i32 to vector<16xi32>
    %add3A_165 = arith.addi %iota3A, %add3A_164 : vector<16xi32>
    %jit3A_166 = arith.constant 20 : i32
    %eq3A = arith.constant 0 : i32
    %eq3A_167 = arith.cmpi eq, %jit3A_166, %eq3A : i32
    %jit3A_168 = arith.constant 1 : i32
    %select_n3A_169 = arith.select %eq3A_167, %jit3A_168, %jit3A_166 : i32
    %rem3A_170 = vector.broadcast %select_n3A_169 : i32 to vector<16xi32>
    %rem3A_171 = arith.remsi %add3A_165, %rem3A_170 : vector<16xi32>
    %ne3A_172 = arith.constant 0 : i32
    %ne3A_173 = vector.broadcast %ne3A_172 : i32 to vector<16xi32>
    %ne3A_174 = arith.cmpi ne, %rem3A_171, %ne3A_173 : vector<16xi32>
    %lt3A = arith.constant 0 : i32
    %lt3A_175 = vector.broadcast %lt3A : i32 to vector<16xi32>
    %lt3A_176 = arith.cmpi slt, %rem3A_171, %lt3A_175 : vector<16xi32>
    %lt3A_177 = arith.constant 0 : i32
    %lt3A_178 = arith.cmpi slt, %select_n3A_169, %lt3A_177 : i32
    %ne3A_179 = vector.broadcast %lt3A_178 : i1 to vector<16xi1>
    %ne3A_180 = vector.broadcast %ne3A_179 : vector<16xi1> to vector<16xi1>
    %ne3A_181 = arith.xori %lt3A_176, %ne3A_180 : vector<16xi1>
    %and3A_182 = arith.andi %ne3A_181, %ne3A_174 : vector<16xi1>
    %add3A_183 = vector.broadcast %select_n3A_169 : i32 to vector<16xi32>
    %add3A_184 = arith.addi %rem3A_171, %add3A_183 : vector<16xi32>
    %select_n3A_185 = arith.select %and3A_182, %add3A_184, %rem3A_171 : vector<16xi1>, vector<16xi32>
    %add3A_186 = arith.constant 16 : i32
    %add3A_187 = vector.broadcast %add3A_186 : i32 to vector<16xi32>
    %add3A_188 = arith.addi %iota3A, %add3A_187 : vector<16xi32>
    %jit3A_189 = arith.constant 20 : i32
    %eq3A_190 = arith.constant 0 : i32
    %eq3A_191 = arith.cmpi eq, %jit3A_189, %eq3A_190 : i32
    %jit3A_192 = arith.constant 1 : i32
    %select_n3A_193 = arith.select %eq3A_191, %jit3A_192, %jit3A_189 : i32
    %rem3A_194 = vector.broadcast %select_n3A_193 : i32 to vector<16xi32>
    %rem3A_195 = arith.remsi %add3A_188, %rem3A_194 : vector<16xi32>
    %ne3A_196 = arith.constant 0 : i32
    %ne3A_197 = vector.broadcast %ne3A_196 : i32 to vector<16xi32>
    %ne3A_198 = arith.cmpi ne, %rem3A_195, %ne3A_197 : vector<16xi32>
    %lt3A_199 = arith.constant 0 : i32
    %lt3A_200 = vector.broadcast %lt3A_199 : i32 to vector<16xi32>
    %lt3A_201 = arith.cmpi slt, %rem3A_195, %lt3A_200 : vector<16xi32>
    %lt3A_202 = arith.constant 0 : i32
    %lt3A_203 = arith.cmpi slt, %select_n3A_193, %lt3A_202 : i32
    %ne3A_204 = vector.broadcast %lt3A_203 : i1 to vector<16xi1>
    %ne3A_205 = vector.broadcast %ne3A_204 : vector<16xi1> to vector<16xi1>
    %ne3A_206 = arith.xori %lt3A_201, %ne3A_205 : vector<16xi1>
    %and3A_207 = arith.andi %ne3A_206, %ne3A_198 : vector<16xi1>
    %add3A_208 = vector.broadcast %select_n3A_193 : i32 to vector<16xi32>
    %add3A_209 = arith.addi %rem3A_195, %add3A_208 : vector<16xi32>
    %select_n3A_210 = arith.select %and3A_207, %add3A_209, %rem3A_195 : vector<16xi1>, vector<16xi32>
    %add3A_211 = arith.constant 32 : i32
    %add3A_212 = vector.broadcast %add3A_211 : i32 to vector<16xi32>
    %add3A_213 = arith.addi %iota3A, %add3A_212 : vector<16xi32>
    %jit3A_214 = arith.constant 20 : i32
    %eq3A_215 = arith.constant 0 : i32
    %eq3A_216 = arith.cmpi eq, %jit3A_214, %eq3A_215 : i32
    %jit3A_217 = arith.constant 1 : i32
    %select_n3A_218 = arith.select %eq3A_216, %jit3A_217, %jit3A_214 : i32
    %rem3A_219 = vector.broadcast %select_n3A_218 : i32 to vector<16xi32>
    %rem3A_220 = arith.remsi %add3A_213, %rem3A_219 : vector<16xi32>
    %ne3A_221 = arith.constant 0 : i32
    %ne3A_222 = vector.broadcast %ne3A_221 : i32 to vector<16xi32>
    %ne3A_223 = arith.cmpi ne, %rem3A_220, %ne3A_222 : vector<16xi32>
    %lt3A_224 = arith.constant 0 : i32
    %lt3A_225 = vector.broadcast %lt3A_224 : i32 to vector<16xi32>
    %lt3A_226 = arith.cmpi slt, %rem3A_220, %lt3A_225 : vector<16xi32>
    %lt3A_227 = arith.constant 0 : i32
    %lt3A_228 = arith.cmpi slt, %select_n3A_218, %lt3A_227 : i32
    %ne3A_229 = vector.broadcast %lt3A_228 : i1 to vector<16xi1>
    %ne3A_230 = vector.broadcast %ne3A_229 : vector<16xi1> to vector<16xi1>
    %ne3A_231 = arith.xori %lt3A_226, %ne3A_230 : vector<16xi1>
    %and3A_232 = arith.andi %ne3A_231, %ne3A_223 : vector<16xi1>
    %add3A_233 = vector.broadcast %select_n3A_218 : i32 to vector<16xi32>
    %add3A_234 = arith.addi %rem3A_220, %add3A_233 : vector<16xi32>
    %select_n3A_235 = arith.select %and3A_232, %add3A_234, %rem3A_220 : vector<16xi1>, vector<16xi32>
    %add3A_236 = arith.constant 48 : i32
    %add3A_237 = vector.broadcast %add3A_236 : i32 to vector<16xi32>
    %add3A_238 = arith.addi %iota3A, %add3A_237 : vector<16xi32>
    %jit3A_239 = arith.constant 20 : i32
    %eq3A_240 = arith.constant 0 : i32
    %eq3A_241 = arith.cmpi eq, %jit3A_239, %eq3A_240 : i32
    %jit3A_242 = arith.constant 1 : i32
    %select_n3A_243 = arith.select %eq3A_241, %jit3A_242, %jit3A_239 : i32
    %rem3A_244 = vector.broadcast %select_n3A_243 : i32 to vector<16xi32>
    %rem3A_245 = arith.remsi %add3A_238, %rem3A_244 : vector<16xi32>
    %ne3A_246 = arith.constant 0 : i32
    %ne3A_247 = vector.broadcast %ne3A_246 : i32 to vector<16xi32>
    %ne3A_248 = arith.cmpi ne, %rem3A_245, %ne3A_247 : vector<16xi32>
    %lt3A_249 = arith.constant 0 : i32
    %lt3A_250 = vector.broadcast %lt3A_249 : i32 to vector<16xi32>
    %lt3A_251 = arith.cmpi slt, %rem3A_245, %lt3A_250 : vector<16xi32>
    %lt3A_252 = arith.constant 0 : i32
    %lt3A_253 = arith.cmpi slt, %select_n3A_243, %lt3A_252 : i32
    %ne3A_254 = vector.broadcast %lt3A_253 : i1 to vector<16xi1>
    %ne3A_255 = vector.broadcast %ne3A_254 : vector<16xi1> to vector<16xi1>
    %ne3A_256 = arith.xori %lt3A_251, %ne3A_255 : vector<16xi1>
    %and3A_257 = arith.andi %ne3A_256, %ne3A_248 : vector<16xi1>
    %add3A_258 = vector.broadcast %select_n3A_243 : i32 to vector<16xi32>
    %add3A_259 = arith.addi %rem3A_245, %add3A_258 : vector<16xi32>
    %select_n3A_260 = arith.select %and3A_257, %add3A_259, %rem3A_245 : vector<16xi1>, vector<16xi32>
    %add3A_261 = arith.constant 64 : i32
    %add3A_262 = vector.broadcast %add3A_261 : i32 to vector<16xi32>
    %add3A_263 = arith.addi %iota3A, %add3A_262 : vector<16xi32>
    %jit3A_264 = arith.constant 20 : i32
    %eq3A_265 = arith.constant 0 : i32
    %eq3A_266 = arith.cmpi eq, %jit3A_264, %eq3A_265 : i32
    %jit3A_267 = arith.constant 1 : i32
    %select_n3A_268 = arith.select %eq3A_266, %jit3A_267, %jit3A_264 : i32
    %rem3A_269 = vector.broadcast %select_n3A_268 : i32 to vector<16xi32>
    %rem3A_270 = arith.remsi %add3A_263, %rem3A_269 : vector<16xi32>
    %ne3A_271 = arith.constant 0 : i32
    %ne3A_272 = vector.broadcast %ne3A_271 : i32 to vector<16xi32>
    %ne3A_273 = arith.cmpi ne, %rem3A_270, %ne3A_272 : vector<16xi32>
    %lt3A_274 = arith.constant 0 : i32
    %lt3A_275 = vector.broadcast %lt3A_274 : i32 to vector<16xi32>
    %lt3A_276 = arith.cmpi slt, %rem3A_270, %lt3A_275 : vector<16xi32>
    %lt3A_277 = arith.constant 0 : i32
    %lt3A_278 = arith.cmpi slt, %select_n3A_268, %lt3A_277 : i32
    %ne3A_279 = vector.broadcast %lt3A_278 : i1 to vector<16xi1>
    %ne3A_280 = vector.broadcast %ne3A_279 : vector<16xi1> to vector<16xi1>
    %ne3A_281 = arith.xori %lt3A_276, %ne3A_280 : vector<16xi1>
    %and3A_282 = arith.andi %ne3A_281, %ne3A_273 : vector<16xi1>
    %add3A_283 = vector.broadcast %select_n3A_268 : i32 to vector<16xi32>
    %add3A_284 = arith.addi %rem3A_270, %add3A_283 : vector<16xi32>
    %select_n3A_285 = arith.select %and3A_282, %add3A_284, %rem3A_270 : vector<16xi1>, vector<16xi32>
    %scan3A = arith.constant 0 : i32
    %scan3A_286 = arith.constant 0 : i32
    %scan3A_287 = arith.constant 32 : i32
    %scan3A_288 = arith.addi %scan3A_286, %scan3A_287 : i32
    %scan3A_289 = arith.constant 1 : i32
    %scan3A_290 = scf.for %scan3A_292 = %scan3A_286 to %scan3A_288 step %scan3A_289 iter_args(%scan3A_293 = %scan3A) -> (i32)  : i32 {
      %mul3A_294 = arith.constant 512 : i32
      %mul3A_295 = arith.muli %add3A, %mul3A_294 : i32
      %mul3A_296 = arith.constant 16 : i32
      %mul3A_297 = arith.muli %scan3A_292, %mul3A_296 : i32
      %add3A_298 = arith.addi %mul3A_295, %mul3A_297 : i32
      %mul3A_299 = arith.constant 200 : i32
      %mul3A_300 = arith.muli %add3A_298, %mul3A_299 : i32
      "tpu.region"() ({
        %run_scoped3A = tpu.sem_alloc : memref<!tpu.dma_semaphore, #tpu.memory_space<semaphore_mem>>
        %dma_start3A_1116 = tpu.memref_slice %arg2[%mul3A_300] : memref<3276800xi32, #tpu.memory_space<hbm>> -> memref<3200xi32, #tpu.memory_space<hbm>>
        %dma_start3A_1117 = tpu.memref_slice %arg2[%mul3A_300] : memref<3276800xi32, #tpu.memory_space<hbm>> -> memref<3200xi32, #tpu.memory_space<hbm>>
        tpu.enqueue_dma source(%dma_start3A_1117 : memref<3200xi32, #tpu.memory_space<hbm>>) target(%arg5 : memref<3200xi32, #tpu.memory_space<vmem>>) target_semaphore(%run_scoped3A : memref<!tpu.dma_semaphore, #tpu.memory_space<semaphore_mem>>)
        %dma_wait3A_1118 = tpu.memref_slice %arg2[%mul3A_300] : memref<3276800xi32, #tpu.memory_space<hbm>> -> memref<3200xi32, #tpu.memory_space<hbm>>
        %dma_wait3A_1119 = tpu.memref_slice %arg2[%mul3A_300] : memref<3276800xi32, #tpu.memory_space<hbm>> -> memref<3200xi32, #tpu.memory_space<hbm>>
        tpu.wait_dma2 semaphore(%run_scoped3A : memref<!tpu.dma_semaphore, #tpu.memory_space<semaphore_mem>>) src(%dma_wait3A_1119 : memref<3200xi32, #tpu.memory_space<hbm>>) dst(%arg5 : memref<3200xi32, #tpu.memory_space<vmem>>)
        tpu.yield
      }) : () -> ()
      %dma_start3A = arith.constant 0 : i32
      %dma_start3A_301 = arith.constant 0 : i32
      %dma_start3A_302 = tpu.memref_slice %arg6[%dma_start3A, %dma_start3A_301] : memref<3200x20xf32, #tpu.memory_space<vmem>> -> memref<128x20xf32, #tpu.memory_space<vmem>>
      %dma_start3A_303 = arith.constant 0 : i32
      %dma_start3A_304 = tpu.memref_slice %arg5[%dma_start3A_303] : memref<3200xi32, #tpu.memory_space<vmem>> -> memref<128xi32, #tpu.memory_space<vmem>>
      %dma_start3A_305 = arith.constant 0 : i32
      %dma_start3A_306 = arith.constant 0 : i32
      %dma_start3A_307 = tpu.memref_slice %arg3[%dma_start3A_305, %dma_start3A_306] : memref<1000001x20xf32, #tpu.memory_space<hbm>> -> memref<1000001x20xf32, #tpu.memory_space<hbm>>
      tpu.enqueue_indirect_dma source(%dma_start3A_307 : memref<1000001x20xf32, #tpu.memory_space<hbm>>) target(%dma_start3A_302 : memref<128x20xf32, #tpu.memory_space<vmem>>) offsets(%dma_start3A_304 : memref<128xi32, #tpu.memory_space<vmem>>) semaphore(%arg8 : memref<!tpu.dma_semaphore, #tpu.memory_space<semaphore_mem>>)
      %dma_start3A_308 = arith.constant 128 : i32
      %dma_start3A_309 = arith.constant 0 : i32
      %dma_start3A_310 = tpu.memref_slice %arg6[%dma_start3A_308, %dma_start3A_309] : memref<3200x20xf32, #tpu.memory_space<vmem>> -> memref<128x20xf32, #tpu.memory_space<vmem>>
      %dma_start3A_311 = arith.constant 128 : i32
      %dma_start3A_312 = tpu.memref_slice %arg5[%dma_start3A_311] : memref<3200xi32, #tpu.memory_space<vmem>> -> memref<128xi32, #tpu.memory_space<vmem>>
      %dma_start3A_313 = arith.constant 0 : i32
      %dma_start3A_314 = arith.constant 0 : i32
      %dma_start3A_315 = tpu.memref_slice %arg3[%dma_start3A_313, %dma_start3A_314] : memref<1000001x20xf32, #tpu.memory_space<hbm>> -> memref<1000001x20xf32, #tpu.memory_space<hbm>>
      tpu.enqueue_indirect_dma source(%dma_start3A_315 : memref<1000001x20xf32, #tpu.memory_space<hbm>>) target(%dma_start3A_310 : memref<128x20xf32, #tpu.memory_space<vmem>>) offsets(%dma_start3A_312 : memref<128xi32, #tpu.memory_space<vmem>>) semaphore(%arg8 : memref<!tpu.dma_semaphore, #tpu.memory_space<semaphore_mem>>)
      %dma_start3A_316 = arith.constant 256 : i32
      %dma_start3A_317 = arith.constant 0 : i32
      %dma_start3A_318 = tpu.memref_slice %arg6[%dma_start3A_316, %dma_start3A_317] : memref<3200x20xf32, #tpu.memory_space<vmem>> -> memref<128x20xf32, #tpu.memory_space<vmem>>
      %dma_start3A_319 = arith.constant 256 : i32
      %dma_start3A_320 = tpu.memref_slice %arg5[%dma_start3A_319] : memref<3200xi32, #tpu.memory_space<vmem>> -> memref<128xi32, #tpu.memory_space<vmem>>
      %dma_start3A_321 = arith.constant 0 : i32
      %dma_start3A_322 = arith.constant 0 : i32
      %dma_start3A_323 = tpu.memref_slice %arg3[%dma_start3A_321, %dma_start3A_322] : memref<1000001x20xf32, #tpu.memory_space<hbm>> -> memref<1000001x20xf32, #tpu.memory_space<hbm>>
      tpu.enqueue_indirect_dma source(%dma_start3A_323 : memref<1000001x20xf32, #tpu.memory_space<hbm>>) target(%dma_start3A_318 : memref<128x20xf32, #tpu.memory_space<vmem>>) offsets(%dma_start3A_320 : memref<128xi32, #tpu.memory_space<vmem>>) semaphore(%arg8 : memref<!tpu.dma_semaphore, #tpu.memory_space<semaphore_mem>>)
      %dma_start3A_324 = arith.constant 384 : i32
      %dma_start3A_325 = arith.constant 0 : i32
      %dma_start3A_326 = tpu.memref_slice %arg6[%dma_start3A_324, %dma_start3A_325] : memref<3200x20xf32, #tpu.memory_space<vmem>> -> memref<128x20xf32, #tpu.memory_space<vmem>>
      %dma_start3A_327 = arith.constant 384 : i32
      %dma_start3A_328 = tpu.memref_slice %arg5[%dma_start3A_327] : memref<3200xi32, #tpu.memory_space<vmem>> -> memref<128xi32, #tpu.memory_space<vmem>>
      %dma_start3A_329 = arith.constant 0 : i32
      %dma_start3A_330 = arith.constant 0 : i32
      %dma_start3A_331 = tpu.memref_slice %arg3[%dma_start3A_329, %dma_start3A_330] : memref<1000001x20xf32, #tpu.memory_space<hbm>> -> memref<1000001x20xf32, #tpu.memory_space<hbm>>
      tpu.enqueue_indirect_dma source(%dma_start3A_331 : memref<1000001x20xf32, #tpu.memory_space<hbm>>) target(%dma_start3A_326 : memref<128x20xf32, #tpu.memory_space<vmem>>) offsets(%dma_start3A_328 : memref<128xi32, #tpu.memory_space<vmem>>) semaphore(%arg8 : memref<!tpu.dma_semaphore, #tpu.memory_space<semaphore_mem>>)
      %dma_start3A_332 = arith.constant 512 : i32
      %dma_start3A_333 = arith.constant 0 : i32
      %dma_start3A_334 = tpu.memref_slice %arg6[%dma_start3A_332, %dma_start3A_333] : memref<3200x20xf32, #tpu.memory_space<vmem>> -> memref<128x20xf32, #tpu.memory_space<vmem>>
      %dma_start3A_335 = arith.constant 512 : i32
      %dma_start3A_336 = tpu.memref_slice %arg5[%dma_start3A_335] : memref<3200xi32, #tpu.memory_space<vmem>> -> memref<128xi32, #tpu.memory_space<vmem>>
      %dma_start3A_337 = arith.constant 0 : i32
      %dma_start3A_338 = arith.constant 0 : i32
      %dma_start3A_339 = tpu.memref_slice %arg3[%dma_start3A_337, %dma_start3A_338] : memref<1000001x20xf32, #tpu.memory_space<hbm>> -> memref<1000001x20xf32, #tpu.memory_space<hbm>>
      tpu.enqueue_indirect_dma source(%dma_start3A_339 : memref<1000001x20xf32, #tpu.memory_space<hbm>>) target(%dma_start3A_334 : memref<128x20xf32, #tpu.memory_space<vmem>>) offsets(%dma_start3A_336 : memref<128xi32, #tpu.memory_space<vmem>>) semaphore(%arg8 : memref<!tpu.dma_semaphore, #tpu.memory_space<semaphore_mem>>)
      %dma_start3A_340 = arith.constant 640 : i32
      %dma_start3A_341 = arith.constant 0 : i32
      %dma_start3A_342 = tpu.memref_slice %arg6[%dma_start3A_340, %dma_start3A_341] : memref<3200x20xf32, #tpu.memory_space<vmem>> -> memref<128x20xf32, #tpu.memory_space<vmem>>
      %dma_start3A_343 = arith.constant 640 : i32
      %dma_start3A_344 = tpu.memref_slice %arg5[%dma_start3A_343] : memref<3200xi32, #tpu.memory_space<vmem>> -> memref<128xi32, #tpu.memory_space<vmem>>
      %dma_start3A_345 = arith.constant 0 : i32
      %dma_start3A_346 = arith.constant 0 : i32
      %dma_start3A_347 = tpu.memref_slice %arg3[%dma_start3A_345, %dma_start3A_346] : memref<1000001x20xf32, #tpu.memory_space<hbm>> -> memref<1000001x20xf32, #tpu.memory_space<hbm>>
      tpu.enqueue_indirect_dma source(%dma_start3A_347 : memref<1000001x20xf32, #tpu.memory_space<hbm>>) target(%dma_start3A_342 : memref<128x20xf32, #tpu.memory_space<vmem>>) offsets(%dma_start3A_344 : memref<128xi32, #tpu.memory_space<vmem>>) semaphore(%arg8 : memref<!tpu.dma_semaphore, #tpu.memory_space<semaphore_mem>>)
      %dma_start3A_348 = arith.constant 768 : i32
      %dma_start3A_349 = arith.constant 0 : i32
      %dma_start3A_350 = tpu.memref_slice %arg6[%dma_start3A_348, %dma_start3A_349] : memref<3200x20xf32, #tpu.memory_space<vmem>> -> memref<128x20xf32, #tpu.memory_space<vmem>>
      %dma_start3A_351 = arith.constant 768 : i32
      %dma_start3A_352 = tpu.memref_slice %arg5[%dma_start3A_351] : memref<3200xi32, #tpu.memory_space<vmem>> -> memref<128xi32, #tpu.memory_space<vmem>>
      %dma_start3A_353 = arith.constant 0 : i32
      %dma_start3A_354 = arith.constant 0 : i32
      %dma_start3A_355 = tpu.memref_slice %arg3[%dma_start3A_353, %dma_start3A_354] : memref<1000001x20xf32, #tpu.memory_space<hbm>> -> memref<1000001x20xf32, #tpu.memory_space<hbm>>
      tpu.enqueue_indirect_dma source(%dma_start3A_355 : memref<1000001x20xf32, #tpu.memory_space<hbm>>) target(%dma_start3A_350 : memref<128x20xf32, #tpu.memory_space<vmem>>) offsets(%dma_start3A_352 : memref<128xi32, #tpu.memory_space<vmem>>) semaphore(%arg8 : memref<!tpu.dma_semaphore, #tpu.memory_space<semaphore_mem>>)
      %dma_start3A_356 = arith.constant 896 : i32
      %dma_start3A_357 = arith.constant 0 : i32
      %dma_start3A_358 = tpu.memref_slice %arg6[%dma_start3A_356, %dma_start3A_357] : memref<3200x20xf32, #tpu.memory_space<vmem>> -> memref<128x20xf32, #tpu.memory_space<vmem>>
      %dma_start3A_359 = arith.constant 896 : i32
      %dma_start3A_360 = tpu.memref_slice %arg5[%dma_start3A_359] : memref<3200xi32, #tpu.memory_space<vmem>> -> memref<128xi32, #tpu.memory_space<vmem>>
      %dma_start3A_361 = arith.constant 0 : i32
      %dma_start3A_362 = arith.constant 0 : i32
      %dma_start3A_363 = tpu.memref_slice %arg3[%dma_start3A_361, %dma_start3A_362] : memref<1000001x20xf32, #tpu.memory_space<hbm>> -> memref<1000001x20xf32, #tpu.memory_space<hbm>>
      tpu.enqueue_indirect_dma source(%dma_start3A_363 : memref<1000001x20xf32, #tpu.memory_space<hbm>>) target(%dma_start3A_358 : memref<128x20xf32, #tpu.memory_space<vmem>>) offsets(%dma_start3A_360 : memref<128xi32, #tpu.memory_space<vmem>>) semaphore(%arg8 : memref<!tpu.dma_semaphore, #tpu.memory_space<semaphore_mem>>)
      %dma_start3A_364 = arith.constant 1024 : i32
      %dma_start3A_365 = arith.constant 0 : i32
      %dma_start3A_366 = tpu.memref_slice %arg6[%dma_start3A_364, %dma_start3A_365] : memref<3200x20xf32, #tpu.memory_space<vmem>> -> memref<128x20xf32, #tpu.memory_space<vmem>>
      %dma_start3A_367 = arith.constant 1024 : i32
      %dma_start3A_368 = tpu.memref_slice %arg5[%dma_start3A_367] : memref<3200xi32, #tpu.memory_space<vmem>> -> memref<128xi32, #tpu.memory_space<vmem>>
      %dma_start3A_369 = arith.constant 0 : i32
      %dma_start3A_370 = arith.constant 0 : i32
      %dma_start3A_371 = tpu.memref_slice %arg3[%dma_start3A_369, %dma_start3A_370] : memref<1000001x20xf32, #tpu.memory_space<hbm>> -> memref<1000001x20xf32, #tpu.memory_space<hbm>>
      tpu.enqueue_indirect_dma source(%dma_start3A_371 : memref<1000001x20xf32, #tpu.memory_space<hbm>>) target(%dma_start3A_366 : memref<128x20xf32, #tpu.memory_space<vmem>>) offsets(%dma_start3A_368 : memref<128xi32, #tpu.memory_space<vmem>>) semaphore(%arg8 : memref<!tpu.dma_semaphore, #tpu.memory_space<semaphore_mem>>)
      %dma_start3A_372 = arith.constant 1152 : i32
      %dma_start3A_373 = arith.constant 0 : i32
      %dma_start3A_374 = tpu.memref_slice %arg6[%dma_start3A_372, %dma_start3A_373] : memref<3200x20xf32, #tpu.memory_space<vmem>> -> memref<128x20xf32, #tpu.memory_space<vmem>>
      %dma_start3A_375 = arith.constant 1152 : i32
      %dma_start3A_376 = tpu.memref_slice %arg5[%dma_start3A_375] : memref<3200xi32, #tpu.memory_space<vmem>> -> memref<128xi32, #tpu.memory_space<vmem>>
      %dma_start3A_377 = arith.constant 0 : i32
      %dma_start3A_378 = arith.constant 0 : i32
      %dma_start3A_379 = tpu.memref_slice %arg3[%dma_start3A_377, %dma_start3A_378] : memref<1000001x20xf32, #tpu.memory_space<hbm>> -> memref<1000001x20xf32, #tpu.memory_space<hbm>>
      tpu.enqueue_indirect_dma source(%dma_start3A_379 : memref<1000001x20xf32, #tpu.memory_space<hbm>>) target(%dma_start3A_374 : memref<128x20xf32, #tpu.memory_space<vmem>>) offsets(%dma_start3A_376 : memref<128xi32, #tpu.memory_space<vmem>>) semaphore(%arg8 : memref<!tpu.dma_semaphore, #tpu.memory_space<semaphore_mem>>)
      %dma_start3A_380 = arith.constant 1280 : i32
      %dma_start3A_381 = arith.constant 0 : i32
      %dma_start3A_382 = tpu.memref_slice %arg6[%dma_start3A_380, %dma_start3A_381] : memref<3200x20xf32, #tpu.memory_space<vmem>> -> memref<128x20xf32, #tpu.memory_space<vmem>>
      %dma_start3A_383 = arith.constant 1280 : i32
      %dma_start3A_384 = tpu.memref_slice %arg5[%dma_start3A_383] : memref<3200xi32, #tpu.memory_space<vmem>> -> memref<128xi32, #tpu.memory_space<vmem>>
      %dma_start3A_385 = arith.constant 0 : i32
      %dma_start3A_386 = arith.constant 0 : i32
      %dma_start3A_387 = tpu.memref_slice %arg3[%dma_start3A_385, %dma_start3A_386] : memref<1000001x20xf32, #tpu.memory_space<hbm>> -> memref<1000001x20xf32, #tpu.memory_space<hbm>>
      tpu.enqueue_indirect_dma source(%dma_start3A_387 : memref<1000001x20xf32, #tpu.memory_space<hbm>>) target(%dma_start3A_382 : memref<128x20xf32, #tpu.memory_space<vmem>>) offsets(%dma_start3A_384 : memref<128xi32, #tpu.memory_space<vmem>>) semaphore(%arg8 : memref<!tpu.dma_semaphore, #tpu.memory_space<semaphore_mem>>)
      %dma_start3A_388 = arith.constant 1408 : i32
      %dma_start3A_389 = arith.constant 0 : i32
      %dma_start3A_390 = tpu.memref_slice %arg6[%dma_start3A_388, %dma_start3A_389] : memref<3200x20xf32, #tpu.memory_space<vmem>> -> memref<128x20xf32, #tpu.memory_space<vmem>>
      %dma_start3A_391 = arith.constant 1408 : i32
      %dma_start3A_392 = tpu.memref_slice %arg5[%dma_start3A_391] : memref<3200xi32, #tpu.memory_space<vmem>> -> memref<128xi32, #tpu.memory_space<vmem>>
      %dma_start3A_393 = arith.constant 0 : i32
      %dma_start3A_394 = arith.constant 0 : i32
      %dma_start3A_395 = tpu.memref_slice %arg3[%dma_start3A_393, %dma_start3A_394] : memref<1000001x20xf32, #tpu.memory_space<hbm>> -> memref<1000001x20xf32, #tpu.memory_space<hbm>>
      tpu.enqueue_indirect_dma source(%dma_start3A_395 : memref<1000001x20xf32, #tpu.memory_space<hbm>>) target(%dma_start3A_390 : memref<128x20xf32, #tpu.memory_space<vmem>>) offsets(%dma_start3A_392 : memref<128xi32, #tpu.memory_space<vmem>>) semaphore(%arg8 : memref<!tpu.dma_semaphore, #tpu.memory_space<semaphore_mem>>)
      %dma_start3A_396 = arith.constant 1536 : i32
      %dma_start3A_397 = arith.constant 0 : i32
      %dma_start3A_398 = tpu.memref_slice %arg6[%dma_start3A_396, %dma_start3A_397] : memref<3200x20xf32, #tpu.memory_space<vmem>> -> memref<128x20xf32, #tpu.memory_space<vmem>>
      %dma_start3A_399 = arith.constant 1536 : i32
      %dma_start3A_400 = tpu.memref_slice %arg5[%dma_start3A_399] : memref<3200xi32, #tpu.memory_space<vmem>> -> memref<128xi32, #tpu.memory_space<vmem>>
      %dma_start3A_401 = arith.constant 0 : i32
      %dma_start3A_402 = arith.constant 0 : i32
      %dma_start3A_403 = tpu.memref_slice %arg3[%dma_start3A_401, %dma_start3A_402] : memref<1000001x20xf32, #tpu.memory_space<hbm>> -> memref<1000001x20xf32, #tpu.memory_space<hbm>>
      tpu.enqueue_indirect_dma source(%dma_start3A_403 : memref<1000001x20xf32, #tpu.memory_space<hbm>>) target(%dma_start3A_398 : memref<128x20xf32, #tpu.memory_space<vmem>>) offsets(%dma_start3A_400 : memref<128xi32, #tpu.memory_space<vmem>>) semaphore(%arg8 : memref<!tpu.dma_semaphore, #tpu.memory_space<semaphore_mem>>)
      %dma_start3A_404 = arith.constant 1664 : i32
      %dma_start3A_405 = arith.constant 0 : i32
      %dma_start3A_406 = tpu.memref_slice %arg6[%dma_start3A_404, %dma_start3A_405] : memref<3200x20xf32, #tpu.memory_space<vmem>> -> memref<128x20xf32, #tpu.memory_space<vmem>>
      %dma_start3A_407 = arith.constant 1664 : i32
      %dma_start3A_408 = tpu.memref_slice %arg5[%dma_start3A_407] : memref<3200xi32, #tpu.memory_space<vmem>> -> memref<128xi32, #tpu.memory_space<vmem>>
      %dma_start3A_409 = arith.constant 0 : i32
      %dma_start3A_410 = arith.constant 0 : i32
      %dma_start3A_411 = tpu.memref_slice %arg3[%dma_start3A_409, %dma_start3A_410] : memref<1000001x20xf32, #tpu.memory_space<hbm>> -> memref<1000001x20xf32, #tpu.memory_space<hbm>>
      tpu.enqueue_indirect_dma source(%dma_start3A_411 : memref<1000001x20xf32, #tpu.memory_space<hbm>>) target(%dma_start3A_406 : memref<128x20xf32, #tpu.memory_space<vmem>>) offsets(%dma_start3A_408 : memref<128xi32, #tpu.memory_space<vmem>>) semaphore(%arg8 : memref<!tpu.dma_semaphore, #tpu.memory_space<semaphore_mem>>)
      %dma_start3A_412 = arith.constant 1792 : i32
      %dma_start3A_413 = arith.constant 0 : i32
      %dma_start3A_414 = tpu.memref_slice %arg6[%dma_start3A_412, %dma_start3A_413] : memref<3200x20xf32, #tpu.memory_space<vmem>> -> memref<128x20xf32, #tpu.memory_space<vmem>>
      %dma_start3A_415 = arith.constant 1792 : i32
      %dma_start3A_416 = tpu.memref_slice %arg5[%dma_start3A_415] : memref<3200xi32, #tpu.memory_space<vmem>> -> memref<128xi32, #tpu.memory_space<vmem>>
      %dma_start3A_417 = arith.constant 0 : i32
      %dma_start3A_418 = arith.constant 0 : i32
      %dma_start3A_419 = tpu.memref_slice %arg3[%dma_start3A_417, %dma_start3A_418] : memref<1000001x20xf32, #tpu.memory_space<hbm>> -> memref<1000001x20xf32, #tpu.memory_space<hbm>>
      tpu.enqueue_indirect_dma source(%dma_start3A_419 : memref<1000001x20xf32, #tpu.memory_space<hbm>>) target(%dma_start3A_414 : memref<128x20xf32, #tpu.memory_space<vmem>>) offsets(%dma_start3A_416 : memref<128xi32, #tpu.memory_space<vmem>>) semaphore(%arg8 : memref<!tpu.dma_semaphore, #tpu.memory_space<semaphore_mem>>)
      %dma_start3A_420 = arith.constant 1920 : i32
      %dma_start3A_421 = arith.constant 0 : i32
      %dma_start3A_422 = tpu.memref_slice %arg6[%dma_start3A_420, %dma_start3A_421] : memref<3200x20xf32, #tpu.memory_space<vmem>> -> memref<128x20xf32, #tpu.memory_space<vmem>>
      %dma_start3A_423 = arith.constant 1920 : i32
      %dma_start3A_424 = tpu.memref_slice %arg5[%dma_start3A_423] : memref<3200xi32, #tpu.memory_space<vmem>> -> memref<128xi32, #tpu.memory_space<vmem>>
      %dma_start3A_425 = arith.constant 0 : i32
      %dma_start3A_426 = arith.constant 0 : i32
      %dma_start3A_427 = tpu.memref_slice %arg3[%dma_start3A_425, %dma_start3A_426] : memref<1000001x20xf32, #tpu.memory_space<hbm>> -> memref<1000001x20xf32, #tpu.memory_space<hbm>>
      tpu.enqueue_indirect_dma source(%dma_start3A_427 : memref<1000001x20xf32, #tpu.memory_space<hbm>>) target(%dma_start3A_422 : memref<128x20xf32, #tpu.memory_space<vmem>>) offsets(%dma_start3A_424 : memref<128xi32, #tpu.memory_space<vmem>>) semaphore(%arg8 : memref<!tpu.dma_semaphore, #tpu.memory_space<semaphore_mem>>)
      %dma_start3A_428 = arith.constant 2048 : i32
      %dma_start3A_429 = arith.constant 0 : i32
      %dma_start3A_430 = tpu.memref_slice %arg6[%dma_start3A_428, %dma_start3A_429] : memref<3200x20xf32, #tpu.memory_space<vmem>> -> memref<128x20xf32, #tpu.memory_space<vmem>>
      %dma_start3A_431 = arith.constant 2048 : i32
      %dma_start3A_432 = tpu.memref_slice %arg5[%dma_start3A_431] : memref<3200xi32, #tpu.memory_space<vmem>> -> memref<128xi32, #tpu.memory_space<vmem>>
      %dma_start3A_433 = arith.constant 0 : i32
      %dma_start3A_434 = arith.constant 0 : i32
      %dma_start3A_435 = tpu.memref_slice %arg3[%dma_start3A_433, %dma_start3A_434] : memref<1000001x20xf32, #tpu.memory_space<hbm>> -> memref<1000001x20xf32, #tpu.memory_space<hbm>>
      tpu.enqueue_indirect_dma source(%dma_start3A_435 : memref<1000001x20xf32, #tpu.memory_space<hbm>>) target(%dma_start3A_430 : memref<128x20xf32, #tpu.memory_space<vmem>>) offsets(%dma_start3A_432 : memref<128xi32, #tpu.memory_space<vmem>>) semaphore(%arg8 : memref<!tpu.dma_semaphore, #tpu.memory_space<semaphore_mem>>)
      %dma_start3A_436 = arith.constant 2176 : i32
      %dma_start3A_437 = arith.constant 0 : i32
      %dma_start3A_438 = tpu.memref_slice %arg6[%dma_start3A_436, %dma_start3A_437] : memref<3200x20xf32, #tpu.memory_space<vmem>> -> memref<128x20xf32, #tpu.memory_space<vmem>>
      %dma_start3A_439 = arith.constant 2176 : i32
      %dma_start3A_440 = tpu.memref_slice %arg5[%dma_start3A_439] : memref<3200xi32, #tpu.memory_space<vmem>> -> memref<128xi32, #tpu.memory_space<vmem>>
      %dma_start3A_441 = arith.constant 0 : i32
      %dma_start3A_442 = arith.constant 0 : i32
      %dma_start3A_443 = tpu.memref_slice %arg3[%dma_start3A_441, %dma_start3A_442] : memref<1000001x20xf32, #tpu.memory_space<hbm>> -> memref<1000001x20xf32, #tpu.memory_space<hbm>>
      tpu.enqueue_indirect_dma source(%dma_start3A_443 : memref<1000001x20xf32, #tpu.memory_space<hbm>>) target(%dma_start3A_438 : memref<128x20xf32, #tpu.memory_space<vmem>>) offsets(%dma_start3A_440 : memref<128xi32, #tpu.memory_space<vmem>>) semaphore(%arg8 : memref<!tpu.dma_semaphore, #tpu.memory_space<semaphore_mem>>)
      %dma_start3A_444 = arith.constant 2304 : i32
      %dma_start3A_445 = arith.constant 0 : i32
      %dma_start3A_446 = tpu.memref_slice %arg6[%dma_start3A_444, %dma_start3A_445] : memref<3200x20xf32, #tpu.memory_space<vmem>> -> memref<128x20xf32, #tpu.memory_space<vmem>>
      %dma_start3A_447 = arith.constant 2304 : i32
      %dma_start3A_448 = tpu.memref_slice %arg5[%dma_start3A_447] : memref<3200xi32, #tpu.memory_space<vmem>> -> memref<128xi32, #tpu.memory_space<vmem>>
      %dma_start3A_449 = arith.constant 0 : i32
      %dma_start3A_450 = arith.constant 0 : i32
      %dma_start3A_451 = tpu.memref_slice %arg3[%dma_start3A_449, %dma_start3A_450] : memref<1000001x20xf32, #tpu.memory_space<hbm>> -> memref<1000001x20xf32, #tpu.memory_space<hbm>>
      tpu.enqueue_indirect_dma source(%dma_start3A_451 : memref<1000001x20xf32, #tpu.memory_space<hbm>>) target(%dma_start3A_446 : memref<128x20xf32, #tpu.memory_space<vmem>>) offsets(%dma_start3A_448 : memref<128xi32, #tpu.memory_space<vmem>>) semaphore(%arg8 : memref<!tpu.dma_semaphore, #tpu.memory_space<semaphore_mem>>)
      %dma_start3A_452 = arith.constant 2432 : i32
      %dma_start3A_453 = arith.constant 0 : i32
      %dma_start3A_454 = tpu.memref_slice %arg6[%dma_start3A_452, %dma_start3A_453] : memref<3200x20xf32, #tpu.memory_space<vmem>> -> memref<128x20xf32, #tpu.memory_space<vmem>>
      %dma_start3A_455 = arith.constant 2432 : i32
      %dma_start3A_456 = tpu.memref_slice %arg5[%dma_start3A_455] : memref<3200xi32, #tpu.memory_space<vmem>> -> memref<128xi32, #tpu.memory_space<vmem>>
      %dma_start3A_457 = arith.constant 0 : i32
      %dma_start3A_458 = arith.constant 0 : i32
      %dma_start3A_459 = tpu.memref_slice %arg3[%dma_start3A_457, %dma_start3A_458] : memref<1000001x20xf32, #tpu.memory_space<hbm>> -> memref<1000001x20xf32, #tpu.memory_space<hbm>>
      tpu.enqueue_indirect_dma source(%dma_start3A_459 : memref<1000001x20xf32, #tpu.memory_space<hbm>>) target(%dma_start3A_454 : memref<128x20xf32, #tpu.memory_space<vmem>>) offsets(%dma_start3A_456 : memref<128xi32, #tpu.memory_space<vmem>>) semaphore(%arg8 : memref<!tpu.dma_semaphore, #tpu.memory_space<semaphore_mem>>)
      %dma_start3A_460 = arith.constant 2560 : i32
      %dma_start3A_461 = arith.constant 0 : i32
      %dma_start3A_462 = tpu.memref_slice %arg6[%dma_start3A_460, %dma_start3A_461] : memref<3200x20xf32, #tpu.memory_space<vmem>> -> memref<128x20xf32, #tpu.memory_space<vmem>>
      %dma_start3A_463 = arith.constant 2560 : i32
      %dma_start3A_464 = tpu.memref_slice %arg5[%dma_start3A_463] : memref<3200xi32, #tpu.memory_space<vmem>> -> memref<128xi32, #tpu.memory_space<vmem>>
      %dma_start3A_465 = arith.constant 0 : i32
      %dma_start3A_466 = arith.constant 0 : i32
      %dma_start3A_467 = tpu.memref_slice %arg3[%dma_start3A_465, %dma_start3A_466] : memref<1000001x20xf32, #tpu.memory_space<hbm>> -> memref<1000001x20xf32, #tpu.memory_space<hbm>>
      tpu.enqueue_indirect_dma source(%dma_start3A_467 : memref<1000001x20xf32, #tpu.memory_space<hbm>>) target(%dma_start3A_462 : memref<128x20xf32, #tpu.memory_space<vmem>>) offsets(%dma_start3A_464 : memref<128xi32, #tpu.memory_space<vmem>>) semaphore(%arg8 : memref<!tpu.dma_semaphore, #tpu.memory_space<semaphore_mem>>)
      %dma_start3A_468 = arith.constant 2688 : i32
      %dma_start3A_469 = arith.constant 0 : i32
      %dma_start3A_470 = tpu.memref_slice %arg6[%dma_start3A_468, %dma_start3A_469] : memref<3200x20xf32, #tpu.memory_space<vmem>> -> memref<128x20xf32, #tpu.memory_space<vmem>>
      %dma_start3A_471 = arith.constant 2688 : i32
      %dma_start3A_472 = tpu.memref_slice %arg5[%dma_start3A_471] : memref<3200xi32, #tpu.memory_space<vmem>> -> memref<128xi32, #tpu.memory_space<vmem>>
      %dma_start3A_473 = arith.constant 0 : i32
      %dma_start3A_474 = arith.constant 0 : i32
      %dma_start3A_475 = tpu.memref_slice %arg3[%dma_start3A_473, %dma_start3A_474] : memref<1000001x20xf32, #tpu.memory_space<hbm>> -> memref<1000001x20xf32, #tpu.memory_space<hbm>>
      tpu.enqueue_indirect_dma source(%dma_start3A_475 : memref<1000001x20xf32, #tpu.memory_space<hbm>>) target(%dma_start3A_470 : memref<128x20xf32, #tpu.memory_space<vmem>>) offsets(%dma_start3A_472 : memref<128xi32, #tpu.memory_space<vmem>>) semaphore(%arg8 : memref<!tpu.dma_semaphore, #tpu.memory_space<semaphore_mem>>)
      %dma_start3A_476 = arith.constant 2816 : i32
      %dma_start3A_477 = arith.constant 0 : i32
      %dma_start3A_478 = tpu.memref_slice %arg6[%dma_start3A_476, %dma_start3A_477] : memref<3200x20xf32, #tpu.memory_space<vmem>> -> memref<128x20xf32, #tpu.memory_space<vmem>>
      %dma_start3A_479 = arith.constant 2816 : i32
      %dma_start3A_480 = tpu.memref_slice %arg5[%dma_start3A_479] : memref<3200xi32, #tpu.memory_space<vmem>> -> memref<128xi32, #tpu.memory_space<vmem>>
      %dma_start3A_481 = arith.constant 0 : i32
      %dma_start3A_482 = arith.constant 0 : i32
      %dma_start3A_483 = tpu.memref_slice %arg3[%dma_start3A_481, %dma_start3A_482] : memref<1000001x20xf32, #tpu.memory_space<hbm>> -> memref<1000001x20xf32, #tpu.memory_space<hbm>>
      tpu.enqueue_indirect_dma source(%dma_start3A_483 : memref<1000001x20xf32, #tpu.memory_space<hbm>>) target(%dma_start3A_478 : memref<128x20xf32, #tpu.memory_space<vmem>>) offsets(%dma_start3A_480 : memref<128xi32, #tpu.memory_space<vmem>>) semaphore(%arg8 : memref<!tpu.dma_semaphore, #tpu.memory_space<semaphore_mem>>)
      %dma_start3A_484 = arith.constant 2944 : i32
      %dma_start3A_485 = arith.constant 0 : i32
      %dma_start3A_486 = tpu.memref_slice %arg6[%dma_start3A_484, %dma_start3A_485] : memref<3200x20xf32, #tpu.memory_space<vmem>> -> memref<128x20xf32, #tpu.memory_space<vmem>>
      %dma_start3A_487 = arith.constant 2944 : i32
      %dma_start3A_488 = tpu.memref_slice %arg5[%dma_start3A_487] : memref<3200xi32, #tpu.memory_space<vmem>> -> memref<128xi32, #tpu.memory_space<vmem>>
      %dma_start3A_489 = arith.constant 0 : i32
      %dma_start3A_490 = arith.constant 0 : i32
      %dma_start3A_491 = tpu.memref_slice %arg3[%dma_start3A_489, %dma_start3A_490] : memref<1000001x20xf32, #tpu.memory_space<hbm>> -> memref<1000001x20xf32, #tpu.memory_space<hbm>>
      tpu.enqueue_indirect_dma source(%dma_start3A_491 : memref<1000001x20xf32, #tpu.memory_space<hbm>>) target(%dma_start3A_486 : memref<128x20xf32, #tpu.memory_space<vmem>>) offsets(%dma_start3A_488 : memref<128xi32, #tpu.memory_space<vmem>>) semaphore(%arg8 : memref<!tpu.dma_semaphore, #tpu.memory_space<semaphore_mem>>)
      %dma_start3A_492 = arith.constant 3072 : i32
      %dma_start3A_493 = arith.constant 0 : i32
      %dma_start3A_494 = tpu.memref_slice %arg6[%dma_start3A_492, %dma_start3A_493] : memref<3200x20xf32, #tpu.memory_space<vmem>> -> memref<128x20xf32, #tpu.memory_space<vmem>>
      %dma_start3A_495 = arith.constant 3072 : i32
      %dma_start3A_496 = tpu.memref_slice %arg5[%dma_start3A_495] : memref<3200xi32, #tpu.memory_space<vmem>> -> memref<128xi32, #tpu.memory_space<vmem>>
      %dma_start3A_497 = arith.constant 0 : i32
      %dma_start3A_498 = arith.constant 0 : i32
      %dma_start3A_499 = tpu.memref_slice %arg3[%dma_start3A_497, %dma_start3A_498] : memref<1000001x20xf32, #tpu.memory_space<hbm>> -> memref<1000001x20xf32, #tpu.memory_space<hbm>>
      tpu.enqueue_indirect_dma source(%dma_start3A_499 : memref<1000001x20xf32, #tpu.memory_space<hbm>>) target(%dma_start3A_494 : memref<128x20xf32, #tpu.memory_space<vmem>>) offsets(%dma_start3A_496 : memref<128xi32, #tpu.memory_space<vmem>>) semaphore(%arg8 : memref<!tpu.dma_semaphore, #tpu.memory_space<semaphore_mem>>)
      %dma_wait3A = arith.constant 0 : i32
      %dma_wait3A_500 = arith.constant 0 : i32
      %dma_wait3A_501 = tpu.memref_slice %arg6[%dma_wait3A, %dma_wait3A_500] : memref<3200x20xf32, #tpu.memory_space<vmem>> -> memref<128x20xf32, #tpu.memory_space<vmem>>
      %dma_wait3A_502 = arith.constant 0 : i32
      %dma_wait3A_503 = tpu.memref_slice %arg5[%dma_wait3A_502] : memref<3200xi32, #tpu.memory_space<vmem>> -> memref<128xi32, #tpu.memory_space<vmem>>
      %dma_wait3A_504 = arith.constant 0 : i32
      %dma_wait3A_505 = arith.constant 0 : i32
      %dma_wait3A_506 = tpu.memref_slice %arg3[%dma_wait3A_504, %dma_wait3A_505] : memref<1000001x20xf32, #tpu.memory_space<hbm>> -> memref<1000001x20xf32, #tpu.memory_space<hbm>>
      tpu.wait_indirect_dma semaphore(%arg8 : memref<!tpu.dma_semaphore, #tpu.memory_space<semaphore_mem>>) src(%dma_wait3A_506 : memref<1000001x20xf32, #tpu.memory_space<hbm>>) dst(%dma_wait3A_501 : memref<128x20xf32, #tpu.memory_space<vmem>>)
      %dma_wait3A_507 = arith.constant 128 : i32
      %dma_wait3A_508 = arith.constant 0 : i32
      %dma_wait3A_509 = tpu.memref_slice %arg6[%dma_wait3A_507, %dma_wait3A_508] : memref<3200x20xf32, #tpu.memory_space<vmem>> -> memref<128x20xf32, #tpu.memory_space<vmem>>
      %dma_wait3A_510 = arith.constant 128 : i32
      %dma_wait3A_511 = tpu.memref_slice %arg5[%dma_wait3A_510] : memref<3200xi32, #tpu.memory_space<vmem>> -> memref<128xi32, #tpu.memory_space<vmem>>
      %dma_wait3A_512 = arith.constant 0 : i32
      %dma_wait3A_513 = arith.constant 0 : i32
      %dma_wait3A_514 = tpu.memref_slice %arg3[%dma_wait3A_512, %dma_wait3A_513] : memref<1000001x20xf32, #tpu.memory_space<hbm>> -> memref<1000001x20xf32, #tpu.memory_space<hbm>>
      tpu.wait_indirect_dma semaphore(%arg8 : memref<!tpu.dma_semaphore, #tpu.memory_space<semaphore_mem>>) src(%dma_wait3A_514 : memref<1000001x20xf32, #tpu.memory_space<hbm>>) dst(%dma_wait3A_509 : memref<128x20xf32, #tpu.memory_space<vmem>>)
      %dma_wait3A_515 = arith.constant 256 : i32
      %dma_wait3A_516 = arith.constant 0 : i32
      %dma_wait3A_517 = tpu.memref_slice %arg6[%dma_wait3A_515, %dma_wait3A_516] : memref<3200x20xf32, #tpu.memory_space<vmem>> -> memref<128x20xf32, #tpu.memory_space<vmem>>
      %dma_wait3A_518 = arith.constant 256 : i32
      %dma_wait3A_519 = tpu.memref_slice %arg5[%dma_wait3A_518] : memref<3200xi32, #tpu.memory_space<vmem>> -> memref<128xi32, #tpu.memory_space<vmem>>
      %dma_wait3A_520 = arith.constant 0 : i32
      %dma_wait3A_521 = arith.constant 0 : i32
      %dma_wait3A_522 = tpu.memref_slice %arg3[%dma_wait3A_520, %dma_wait3A_521] : memref<1000001x20xf32, #tpu.memory_space<hbm>> -> memref<1000001x20xf32, #tpu.memory_space<hbm>>
      tpu.wait_indirect_dma semaphore(%arg8 : memref<!tpu.dma_semaphore, #tpu.memory_space<semaphore_mem>>) src(%dma_wait3A_522 : memref<1000001x20xf32, #tpu.memory_space<hbm>>) dst(%dma_wait3A_517 : memref<128x20xf32, #tpu.memory_space<vmem>>)
      %dma_wait3A_523 = arith.constant 384 : i32
      %dma_wait3A_524 = arith.constant 0 : i32
      %dma_wait3A_525 = tpu.memref_slice %arg6[%dma_wait3A_523, %dma_wait3A_524] : memref<3200x20xf32, #tpu.memory_space<vmem>> -> memref<128x20xf32, #tpu.memory_space<vmem>>
      %dma_wait3A_526 = arith.constant 384 : i32
      %dma_wait3A_527 = tpu.memref_slice %arg5[%dma_wait3A_526] : memref<3200xi32, #tpu.memory_space<vmem>> -> memref<128xi32, #tpu.memory_space<vmem>>
      %dma_wait3A_528 = arith.constant 0 : i32
      %dma_wait3A_529 = arith.constant 0 : i32
      %dma_wait3A_530 = tpu.memref_slice %arg3[%dma_wait3A_528, %dma_wait3A_529] : memref<1000001x20xf32, #tpu.memory_space<hbm>> -> memref<1000001x20xf32, #tpu.memory_space<hbm>>
      tpu.wait_indirect_dma semaphore(%arg8 : memref<!tpu.dma_semaphore, #tpu.memory_space<semaphore_mem>>) src(%dma_wait3A_530 : memref<1000001x20xf32, #tpu.memory_space<hbm>>) dst(%dma_wait3A_525 : memref<128x20xf32, #tpu.memory_space<vmem>>)
      %dma_wait3A_531 = arith.constant 512 : i32
      %dma_wait3A_532 = arith.constant 0 : i32
      %dma_wait3A_533 = tpu.memref_slice %arg6[%dma_wait3A_531, %dma_wait3A_532] : memref<3200x20xf32, #tpu.memory_space<vmem>> -> memref<128x20xf32, #tpu.memory_space<vmem>>
      %dma_wait3A_534 = arith.constant 512 : i32
      %dma_wait3A_535 = tpu.memref_slice %arg5[%dma_wait3A_534] : memref<3200xi32, #tpu.memory_space<vmem>> -> memref<128xi32, #tpu.memory_space<vmem>>
      %dma_wait3A_536 = arith.constant 0 : i32
      %dma_wait3A_537 = arith.constant 0 : i32
      %dma_wait3A_538 = tpu.memref_slice %arg3[%dma_wait3A_536, %dma_wait3A_537] : memref<1000001x20xf32, #tpu.memory_space<hbm>> -> memref<1000001x20xf32, #tpu.memory_space<hbm>>
      tpu.wait_indirect_dma semaphore(%arg8 : memref<!tpu.dma_semaphore, #tpu.memory_space<semaphore_mem>>) src(%dma_wait3A_538 : memref<1000001x20xf32, #tpu.memory_space<hbm>>) dst(%dma_wait3A_533 : memref<128x20xf32, #tpu.memory_space<vmem>>)
      %dma_wait3A_539 = arith.constant 640 : i32
      %dma_wait3A_540 = arith.constant 0 : i32
      %dma_wait3A_541 = tpu.memref_slice %arg6[%dma_wait3A_539, %dma_wait3A_540] : memref<3200x20xf32, #tpu.memory_space<vmem>> -> memref<128x20xf32, #tpu.memory_space<vmem>>
      %dma_wait3A_542 = arith.constant 640 : i32
      %dma_wait3A_543 = tpu.memref_slice %arg5[%dma_wait3A_542] : memref<3200xi32, #tpu.memory_space<vmem>> -> memref<128xi32, #tpu.memory_space<vmem>>
      %dma_wait3A_544 = arith.constant 0 : i32
      %dma_wait3A_545 = arith.constant 0 : i32
      %dma_wait3A_546 = tpu.memref_slice %arg3[%dma_wait3A_544, %dma_wait3A_545] : memref<1000001x20xf32, #tpu.memory_space<hbm>> -> memref<1000001x20xf32, #tpu.memory_space<hbm>>
      tpu.wait_indirect_dma semaphore(%arg8 : memref<!tpu.dma_semaphore, #tpu.memory_space<semaphore_mem>>) src(%dma_wait3A_546 : memref<1000001x20xf32, #tpu.memory_space<hbm>>) dst(%dma_wait3A_541 : memref<128x20xf32, #tpu.memory_space<vmem>>)
      %dma_wait3A_547 = arith.constant 768 : i32
      %dma_wait3A_548 = arith.constant 0 : i32
      %dma_wait3A_549 = tpu.memref_slice %arg6[%dma_wait3A_547, %dma_wait3A_548] : memref<3200x20xf32, #tpu.memory_space<vmem>> -> memref<128x20xf32, #tpu.memory_space<vmem>>
      %dma_wait3A_550 = arith.constant 768 : i32
      %dma_wait3A_551 = tpu.memref_slice %arg5[%dma_wait3A_550] : memref<3200xi32, #tpu.memory_space<vmem>> -> memref<128xi32, #tpu.memory_space<vmem>>
      %dma_wait3A_552 = arith.constant 0 : i32
      %dma_wait3A_553 = arith.constant 0 : i32
      %dma_wait3A_554 = tpu.memref_slice %arg3[%dma_wait3A_552, %dma_wait3A_553] : memref<1000001x20xf32, #tpu.memory_space<hbm>> -> memref<1000001x20xf32, #tpu.memory_space<hbm>>
      tpu.wait_indirect_dma semaphore(%arg8 : memref<!tpu.dma_semaphore, #tpu.memory_space<semaphore_mem>>) src(%dma_wait3A_554 : memref<1000001x20xf32, #tpu.memory_space<hbm>>) dst(%dma_wait3A_549 : memref<128x20xf32, #tpu.memory_space<vmem>>)
      %dma_wait3A_555 = arith.constant 896 : i32
      %dma_wait3A_556 = arith.constant 0 : i32
      %dma_wait3A_557 = tpu.memref_slice %arg6[%dma_wait3A_555, %dma_wait3A_556] : memref<3200x20xf32, #tpu.memory_space<vmem>> -> memref<128x20xf32, #tpu.memory_space<vmem>>
      %dma_wait3A_558 = arith.constant 896 : i32
      %dma_wait3A_559 = tpu.memref_slice %arg5[%dma_wait3A_558] : memref<3200xi32, #tpu.memory_space<vmem>> -> memref<128xi32, #tpu.memory_space<vmem>>
      %dma_wait3A_560 = arith.constant 0 : i32
      %dma_wait3A_561 = arith.constant 0 : i32
      %dma_wait3A_562 = tpu.memref_slice %arg3[%dma_wait3A_560, %dma_wait3A_561] : memref<1000001x20xf32, #tpu.memory_space<hbm>> -> memref<1000001x20xf32, #tpu.memory_space<hbm>>
      tpu.wait_indirect_dma semaphore(%arg8 : memref<!tpu.dma_semaphore, #tpu.memory_space<semaphore_mem>>) src(%dma_wait3A_562 : memref<1000001x20xf32, #tpu.memory_space<hbm>>) dst(%dma_wait3A_557 : memref<128x20xf32, #tpu.memory_space<vmem>>)
      %dma_wait3A_563 = arith.constant 1024 : i32
      %dma_wait3A_564 = arith.constant 0 : i32
      %dma_wait3A_565 = tpu.memref_slice %arg6[%dma_wait3A_563, %dma_wait3A_564] : memref<3200x20xf32, #tpu.memory_space<vmem>> -> memref<128x20xf32, #tpu.memory_space<vmem>>
      %dma_wait3A_566 = arith.constant 1024 : i32
      %dma_wait3A_567 = tpu.memref_slice %arg5[%dma_wait3A_566] : memref<3200xi32, #tpu.memory_space<vmem>> -> memref<128xi32, #tpu.memory_space<vmem>>
      %dma_wait3A_568 = arith.constant 0 : i32
      %dma_wait3A_569 = arith.constant 0 : i32
      %dma_wait3A_570 = tpu.memref_slice %arg3[%dma_wait3A_568, %dma_wait3A_569] : memref<1000001x20xf32, #tpu.memory_space<hbm>> -> memref<1000001x20xf32, #tpu.memory_space<hbm>>
      tpu.wait_indirect_dma semaphore(%arg8 : memref<!tpu.dma_semaphore, #tpu.memory_space<semaphore_mem>>) src(%dma_wait3A_570 : memref<1000001x20xf32, #tpu.memory_space<hbm>>) dst(%dma_wait3A_565 : memref<128x20xf32, #tpu.memory_space<vmem>>)
      %dma_wait3A_571 = arith.constant 1152 : i32
      %dma_wait3A_572 = arith.constant 0 : i32
      %dma_wait3A_573 = tpu.memref_slice %arg6[%dma_wait3A_571, %dma_wait3A_572] : memref<3200x20xf32, #tpu.memory_space<vmem>> -> memref<128x20xf32, #tpu.memory_space<vmem>>
      %dma_wait3A_574 = arith.constant 1152 : i32
      %dma_wait3A_575 = tpu.memref_slice %arg5[%dma_wait3A_574] : memref<3200xi32, #tpu.memory_space<vmem>> -> memref<128xi32, #tpu.memory_space<vmem>>
      %dma_wait3A_576 = arith.constant 0 : i32
      %dma_wait3A_577 = arith.constant 0 : i32
      %dma_wait3A_578 = tpu.memref_slice %arg3[%dma_wait3A_576, %dma_wait3A_577] : memref<1000001x20xf32, #tpu.memory_space<hbm>> -> memref<1000001x20xf32, #tpu.memory_space<hbm>>
      tpu.wait_indirect_dma semaphore(%arg8 : memref<!tpu.dma_semaphore, #tpu.memory_space<semaphore_mem>>) src(%dma_wait3A_578 : memref<1000001x20xf32, #tpu.memory_space<hbm>>) dst(%dma_wait3A_573 : memref<128x20xf32, #tpu.memory_space<vmem>>)
      %dma_wait3A_579 = arith.constant 1280 : i32
      %dma_wait3A_580 = arith.constant 0 : i32
      %dma_wait3A_581 = tpu.memref_slice %arg6[%dma_wait3A_579, %dma_wait3A_580] : memref<3200x20xf32, #tpu.memory_space<vmem>> -> memref<128x20xf32, #tpu.memory_space<vmem>>
      %dma_wait3A_582 = arith.constant 1280 : i32
      %dma_wait3A_583 = tpu.memref_slice %arg5[%dma_wait3A_582] : memref<3200xi32, #tpu.memory_space<vmem>> -> memref<128xi32, #tpu.memory_space<vmem>>
      %dma_wait3A_584 = arith.constant 0 : i32
      %dma_wait3A_585 = arith.constant 0 : i32
      %dma_wait3A_586 = tpu.memref_slice %arg3[%dma_wait3A_584, %dma_wait3A_585] : memref<1000001x20xf32, #tpu.memory_space<hbm>> -> memref<1000001x20xf32, #tpu.memory_space<hbm>>
      tpu.wait_indirect_dma semaphore(%arg8 : memref<!tpu.dma_semaphore, #tpu.memory_space<semaphore_mem>>) src(%dma_wait3A_586 : memref<1000001x20xf32, #tpu.memory_space<hbm>>) dst(%dma_wait3A_581 : memref<128x20xf32, #tpu.memory_space<vmem>>)
      %dma_wait3A_587 = arith.constant 1408 : i32
      %dma_wait3A_588 = arith.constant 0 : i32
      %dma_wait3A_589 = tpu.memref_slice %arg6[%dma_wait3A_587, %dma_wait3A_588] : memref<3200x20xf32, #tpu.memory_space<vmem>> -> memref<128x20xf32, #tpu.memory_space<vmem>>
      %dma_wait3A_590 = arith.constant 1408 : i32
      %dma_wait3A_591 = tpu.memref_slice %arg5[%dma_wait3A_590] : memref<3200xi32, #tpu.memory_space<vmem>> -> memref<128xi32, #tpu.memory_space<vmem>>
      %dma_wait3A_592 = arith.constant 0 : i32
      %dma_wait3A_593 = arith.constant 0 : i32
      %dma_wait3A_594 = tpu.memref_slice %arg3[%dma_wait3A_592, %dma_wait3A_593] : memref<1000001x20xf32, #tpu.memory_space<hbm>> -> memref<1000001x20xf32, #tpu.memory_space<hbm>>
      tpu.wait_indirect_dma semaphore(%arg8 : memref<!tpu.dma_semaphore, #tpu.memory_space<semaphore_mem>>) src(%dma_wait3A_594 : memref<1000001x20xf32, #tpu.memory_space<hbm>>) dst(%dma_wait3A_589 : memref<128x20xf32, #tpu.memory_space<vmem>>)
      %dma_wait3A_595 = arith.constant 1536 : i32
      %dma_wait3A_596 = arith.constant 0 : i32
      %dma_wait3A_597 = tpu.memref_slice %arg6[%dma_wait3A_595, %dma_wait3A_596] : memref<3200x20xf32, #tpu.memory_space<vmem>> -> memref<128x20xf32, #tpu.memory_space<vmem>>
      %dma_wait3A_598 = arith.constant 1536 : i32
      %dma_wait3A_599 = tpu.memref_slice %arg5[%dma_wait3A_598] : memref<3200xi32, #tpu.memory_space<vmem>> -> memref<128xi32, #tpu.memory_space<vmem>>
      %dma_wait3A_600 = arith.constant 0 : i32
      %dma_wait3A_601 = arith.constant 0 : i32
      %dma_wait3A_602 = tpu.memref_slice %arg3[%dma_wait3A_600, %dma_wait3A_601] : memref<1000001x20xf32, #tpu.memory_space<hbm>> -> memref<1000001x20xf32, #tpu.memory_space<hbm>>
      tpu.wait_indirect_dma semaphore(%arg8 : memref<!tpu.dma_semaphore, #tpu.memory_space<semaphore_mem>>) src(%dma_wait3A_602 : memref<1000001x20xf32, #tpu.memory_space<hbm>>) dst(%dma_wait3A_597 : memref<128x20xf32, #tpu.memory_space<vmem>>)
      %dma_wait3A_603 = arith.constant 1664 : i32
      %dma_wait3A_604 = arith.constant 0 : i32
      %dma_wait3A_605 = tpu.memref_slice %arg6[%dma_wait3A_603, %dma_wait3A_604] : memref<3200x20xf32, #tpu.memory_space<vmem>> -> memref<128x20xf32, #tpu.memory_space<vmem>>
      %dma_wait3A_606 = arith.constant 1664 : i32
      %dma_wait3A_607 = tpu.memref_slice %arg5[%dma_wait3A_606] : memref<3200xi32, #tpu.memory_space<vmem>> -> memref<128xi32, #tpu.memory_space<vmem>>
      %dma_wait3A_608 = arith.constant 0 : i32
      %dma_wait3A_609 = arith.constant 0 : i32
      %dma_wait3A_610 = tpu.memref_slice %arg3[%dma_wait3A_608, %dma_wait3A_609] : memref<1000001x20xf32, #tpu.memory_space<hbm>> -> memref<1000001x20xf32, #tpu.memory_space<hbm>>
      tpu.wait_indirect_dma semaphore(%arg8 : memref<!tpu.dma_semaphore, #tpu.memory_space<semaphore_mem>>) src(%dma_wait3A_610 : memref<1000001x20xf32, #tpu.memory_space<hbm>>) dst(%dma_wait3A_605 : memref<128x20xf32, #tpu.memory_space<vmem>>)
      %dma_wait3A_611 = arith.constant 1792 : i32
      %dma_wait3A_612 = arith.constant 0 : i32
      %dma_wait3A_613 = tpu.memref_slice %arg6[%dma_wait3A_611, %dma_wait3A_612] : memref<3200x20xf32, #tpu.memory_space<vmem>> -> memref<128x20xf32, #tpu.memory_space<vmem>>
      %dma_wait3A_614 = arith.constant 1792 : i32
      %dma_wait3A_615 = tpu.memref_slice %arg5[%dma_wait3A_614] : memref<3200xi32, #tpu.memory_space<vmem>> -> memref<128xi32, #tpu.memory_space<vmem>>
      %dma_wait3A_616 = arith.constant 0 : i32
      %dma_wait3A_617 = arith.constant 0 : i32
      %dma_wait3A_618 = tpu.memref_slice %arg3[%dma_wait3A_616, %dma_wait3A_617] : memref<1000001x20xf32, #tpu.memory_space<hbm>> -> memref<1000001x20xf32, #tpu.memory_space<hbm>>
      tpu.wait_indirect_dma semaphore(%arg8 : memref<!tpu.dma_semaphore, #tpu.memory_space<semaphore_mem>>) src(%dma_wait3A_618 : memref<1000001x20xf32, #tpu.memory_space<hbm>>) dst(%dma_wait3A_613 : memref<128x20xf32, #tpu.memory_space<vmem>>)
      %dma_wait3A_619 = arith.constant 1920 : i32
      %dma_wait3A_620 = arith.constant 0 : i32
      %dma_wait3A_621 = tpu.memref_slice %arg6[%dma_wait3A_619, %dma_wait3A_620] : memref<3200x20xf32, #tpu.memory_space<vmem>> -> memref<128x20xf32, #tpu.memory_space<vmem>>
      %dma_wait3A_622 = arith.constant 1920 : i32
      %dma_wait3A_623 = tpu.memref_slice %arg5[%dma_wait3A_622] : memref<3200xi32, #tpu.memory_space<vmem>> -> memref<128xi32, #tpu.memory_space<vmem>>
      %dma_wait3A_624 = arith.constant 0 : i32
      %dma_wait3A_625 = arith.constant 0 : i32
      %dma_wait3A_626 = tpu.memref_slice %arg3[%dma_wait3A_624, %dma_wait3A_625] : memref<1000001x20xf32, #tpu.memory_space<hbm>> -> memref<1000001x20xf32, #tpu.memory_space<hbm>>
      tpu.wait_indirect_dma semaphore(%arg8 : memref<!tpu.dma_semaphore, #tpu.memory_space<semaphore_mem>>) src(%dma_wait3A_626 : memref<1000001x20xf32, #tpu.memory_space<hbm>>) dst(%dma_wait3A_621 : memref<128x20xf32, #tpu.memory_space<vmem>>)
      %dma_wait3A_627 = arith.constant 2048 : i32
      %dma_wait3A_628 = arith.constant 0 : i32
      %dma_wait3A_629 = tpu.memref_slice %arg6[%dma_wait3A_627, %dma_wait3A_628] : memref<3200x20xf32, #tpu.memory_space<vmem>> -> memref<128x20xf32, #tpu.memory_space<vmem>>
      %dma_wait3A_630 = arith.constant 2048 : i32
      %dma_wait3A_631 = tpu.memref_slice %arg5[%dma_wait3A_630] : memref<3200xi32, #tpu.memory_space<vmem>> -> memref<128xi32, #tpu.memory_space<vmem>>
      %dma_wait3A_632 = arith.constant 0 : i32
      %dma_wait3A_633 = arith.constant 0 : i32
      %dma_wait3A_634 = tpu.memref_slice %arg3[%dma_wait3A_632, %dma_wait3A_633] : memref<1000001x20xf32, #tpu.memory_space<hbm>> -> memref<1000001x20xf32, #tpu.memory_space<hbm>>
      tpu.wait_indirect_dma semaphore(%arg8 : memref<!tpu.dma_semaphore, #tpu.memory_space<semaphore_mem>>) src(%dma_wait3A_634 : memref<1000001x20xf32, #tpu.memory_space<hbm>>) dst(%dma_wait3A_629 : memref<128x20xf32, #tpu.memory_space<vmem>>)
      %dma_wait3A_635 = arith.constant 2176 : i32
      %dma_wait3A_636 = arith.constant 0 : i32
      %dma_wait3A_637 = tpu.memref_slice %arg6[%dma_wait3A_635, %dma_wait3A_636] : memref<3200x20xf32, #tpu.memory_space<vmem>> -> memref<128x20xf32, #tpu.memory_space<vmem>>
      %dma_wait3A_638 = arith.constant 2176 : i32
      %dma_wait3A_639 = tpu.memref_slice %arg5[%dma_wait3A_638] : memref<3200xi32, #tpu.memory_space<vmem>> -> memref<128xi32, #tpu.memory_space<vmem>>
      %dma_wait3A_640 = arith.constant 0 : i32
      %dma_wait3A_641 = arith.constant 0 : i32
      %dma_wait3A_642 = tpu.memref_slice %arg3[%dma_wait3A_640, %dma_wait3A_641] : memref<1000001x20xf32, #tpu.memory_space<hbm>> -> memref<1000001x20xf32, #tpu.memory_space<hbm>>
      tpu.wait_indirect_dma semaphore(%arg8 : memref<!tpu.dma_semaphore, #tpu.memory_space<semaphore_mem>>) src(%dma_wait3A_642 : memref<1000001x20xf32, #tpu.memory_space<hbm>>) dst(%dma_wait3A_637 : memref<128x20xf32, #tpu.memory_space<vmem>>)
      %dma_wait3A_643 = arith.constant 2304 : i32
      %dma_wait3A_644 = arith.constant 0 : i32
      %dma_wait3A_645 = tpu.memref_slice %arg6[%dma_wait3A_643, %dma_wait3A_644] : memref<3200x20xf32, #tpu.memory_space<vmem>> -> memref<128x20xf32, #tpu.memory_space<vmem>>
      %dma_wait3A_646 = arith.constant 2304 : i32
      %dma_wait3A_647 = tpu.memref_slice %arg5[%dma_wait3A_646] : memref<3200xi32, #tpu.memory_space<vmem>> -> memref<128xi32, #tpu.memory_space<vmem>>
      %dma_wait3A_648 = arith.constant 0 : i32
      %dma_wait3A_649 = arith.constant 0 : i32
      %dma_wait3A_650 = tpu.memref_slice %arg3[%dma_wait3A_648, %dma_wait3A_649] : memref<1000001x20xf32, #tpu.memory_space<hbm>> -> memref<1000001x20xf32, #tpu.memory_space<hbm>>
      tpu.wait_indirect_dma semaphore(%arg8 : memref<!tpu.dma_semaphore, #tpu.memory_space<semaphore_mem>>) src(%dma_wait3A_650 : memref<1000001x20xf32, #tpu.memory_space<hbm>>) dst(%dma_wait3A_645 : memref<128x20xf32, #tpu.memory_space<vmem>>)
      %dma_wait3A_651 = arith.constant 2432 : i32
      %dma_wait3A_652 = arith.constant 0 : i32
      %dma_wait3A_653 = tpu.memref_slice %arg6[%dma_wait3A_651, %dma_wait3A_652] : memref<3200x20xf32, #tpu.memory_space<vmem>> -> memref<128x20xf32, #tpu.memory_space<vmem>>
      %dma_wait3A_654 = arith.constant 2432 : i32
      %dma_wait3A_655 = tpu.memref_slice %arg5[%dma_wait3A_654] : memref<3200xi32, #tpu.memory_space<vmem>> -> memref<128xi32, #tpu.memory_space<vmem>>
      %dma_wait3A_656 = arith.constant 0 : i32
      %dma_wait3A_657 = arith.constant 0 : i32
      %dma_wait3A_658 = tpu.memref_slice %arg3[%dma_wait3A_656, %dma_wait3A_657] : memref<1000001x20xf32, #tpu.memory_space<hbm>> -> memref<1000001x20xf32, #tpu.memory_space<hbm>>
      tpu.wait_indirect_dma semaphore(%arg8 : memref<!tpu.dma_semaphore, #tpu.memory_space<semaphore_mem>>) src(%dma_wait3A_658 : memref<1000001x20xf32, #tpu.memory_space<hbm>>) dst(%dma_wait3A_653 : memref<128x20xf32, #tpu.memory_space<vmem>>)
      %dma_wait3A_659 = arith.constant 2560 : i32
      %dma_wait3A_660 = arith.constant 0 : i32
      %dma_wait3A_661 = tpu.memref_slice %arg6[%dma_wait3A_659, %dma_wait3A_660] : memref<3200x20xf32, #tpu.memory_space<vmem>> -> memref<128x20xf32, #tpu.memory_space<vmem>>
      %dma_wait3A_662 = arith.constant 2560 : i32
      %dma_wait3A_663 = tpu.memref_slice %arg5[%dma_wait3A_662] : memref<3200xi32, #tpu.memory_space<vmem>> -> memref<128xi32, #tpu.memory_space<vmem>>
      %dma_wait3A_664 = arith.constant 0 : i32
      %dma_wait3A_665 = arith.constant 0 : i32
      %dma_wait3A_666 = tpu.memref_slice %arg3[%dma_wait3A_664, %dma_wait3A_665] : memref<1000001x20xf32, #tpu.memory_space<hbm>> -> memref<1000001x20xf32, #tpu.memory_space<hbm>>
      tpu.wait_indirect_dma semaphore(%arg8 : memref<!tpu.dma_semaphore, #tpu.memory_space<semaphore_mem>>) src(%dma_wait3A_666 : memref<1000001x20xf32, #tpu.memory_space<hbm>>) dst(%dma_wait3A_661 : memref<128x20xf32, #tpu.memory_space<vmem>>)
      %dma_wait3A_667 = arith.constant 2688 : i32
      %dma_wait3A_668 = arith.constant 0 : i32
      %dma_wait3A_669 = tpu.memref_slice %arg6[%dma_wait3A_667, %dma_wait3A_668] : memref<3200x20xf32, #tpu.memory_space<vmem>> -> memref<128x20xf32, #tpu.memory_space<vmem>>
      %dma_wait3A_670 = arith.constant 2688 : i32
      %dma_wait3A_671 = tpu.memref_slice %arg5[%dma_wait3A_670] : memref<3200xi32, #tpu.memory_space<vmem>> -> memref<128xi32, #tpu.memory_space<vmem>>
      %dma_wait3A_672 = arith.constant 0 : i32
      %dma_wait3A_673 = arith.constant 0 : i32
      %dma_wait3A_674 = tpu.memref_slice %arg3[%dma_wait3A_672, %dma_wait3A_673] : memref<1000001x20xf32, #tpu.memory_space<hbm>> -> memref<1000001x20xf32, #tpu.memory_space<hbm>>
      tpu.wait_indirect_dma semaphore(%arg8 : memref<!tpu.dma_semaphore, #tpu.memory_space<semaphore_mem>>) src(%dma_wait3A_674 : memref<1000001x20xf32, #tpu.memory_space<hbm>>) dst(%dma_wait3A_669 : memref<128x20xf32, #tpu.memory_space<vmem>>)
      %dma_wait3A_675 = arith.constant 2816 : i32
      %dma_wait3A_676 = arith.constant 0 : i32
      %dma_wait3A_677 = tpu.memref_slice %arg6[%dma_wait3A_675, %dma_wait3A_676] : memref<3200x20xf32, #tpu.memory_space<vmem>> -> memref<128x20xf32, #tpu.memory_space<vmem>>
      %dma_wait3A_678 = arith.constant 2816 : i32
      %dma_wait3A_679 = tpu.memref_slice %arg5[%dma_wait3A_678] : memref<3200xi32, #tpu.memory_space<vmem>> -> memref<128xi32, #tpu.memory_space<vmem>>
      %dma_wait3A_680 = arith.constant 0 : i32
      %dma_wait3A_681 = arith.constant 0 : i32
      %dma_wait3A_682 = tpu.memref_slice %arg3[%dma_wait3A_680, %dma_wait3A_681] : memref<1000001x20xf32, #tpu.memory_space<hbm>> -> memref<1000001x20xf32, #tpu.memory_space<hbm>>
      tpu.wait_indirect_dma semaphore(%arg8 : memref<!tpu.dma_semaphore, #tpu.memory_space<semaphore_mem>>) src(%dma_wait3A_682 : memref<1000001x20xf32, #tpu.memory_space<hbm>>) dst(%dma_wait3A_677 : memref<128x20xf32, #tpu.memory_space<vmem>>)
      %dma_wait3A_683 = arith.constant 2944 : i32
      %dma_wait3A_684 = arith.constant 0 : i32
      %dma_wait3A_685 = tpu.memref_slice %arg6[%dma_wait3A_683, %dma_wait3A_684] : memref<3200x20xf32, #tpu.memory_space<vmem>> -> memref<128x20xf32, #tpu.memory_space<vmem>>
      %dma_wait3A_686 = arith.constant 2944 : i32
      %dma_wait3A_687 = tpu.memref_slice %arg5[%dma_wait3A_686] : memref<3200xi32, #tpu.memory_space<vmem>> -> memref<128xi32, #tpu.memory_space<vmem>>
      %dma_wait3A_688 = arith.constant 0 : i32
      %dma_wait3A_689 = arith.constant 0 : i32
      %dma_wait3A_690 = tpu.memref_slice %arg3[%dma_wait3A_688, %dma_wait3A_689] : memref<1000001x20xf32, #tpu.memory_space<hbm>> -> memref<1000001x20xf32, #tpu.memory_space<hbm>>
      tpu.wait_indirect_dma semaphore(%arg8 : memref<!tpu.dma_semaphore, #tpu.memory_space<semaphore_mem>>) src(%dma_wait3A_690 : memref<1000001x20xf32, #tpu.memory_space<hbm>>) dst(%dma_wait3A_685 : memref<128x20xf32, #tpu.memory_space<vmem>>)
      %dma_wait3A_691 = arith.constant 3072 : i32
      %dma_wait3A_692 = arith.constant 0 : i32
      %dma_wait3A_693 = tpu.memref_slice %arg6[%dma_wait3A_691, %dma_wait3A_692] : memref<3200x20xf32, #tpu.memory_space<vmem>> -> memref<128x20xf32, #tpu.memory_space<vmem>>
      %dma_wait3A_694 = arith.constant 3072 : i32
      %dma_wait3A_695 = tpu.memref_slice %arg5[%dma_wait3A_694] : memref<3200xi32, #tpu.memory_space<vmem>> -> memref<128xi32, #tpu.memory_space<vmem>>
      %dma_wait3A_696 = arith.constant 0 : i32
      %dma_wait3A_697 = arith.constant 0 : i32
      %dma_wait3A_698 = tpu.memref_slice %arg3[%dma_wait3A_696, %dma_wait3A_697] : memref<1000001x20xf32, #tpu.memory_space<hbm>> -> memref<1000001x20xf32, #tpu.memory_space<hbm>>
      tpu.wait_indirect_dma semaphore(%arg8 : memref<!tpu.dma_semaphore, #tpu.memory_space<semaphore_mem>>) src(%dma_wait3A_698 : memref<1000001x20xf32, #tpu.memory_space<hbm>>) dst(%dma_wait3A_693 : memref<128x20xf32, #tpu.memory_space<vmem>>)
      %broadcast_in_dim3A = arith.constant 0.000000e+00 : f32
      %broadcast_in_dim3A_699 = vector.broadcast %broadcast_in_dim3A : f32 to vector<16xf32>
      %broadcast_in_dim3A_700 = arith.constant 0.000000e+00 : f32
      %broadcast_in_dim3A_701 = vector.broadcast %broadcast_in_dim3A_700 : f32 to vector<16xf32>
      %broadcast_in_dim3A_702 = arith.constant 0.000000e+00 : f32
      %broadcast_in_dim3A_703 = vector.broadcast %broadcast_in_dim3A_702 : f32 to vector<16xf32>
      %broadcast_in_dim3A_704 = arith.constant 0.000000e+00 : f32
      %broadcast_in_dim3A_705 = vector.broadcast %broadcast_in_dim3A_704 : f32 to vector<16xf32>
      %broadcast_in_dim3A_706 = arith.constant 0.000000e+00 : f32
      %broadcast_in_dim3A_707 = vector.broadcast %broadcast_in_dim3A_706 : f32 to vector<16xf32>
      %scan3A_708 = arith.constant 0 : i32
      %scan3A_709 = arith.constant 50 : i32
      %scan3A_710 = arith.addi %scan3A_708, %scan3A_709 : i32
      %scan3A_711 = arith.constant 1 : i32
      %scan3A_712:5 = scf.for %scan3A_1116 = %scan3A_708 to %scan3A_710 step %scan3A_711 iter_args(%scan3A_1117 = %broadcast_in_dim3A_699, %scan3A_1118 = %broadcast_in_dim3A_701, %scan3A_1119 = %broadcast_in_dim3A_703, %scan3A_1120 = %broadcast_in_dim3A_705, %scan3A_1121 = %broadcast_in_dim3A_707) -> (vector<16xf32>, vector<16xf32>, vector<16xf32>, vector<16xf32>, vector<16xf32>)  : i32 {
        %mul3A_1122 = arith.constant 4 : i32
        %mul3A_1123 = arith.muli %scan3A_1116, %mul3A_1122 : i32
        %add3A_1124 = arith.constant 0 : i32
        %add3A_1125 = arith.addi %add3A_1124, %mul3A_1123 : i32
        %add3A_1126 = vector.broadcast %add3A_1125 : i32 to vector<16xi32>
        %add3A_1127 = arith.addi %select_n3A, %add3A_1126 : vector<16xi32>
        %gather3A = tpu.vector_load_idx %arg6[%add3A_1127, %select_n3A_185] : memref<3200x20xf32, #tpu.memory_space<vmem>>[vector<16xi32>, vector<16xi32>], vector<16xf32>,
        %add3A_1128 = arith.addf %scan3A_1117, %gather3A : vector<16xf32>
        %add3A_1129 = vector.broadcast %add3A_1125 : i32 to vector<16xi32>
        %add3A_1130 = arith.addi %select_n3A_60, %add3A_1129 : vector<16xi32>
        %gather3A_1131 = tpu.vector_load_idx %arg6[%add3A_1130, %select_n3A_210] : memref<3200x20xf32, #tpu.memory_space<vmem>>[vector<16xi32>, vector<16xi32>], vector<16xf32>,
        %add3A_1132 = arith.addf %scan3A_1118, %gather3A_1131 : vector<16xf32>
        %add3A_1133 = vector.broadcast %add3A_1125 : i32 to vector<16xi32>
        %add3A_1134 = arith.addi %select_n3A_94, %add3A_1133 : vector<16xi32>
        %gather3A_1135 = tpu.vector_load_idx %arg6[%add3A_1134, %select_n3A_235] : memref<3200x20xf32, #tpu.memory_space<vmem>>[vector<16xi32>, vector<16xi32>], vector<16xf32>,
        %add3A_1136 = arith.addf %scan3A_1119, %gather3A_1135 : vector<16xf32>
        %add3A_1137 = vector.broadcast %add3A_1125 : i32 to vector<16xi32>
        %add3A_1138 = arith.addi %select_n3A_128, %add3A_1137 : vector<16xi32>
        %gather3A_1139 = tpu.vector_load_idx %arg6[%add3A_1138, %select_n3A_260] : memref<3200x20xf32, #tpu.memory_space<vmem>>[vector<16xi32>, vector<16xi32>], vector<16xf32>,
        %add3A_1140 = arith.addf %scan3A_1120, %gather3A_1139 : vector<16xf32>
        %add3A_1141 = vector.broadcast %add3A_1125 : i32 to vector<16xi32>
        %add3A_1142 = arith.addi %select_n3A_162, %add3A_1141 : vector<16xi32>
        %gather3A_1143 = tpu.vector_load_idx %arg6[%add3A_1142, %select_n3A_285] : memref<3200x20xf32, #tpu.memory_space<vmem>>[vector<16xi32>, vector<16xi32>], vector<16xf32>,
        %add3A_1144 = arith.addf %scan3A_1121, %gather3A_1143 : vector<16xf32>
        scf.yield %add3A_1128, %add3A_1132, %add3A_1136, %add3A_1140, %add3A_1144 : vector<16xf32>, vector<16xf32>, vector<16xf32>, vector<16xf32>, vector<16xf32>
      }
      %scan3A_713 = arith.constant 50 : i32
      %swap3A = arith.constant 0 : index
      %swap3A_714 = tpu.vector_load %arg7[%swap3A] {strides = array<i32>} : memref<1280xf32, #tpu.memory_space<vmem>>, vector<16xf32>,
      tpu.vector_store %arg7[%swap3A], %scan3A_712#0 {strides = array<i32>} : memref<1280xf32, #tpu.memory_space<vmem>>, vector<16xf32>,
      %swap3A_715 = arith.constant 16 : index
      %swap3A_716 = tpu.vector_load %arg7[%swap3A_715] {strides = array<i32>} : memref<1280xf32, #tpu.memory_space<vmem>>, vector<16xf32>,
      tpu.vector_store %arg7[%swap3A_715], %scan3A_712#1 {strides = array<i32>} : memref<1280xf32, #tpu.memory_space<vmem>>, vector<16xf32>,
      %swap3A_717 = arith.constant 32 : index
      %swap3A_718 = tpu.vector_load %arg7[%swap3A_717] {strides = array<i32>} : memref<1280xf32, #tpu.memory_space<vmem>>, vector<16xf32>,
      tpu.vector_store %arg7[%swap3A_717], %scan3A_712#2 {strides = array<i32>} : memref<1280xf32, #tpu.memory_space<vmem>>, vector<16xf32>,
      %swap3A_719 = arith.constant 48 : index
      %swap3A_720 = tpu.vector_load %arg7[%swap3A_719] {strides = array<i32>} : memref<1280xf32, #tpu.memory_space<vmem>>, vector<16xf32>,
      tpu.vector_store %arg7[%swap3A_719], %scan3A_712#3 {strides = array<i32>} : memref<1280xf32, #tpu.memory_space<vmem>>, vector<16xf32>,
      %swap3A_721 = arith.constant 64 : index
      %swap3A_722 = tpu.vector_load %arg7[%swap3A_721] {strides = array<i32>} : memref<1280xf32, #tpu.memory_space<vmem>>, vector<16xf32>,
      tpu.vector_store %arg7[%swap3A_721], %scan3A_712#4 {strides = array<i32>} : memref<1280xf32, #tpu.memory_space<vmem>>, vector<16xf32>,
      %broadcast_in_dim3A_723 = arith.constant 0.000000e+00 : f32
      %broadcast_in_dim3A_724 = vector.broadcast %broadcast_in_dim3A_723 : f32 to vector<16xf32>
      %broadcast_in_dim3A_725 = arith.constant 0.000000e+00 : f32
      %broadcast_in_dim3A_726 = vector.broadcast %broadcast_in_dim3A_725 : f32 to vector<16xf32>
      %broadcast_in_dim3A_727 = arith.constant 0.000000e+00 : f32
      %broadcast_in_dim3A_728 = vector.broadcast %broadcast_in_dim3A_727 : f32 to vector<16xf32>
      %broadcast_in_dim3A_729 = arith.constant 0.000000e+00 : f32
      %broadcast_in_dim3A_730 = vector.broadcast %broadcast_in_dim3A_729 : f32 to vector<16xf32>
      %broadcast_in_dim3A_731 = arith.constant 0.000000e+00 : f32
      %broadcast_in_dim3A_732 = vector.broadcast %broadcast_in_dim3A_731 : f32 to vector<16xf32>
      %scan3A_733 = arith.constant 0 : i32
      %scan3A_734 = arith.constant 50 : i32
      %scan3A_735 = arith.addi %scan3A_733, %scan3A_734 : i32
      %scan3A_736 = arith.constant 1 : i32
      %scan3A_737:5 = scf.for %scan3A_1116 = %scan3A_733 to %scan3A_735 step %scan3A_736 iter_args(%scan3A_1117 = %broadcast_in_dim3A_724, %scan3A_1118 = %broadcast_in_dim3A_726, %scan3A_1119 = %broadcast_in_dim3A_728, %scan3A_1120 = %broadcast_in_dim3A_730, %scan3A_1121 = %broadcast_in_dim3A_732) -> (vector<16xf32>, vector<16xf32>, vector<16xf32>, vector<16xf32>, vector<16xf32>)  : i32 {
        %mul3A_1122 = arith.constant 4 : i32
        %mul3A_1123 = arith.muli %scan3A_1116, %mul3A_1122 : i32
        %add3A_1124 = arith.constant 200 : i32
        %add3A_1125 = arith.addi %add3A_1124, %mul3A_1123 : i32
        %add3A_1126 = vector.broadcast %add3A_1125 : i32 to vector<16xi32>
        %add3A_1127 = arith.addi %select_n3A, %add3A_1126 : vector<16xi32>
        %gather3A = tpu.vector_load_idx %arg6[%add3A_1127, %select_n3A_185] : memref<3200x20xf32, #tpu.memory_space<vmem>>[vector<16xi32>, vector<16xi32>], vector<16xf32>,
        %add3A_1128 = arith.addf %scan3A_1117, %gather3A : vector<16xf32>
        %add3A_1129 = vector.broadcast %add3A_1125 : i32 to vector<16xi32>
        %add3A_1130 = arith.addi %select_n3A_60, %add3A_1129 : vector<16xi32>
        %gather3A_1131 = tpu.vector_load_idx %arg6[%add3A_1130, %select_n3A_210] : memref<3200x20xf32, #tpu.memory_space<vmem>>[vector<16xi32>, vector<16xi32>], vector<16xf32>,
        %add3A_1132 = arith.addf %scan3A_1118, %gather3A_1131 : vector<16xf32>
        %add3A_1133 = vector.broadcast %add3A_1125 : i32 to vector<16xi32>
        %add3A_1134 = arith.addi %select_n3A_94, %add3A_1133 : vector<16xi32>
        %gather3A_1135 = tpu.vector_load_idx %arg6[%add3A_1134, %select_n3A_235] : memref<3200x20xf32, #tpu.memory_space<vmem>>[vector<16xi32>, vector<16xi32>], vector<16xf32>,
        %add3A_1136 = arith.addf %scan3A_1119, %gather3A_1135 : vector<16xf32>
        %add3A_1137 = vector.broadcast %add3A_1125 : i32 to vector<16xi32>
        %add3A_1138 = arith.addi %select_n3A_128, %add3A_1137 : vector<16xi32>
        %gather3A_1139 = tpu.vector_load_idx %arg6[%add3A_1138, %select_n3A_260] : memref<3200x20xf32, #tpu.memory_space<vmem>>[vector<16xi32>, vector<16xi32>], vector<16xf32>,
        %add3A_1140 = arith.addf %scan3A_1120, %gather3A_1139 : vector<16xf32>
        %add3A_1141 = vector.broadcast %add3A_1125 : i32 to vector<16xi32>
        %add3A_1142 = arith.addi %select_n3A_162, %add3A_1141 : vector<16xi32>
        %gather3A_1143 = tpu.vector_load_idx %arg6[%add3A_1142, %select_n3A_285] : memref<3200x20xf32, #tpu.memory_space<vmem>>[vector<16xi32>, vector<16xi32>], vector<16xf32>,
        %add3A_1144 = arith.addf %scan3A_1121, %gather3A_1143 : vector<16xf32>
        scf.yield %add3A_1128, %add3A_1132, %add3A_1136, %add3A_1140, %add3A_1144 : vector<16xf32>, vector<16xf32>, vector<16xf32>, vector<16xf32>, vector<16xf32>
      }
      %scan3A_738 = arith.constant 50 : i32
      %swap3A_739 = arith.constant 80 : index
      %swap3A_740 = tpu.vector_load %arg7[%swap3A_739] {strides = array<i32>} : memref<1280xf32, #tpu.memory_space<vmem>>, vector<16xf32>,
      tpu.vector_store %arg7[%swap3A_739], %scan3A_737#0 {strides = array<i32>} : memref<1280xf32, #tpu.memory_space<vmem>>, vector<16xf32>,
      %swap3A_741 = arith.constant 96 : index
      %swap3A_742 = tpu.vector_load %arg7[%swap3A_741] {strides = array<i32>} : memref<1280xf32, #tpu.memory_space<vmem>>, vector<16xf32>,
      tpu.vector_store %arg7[%swap3A_741], %scan3A_737#1 {strides = array<i32>} : memref<1280xf32, #tpu.memory_space<vmem>>, vector<16xf32>,
      %swap3A_743 = arith.constant 112 : index
      %swap3A_744 = tpu.vector_load %arg7[%swap3A_743] {strides = array<i32>} : memref<1280xf32, #tpu.memory_space<vmem>>, vector<16xf32>,
      tpu.vector_store %arg7[%swap3A_743], %scan3A_737#2 {strides = array<i32>} : memref<1280xf32, #tpu.memory_space<vmem>>, vector<16xf32>,
      %swap3A_745 = arith.constant 128 : index
      %swap3A_746 = tpu.vector_load %arg7[%swap3A_745] {strides = array<i32>} : memref<1280xf32, #tpu.memory_space<vmem>>, vector<16xf32>,
      tpu.vector_store %arg7[%swap3A_745], %scan3A_737#3 {strides = array<i32>} : memref<1280xf32, #tpu.memory_space<vmem>>, vector<16xf32>,
      %swap3A_747 = arith.constant 144 : index
      %swap3A_748 = tpu.vector_load %arg7[%swap3A_747] {strides = array<i32>} : memref<1280xf32, #tpu.memory_space<vmem>>, vector<16xf32>,
      tpu.vector_store %arg7[%swap3A_747], %scan3A_737#4 {strides = array<i32>} : memref<1280xf32, #tpu.memory_space<vmem>>, vector<16xf32>,
      %broadcast_in_dim3A_749 = arith.constant 0.000000e+00 : f32
      %broadcast_in_dim3A_750 = vector.broadcast %broadcast_in_dim3A_749 : f32 to vector<16xf32>
      %broadcast_in_dim3A_751 = arith.constant 0.000000e+00 : f32
      %broadcast_in_dim3A_752 = vector.broadcast %broadcast_in_dim3A_751 : f32 to vector<16xf32>
      %broadcast_in_dim3A_753 = arith.constant 0.000000e+00 : f32
      %broadcast_in_dim3A_754 = vector.broadcast %broadcast_in_dim3A_753 : f32 to vector<16xf32>
      %broadcast_in_dim3A_755 = arith.constant 0.000000e+00 : f32
      %broadcast_in_dim3A_756 = vector.broadcast %broadcast_in_dim3A_755 : f32 to vector<16xf32>
      %broadcast_in_dim3A_757 = arith.constant 0.000000e+00 : f32
      %broadcast_in_dim3A_758 = vector.broadcast %broadcast_in_dim3A_757 : f32 to vector<16xf32>
      %scan3A_759 = arith.constant 0 : i32
      %scan3A_760 = arith.constant 50 : i32
      %scan3A_761 = arith.addi %scan3A_759, %scan3A_760 : i32
      %scan3A_762 = arith.constant 1 : i32
      %scan3A_763:5 = scf.for %scan3A_1116 = %scan3A_759 to %scan3A_761 step %scan3A_762 iter_args(%scan3A_1117 = %broadcast_in_dim3A_750, %scan3A_1118 = %broadcast_in_dim3A_752, %scan3A_1119 = %broadcast_in_dim3A_754, %scan3A_1120 = %broadcast_in_dim3A_756, %scan3A_1121 = %broadcast_in_dim3A_758) -> (vector<16xf32>, vector<16xf32>, vector<16xf32>, vector<16xf32>, vector<16xf32>)  : i32 {
        %mul3A_1122 = arith.constant 4 : i32
        %mul3A_1123 = arith.muli %scan3A_1116, %mul3A_1122 : i32
        %add3A_1124 = arith.constant 400 : i32
        %add3A_1125 = arith.addi %add3A_1124, %mul3A_1123 : i32
        %add3A_1126 = vector.broadcast %add3A_1125 : i32 to vector<16xi32>
        %add3A_1127 = arith.addi %select_n3A, %add3A_1126 : vector<16xi32>
        %gather3A = tpu.vector_load_idx %arg6[%add3A_1127, %select_n3A_185] : memref<3200x20xf32, #tpu.memory_space<vmem>>[vector<16xi32>, vector<16xi32>], vector<16xf32>,
        %add3A_1128 = arith.addf %scan3A_1117, %gather3A : vector<16xf32>
        %add3A_1129 = vector.broadcast %add3A_1125 : i32 to vector<16xi32>
        %add3A_1130 = arith.addi %select_n3A_60, %add3A_1129 : vector<16xi32>
        %gather3A_1131 = tpu.vector_load_idx %arg6[%add3A_1130, %select_n3A_210] : memref<3200x20xf32, #tpu.memory_space<vmem>>[vector<16xi32>, vector<16xi32>], vector<16xf32>,
        %add3A_1132 = arith.addf %scan3A_1118, %gather3A_1131 : vector<16xf32>
        %add3A_1133 = vector.broadcast %add3A_1125 : i32 to vector<16xi32>
        %add3A_1134 = arith.addi %select_n3A_94, %add3A_1133 : vector<16xi32>
        %gather3A_1135 = tpu.vector_load_idx %arg6[%add3A_1134, %select_n3A_235] : memref<3200x20xf32, #tpu.memory_space<vmem>>[vector<16xi32>, vector<16xi32>], vector<16xf32>,
        %add3A_1136 = arith.addf %scan3A_1119, %gather3A_1135 : vector<16xf32>
        %add3A_1137 = vector.broadcast %add3A_1125 : i32 to vector<16xi32>
        %add3A_1138 = arith.addi %select_n3A_128, %add3A_1137 : vector<16xi32>
        %gather3A_1139 = tpu.vector_load_idx %arg6[%add3A_1138, %select_n3A_260] : memref<3200x20xf32, #tpu.memory_space<vmem>>[vector<16xi32>, vector<16xi32>], vector<16xf32>,
        %add3A_1140 = arith.addf %scan3A_1120, %gather3A_1139 : vector<16xf32>
        %add3A_1141 = vector.broadcast %add3A_1125 : i32 to vector<16xi32>
        %add3A_1142 = arith.addi %select_n3A_162, %add3A_1141 : vector<16xi32>
        %gather3A_1143 = tpu.vector_load_idx %arg6[%add3A_1142, %select_n3A_285] : memref<3200x20xf32, #tpu.memory_space<vmem>>[vector<16xi32>, vector<16xi32>], vector<16xf32>,
        %add3A_1144 = arith.addf %scan3A_1121, %gather3A_1143 : vector<16xf32>
        scf.yield %add3A_1128, %add3A_1132, %add3A_1136, %add3A_1140, %add3A_1144 : vector<16xf32>, vector<16xf32>, vector<16xf32>, vector<16xf32>, vector<16xf32>
      }
      %scan3A_764 = arith.constant 50 : i32
      %swap3A_765 = arith.constant 160 : index
      %swap3A_766 = tpu.vector_load %arg7[%swap3A_765] {strides = array<i32>} : memref<1280xf32, #tpu.memory_space<vmem>>, vector<16xf32>,
      tpu.vector_store %arg7[%swap3A_765], %scan3A_763#0 {strides = array<i32>} : memref<1280xf32, #tpu.memory_space<vmem>>, vector<16xf32>,
      %swap3A_767 = arith.constant 176 : index
      %swap3A_768 = tpu.vector_load %arg7[%swap3A_767] {strides = array<i32>} : memref<1280xf32, #tpu.memory_space<vmem>>, vector<16xf32>,
      tpu.vector_store %arg7[%swap3A_767], %scan3A_763#1 {strides = array<i32>} : memref<1280xf32, #tpu.memory_space<vmem>>, vector<16xf32>,
      %swap3A_769 = arith.constant 192 : index
      %swap3A_770 = tpu.vector_load %arg7[%swap3A_769] {strides = array<i32>} : memref<1280xf32, #tpu.memory_space<vmem>>, vector<16xf32>,
      tpu.vector_store %arg7[%swap3A_769], %scan3A_763#2 {strides = array<i32>} : memref<1280xf32, #tpu.memory_space<vmem>>, vector<16xf32>,
      %swap3A_771 = arith.constant 208 : index
      %swap3A_772 = tpu.vector_load %arg7[%swap3A_771] {strides = array<i32>} : memref<1280xf32, #tpu.memory_space<vmem>>, vector<16xf32>,
      tpu.vector_store %arg7[%swap3A_771], %scan3A_763#3 {strides = array<i32>} : memref<1280xf32, #tpu.memory_space<vmem>>, vector<16xf32>,
      %swap3A_773 = arith.constant 224 : index
      %swap3A_774 = tpu.vector_load %arg7[%swap3A_773] {strides = array<i32>} : memref<1280xf32, #tpu.memory_space<vmem>>, vector<16xf32>,
      tpu.vector_store %arg7[%swap3A_773], %scan3A_763#4 {strides = array<i32>} : memref<1280xf32, #tpu.memory_space<vmem>>, vector<16xf32>,
      %broadcast_in_dim3A_775 = arith.constant 0.000000e+00 : f32
      %broadcast_in_dim3A_776 = vector.broadcast %broadcast_in_dim3A_775 : f32 to vector<16xf32>
      %broadcast_in_dim3A_777 = arith.constant 0.000000e+00 : f32
      %broadcast_in_dim3A_778 = vector.broadcast %broadcast_in_dim3A_777 : f32 to vector<16xf32>
      %broadcast_in_dim3A_779 = arith.constant 0.000000e+00 : f32
      %broadcast_in_dim3A_780 = vector.broadcast %broadcast_in_dim3A_779 : f32 to vector<16xf32>
      %broadcast_in_dim3A_781 = arith.constant 0.000000e+00 : f32
      %broadcast_in_dim3A_782 = vector.broadcast %broadcast_in_dim3A_781 : f32 to vector<16xf32>
      %broadcast_in_dim3A_783 = arith.constant 0.000000e+00 : f32
      %broadcast_in_dim3A_784 = vector.broadcast %broadcast_in_dim3A_783 : f32 to vector<16xf32>
      %scan3A_785 = arith.constant 0 : i32
      %scan3A_786 = arith.constant 50 : i32
      %scan3A_787 = arith.addi %scan3A_785, %scan3A_786 : i32
      %scan3A_788 = arith.constant 1 : i32
      %scan3A_789:5 = scf.for %scan3A_1116 = %scan3A_785 to %scan3A_787 step %scan3A_788 iter_args(%scan3A_1117 = %broadcast_in_dim3A_776, %scan3A_1118 = %broadcast_in_dim3A_778, %scan3A_1119 = %broadcast_in_dim3A_780, %scan3A_1120 = %broadcast_in_dim3A_782, %scan3A_1121 = %broadcast_in_dim3A_784) -> (vector<16xf32>, vector<16xf32>, vector<16xf32>, vector<16xf32>, vector<16xf32>)  : i32 {
        %mul3A_1122 = arith.constant 4 : i32
        %mul3A_1123 = arith.muli %scan3A_1116, %mul3A_1122 : i32
        %add3A_1124 = arith.constant 600 : i32
        %add3A_1125 = arith.addi %add3A_1124, %mul3A_1123 : i32
        %add3A_1126 = vector.broadcast %add3A_1125 : i32 to vector<16xi32>
        %add3A_1127 = arith.addi %select_n3A, %add3A_1126 : vector<16xi32>
        %gather3A = tpu.vector_load_idx %arg6[%add3A_1127, %select_n3A_185] : memref<3200x20xf32, #tpu.memory_space<vmem>>[vector<16xi32>, vector<16xi32>], vector<16xf32>,
        %add3A_1128 = arith.addf %scan3A_1117, %gather3A : vector<16xf32>
        %add3A_1129 = vector.broadcast %add3A_1125 : i32 to vector<16xi32>
        %add3A_1130 = arith.addi %select_n3A_60, %add3A_1129 : vector<16xi32>
        %gather3A_1131 = tpu.vector_load_idx %arg6[%add3A_1130, %select_n3A_210] : memref<3200x20xf32, #tpu.memory_space<vmem>>[vector<16xi32>, vector<16xi32>], vector<16xf32>,
        %add3A_1132 = arith.addf %scan3A_1118, %gather3A_1131 : vector<16xf32>
        %add3A_1133 = vector.broadcast %add3A_1125 : i32 to vector<16xi32>
        %add3A_1134 = arith.addi %select_n3A_94, %add3A_1133 : vector<16xi32>
        %gather3A_1135 = tpu.vector_load_idx %arg6[%add3A_1134, %select_n3A_235] : memref<3200x20xf32, #tpu.memory_space<vmem>>[vector<16xi32>, vector<16xi32>], vector<16xf32>,
        %add3A_1136 = arith.addf %scan3A_1119, %gather3A_1135 : vector<16xf32>
        %add3A_1137 = vector.broadcast %add3A_1125 : i32 to vector<16xi32>
        %add3A_1138 = arith.addi %select_n3A_128, %add3A_1137 : vector<16xi32>
        %gather3A_1139 = tpu.vector_load_idx %arg6[%add3A_1138, %select_n3A_260] : memref<3200x20xf32, #tpu.memory_space<vmem>>[vector<16xi32>, vector<16xi32>], vector<16xf32>,
        %add3A_1140 = arith.addf %scan3A_1120, %gather3A_1139 : vector<16xf32>
        %add3A_1141 = vector.broadcast %add3A_1125 : i32 to vector<16xi32>
        %add3A_1142 = arith.addi %select_n3A_162, %add3A_1141 : vector<16xi32>
        %gather3A_1143 = tpu.vector_load_idx %arg6[%add3A_1142, %select_n3A_285] : memref<3200x20xf32, #tpu.memory_space<vmem>>[vector<16xi32>, vector<16xi32>], vector<16xf32>,
        %add3A_1144 = arith.addf %scan3A_1121, %gather3A_1143 : vector<16xf32>
        scf.yield %add3A_1128, %add3A_1132, %add3A_1136, %add3A_1140, %add3A_1144 : vector<16xf32>, vector<16xf32>, vector<16xf32>, vector<16xf32>, vector<16xf32>
      }
      %scan3A_790 = arith.constant 50 : i32
      %swap3A_791 = arith.constant 240 : index
      %swap3A_792 = tpu.vector_load %arg7[%swap3A_791] {strides = array<i32>} : memref<1280xf32, #tpu.memory_space<vmem>>, vector<16xf32>,
      tpu.vector_store %arg7[%swap3A_791], %scan3A_789#0 {strides = array<i32>} : memref<1280xf32, #tpu.memory_space<vmem>>, vector<16xf32>,
      %swap3A_793 = arith.constant 256 : index
      %swap3A_794 = tpu.vector_load %arg7[%swap3A_793] {strides = array<i32>} : memref<1280xf32, #tpu.memory_space<vmem>>, vector<16xf32>,
      tpu.vector_store %arg7[%swap3A_793], %scan3A_789#1 {strides = array<i32>} : memref<1280xf32, #tpu.memory_space<vmem>>, vector<16xf32>,
      %swap3A_795 = arith.constant 272 : index
      %swap3A_796 = tpu.vector_load %arg7[%swap3A_795] {strides = array<i32>} : memref<1280xf32, #tpu.memory_space<vmem>>, vector<16xf32>,
      tpu.vector_store %arg7[%swap3A_795], %scan3A_789#2 {strides = array<i32>} : memref<1280xf32, #tpu.memory_space<vmem>>, vector<16xf32>,
      %swap3A_797 = arith.constant 288 : index
      %swap3A_798 = tpu.vector_load %arg7[%swap3A_797] {strides = array<i32>} : memref<1280xf32, #tpu.memory_space<vmem>>, vector<16xf32>,
      tpu.vector_store %arg7[%swap3A_797], %scan3A_789#3 {strides = array<i32>} : memref<1280xf32, #tpu.memory_space<vmem>>, vector<16xf32>,
      %swap3A_799 = arith.constant 304 : index
      %swap3A_800 = tpu.vector_load %arg7[%swap3A_799] {strides = array<i32>} : memref<1280xf32, #tpu.memory_space<vmem>>, vector<16xf32>,
      tpu.vector_store %arg7[%swap3A_799], %scan3A_789#4 {strides = array<i32>} : memref<1280xf32, #tpu.memory_space<vmem>>, vector<16xf32>,
      %broadcast_in_dim3A_801 = arith.constant 0.000000e+00 : f32
      %broadcast_in_dim3A_802 = vector.broadcast %broadcast_in_dim3A_801 : f32 to vector<16xf32>
      %broadcast_in_dim3A_803 = arith.constant 0.000000e+00 : f32
      %broadcast_in_dim3A_804 = vector.broadcast %broadcast_in_dim3A_803 : f32 to vector<16xf32>
      %broadcast_in_dim3A_805 = arith.constant 0.000000e+00 : f32
      %broadcast_in_dim3A_806 = vector.broadcast %broadcast_in_dim3A_805 : f32 to vector<16xf32>
      %broadcast_in_dim3A_807 = arith.constant 0.000000e+00 : f32
      %broadcast_in_dim3A_808 = vector.broadcast %broadcast_in_dim3A_807 : f32 to vector<16xf32>
      %broadcast_in_dim3A_809 = arith.constant 0.000000e+00 : f32
      %broadcast_in_dim3A_810 = vector.broadcast %broadcast_in_dim3A_809 : f32 to vector<16xf32>
      %scan3A_811 = arith.constant 0 : i32
      %scan3A_812 = arith.constant 50 : i32
      %scan3A_813 = arith.addi %scan3A_811, %scan3A_812 : i32
      %scan3A_814 = arith.constant 1 : i32
      %scan3A_815:5 = scf.for %scan3A_1116 = %scan3A_811 to %scan3A_813 step %scan3A_814 iter_args(%scan3A_1117 = %broadcast_in_dim3A_802, %scan3A_1118 = %broadcast_in_dim3A_804, %scan3A_1119 = %broadcast_in_dim3A_806, %scan3A_1120 = %broadcast_in_dim3A_808, %scan3A_1121 = %broadcast_in_dim3A_810) -> (vector<16xf32>, vector<16xf32>, vector<16xf32>, vector<16xf32>, vector<16xf32>)  : i32 {
        %mul3A_1122 = arith.constant 4 : i32
        %mul3A_1123 = arith.muli %scan3A_1116, %mul3A_1122 : i32
        %add3A_1124 = arith.constant 800 : i32
        %add3A_1125 = arith.addi %add3A_1124, %mul3A_1123 : i32
        %add3A_1126 = vector.broadcast %add3A_1125 : i32 to vector<16xi32>
        %add3A_1127 = arith.addi %select_n3A, %add3A_1126 : vector<16xi32>
        %gather3A = tpu.vector_load_idx %arg6[%add3A_1127, %select_n3A_185] : memref<3200x20xf32, #tpu.memory_space<vmem>>[vector<16xi32>, vector<16xi32>], vector<16xf32>,
        %add3A_1128 = arith.addf %scan3A_1117, %gather3A : vector<16xf32>
        %add3A_1129 = vector.broadcast %add3A_1125 : i32 to vector<16xi32>
        %add3A_1130 = arith.addi %select_n3A_60, %add3A_1129 : vector<16xi32>
        %gather3A_1131 = tpu.vector_load_idx %arg6[%add3A_1130, %select_n3A_210] : memref<3200x20xf32, #tpu.memory_space<vmem>>[vector<16xi32>, vector<16xi32>], vector<16xf32>,
        %add3A_1132 = arith.addf %scan3A_1118, %gather3A_1131 : vector<16xf32>
        %add3A_1133 = vector.broadcast %add3A_1125 : i32 to vector<16xi32>
        %add3A_1134 = arith.addi %select_n3A_94, %add3A_1133 : vector<16xi32>
        %gather3A_1135 = tpu.vector_load_idx %arg6[%add3A_1134, %select_n3A_235] : memref<3200x20xf32, #tpu.memory_space<vmem>>[vector<16xi32>, vector<16xi32>], vector<16xf32>,
        %add3A_1136 = arith.addf %scan3A_1119, %gather3A_1135 : vector<16xf32>
        %add3A_1137 = vector.broadcast %add3A_1125 : i32 to vector<16xi32>
        %add3A_1138 = arith.addi %select_n3A_128, %add3A_1137 : vector<16xi32>
        %gather3A_1139 = tpu.vector_load_idx %arg6[%add3A_1138, %select_n3A_260] : memref<3200x20xf32, #tpu.memory_space<vmem>>[vector<16xi32>, vector<16xi32>], vector<16xf32>,
        %add3A_1140 = arith.addf %scan3A_1120, %gather3A_1139 : vector<16xf32>
        %add3A_1141 = vector.broadcast %add3A_1125 : i32 to vector<16xi32>
        %add3A_1142 = arith.addi %select_n3A_162, %add3A_1141 : vector<16xi32>
        %gather3A_1143 = tpu.vector_load_idx %arg6[%add3A_1142, %select_n3A_285] : memref<3200x20xf32, #tpu.memory_space<vmem>>[vector<16xi32>, vector<16xi32>], vector<16xf32>,
        %add3A_1144 = arith.addf %scan3A_1121, %gather3A_1143 : vector<16xf32>
        scf.yield %add3A_1128, %add3A_1132, %add3A_1136, %add3A_1140, %add3A_1144 : vector<16xf32>, vector<16xf32>, vector<16xf32>, vector<16xf32>, vector<16xf32>
      }
      %scan3A_816 = arith.constant 50 : i32
      %swap3A_817 = arith.constant 320 : index
      %swap3A_818 = tpu.vector_load %arg7[%swap3A_817] {strides = array<i32>} : memref<1280xf32, #tpu.memory_space<vmem>>, vector<16xf32>,
      tpu.vector_store %arg7[%swap3A_817], %scan3A_815#0 {strides = array<i32>} : memref<1280xf32, #tpu.memory_space<vmem>>, vector<16xf32>,
      %swap3A_819 = arith.constant 336 : index
      %swap3A_820 = tpu.vector_load %arg7[%swap3A_819] {strides = array<i32>} : memref<1280xf32, #tpu.memory_space<vmem>>, vector<16xf32>,
      tpu.vector_store %arg7[%swap3A_819], %scan3A_815#1 {strides = array<i32>} : memref<1280xf32, #tpu.memory_space<vmem>>, vector<16xf32>,
      %swap3A_821 = arith.constant 352 : index
      %swap3A_822 = tpu.vector_load %arg7[%swap3A_821] {strides = array<i32>} : memref<1280xf32, #tpu.memory_space<vmem>>, vector<16xf32>,
      tpu.vector_store %arg7[%swap3A_821], %scan3A_815#2 {strides = array<i32>} : memref<1280xf32, #tpu.memory_space<vmem>>, vector<16xf32>,
      %swap3A_823 = arith.constant 368 : index
      %swap3A_824 = tpu.vector_load %arg7[%swap3A_823] {strides = array<i32>} : memref<1280xf32, #tpu.memory_space<vmem>>, vector<16xf32>,
      tpu.vector_store %arg7[%swap3A_823], %scan3A_815#3 {strides = array<i32>} : memref<1280xf32, #tpu.memory_space<vmem>>, vector<16xf32>,
      %swap3A_825 = arith.constant 384 : index
      %swap3A_826 = tpu.vector_load %arg7[%swap3A_825] {strides = array<i32>} : memref<1280xf32, #tpu.memory_space<vmem>>, vector<16xf32>,
      tpu.vector_store %arg7[%swap3A_825], %scan3A_815#4 {strides = array<i32>} : memref<1280xf32, #tpu.memory_space<vmem>>, vector<16xf32>,
      %broadcast_in_dim3A_827 = arith.constant 0.000000e+00 : f32
      %broadcast_in_dim3A_828 = vector.broadcast %broadcast_in_dim3A_827 : f32 to vector<16xf32>
      %broadcast_in_dim3A_829 = arith.constant 0.000000e+00 : f32
      %broadcast_in_dim3A_830 = vector.broadcast %broadcast_in_dim3A_829 : f32 to vector<16xf32>
      %broadcast_in_dim3A_831 = arith.constant 0.000000e+00 : f32
      %broadcast_in_dim3A_832 = vector.broadcast %broadcast_in_dim3A_831 : f32 to vector<16xf32>
      %broadcast_in_dim3A_833 = arith.constant 0.000000e+00 : f32
      %broadcast_in_dim3A_834 = vector.broadcast %broadcast_in_dim3A_833 : f32 to vector<16xf32>
      %broadcast_in_dim3A_835 = arith.constant 0.000000e+00 : f32
      %broadcast_in_dim3A_836 = vector.broadcast %broadcast_in_dim3A_835 : f32 to vector<16xf32>
      %scan3A_837 = arith.constant 0 : i32
      %scan3A_838 = arith.constant 50 : i32
      %scan3A_839 = arith.addi %scan3A_837, %scan3A_838 : i32
      %scan3A_840 = arith.constant 1 : i32
      %scan3A_841:5 = scf.for %scan3A_1116 = %scan3A_837 to %scan3A_839 step %scan3A_840 iter_args(%scan3A_1117 = %broadcast_in_dim3A_828, %scan3A_1118 = %broadcast_in_dim3A_830, %scan3A_1119 = %broadcast_in_dim3A_832, %scan3A_1120 = %broadcast_in_dim3A_834, %scan3A_1121 = %broadcast_in_dim3A_836) -> (vector<16xf32>, vector<16xf32>, vector<16xf32>, vector<16xf32>, vector<16xf32>)  : i32 {
        %mul3A_1122 = arith.constant 4 : i32
        %mul3A_1123 = arith.muli %scan3A_1116, %mul3A_1122 : i32
        %add3A_1124 = arith.constant 1000 : i32
        %add3A_1125 = arith.addi %add3A_1124, %mul3A_1123 : i32
        %add3A_1126 = vector.broadcast %add3A_1125 : i32 to vector<16xi32>
        %add3A_1127 = arith.addi %select_n3A, %add3A_1126 : vector<16xi32>
        %gather3A = tpu.vector_load_idx %arg6[%add3A_1127, %select_n3A_185] : memref<3200x20xf32, #tpu.memory_space<vmem>>[vector<16xi32>, vector<16xi32>], vector<16xf32>,
        %add3A_1128 = arith.addf %scan3A_1117, %gather3A : vector<16xf32>
        %add3A_1129 = vector.broadcast %add3A_1125 : i32 to vector<16xi32>
        %add3A_1130 = arith.addi %select_n3A_60, %add3A_1129 : vector<16xi32>
        %gather3A_1131 = tpu.vector_load_idx %arg6[%add3A_1130, %select_n3A_210] : memref<3200x20xf32, #tpu.memory_space<vmem>>[vector<16xi32>, vector<16xi32>], vector<16xf32>,
        %add3A_1132 = arith.addf %scan3A_1118, %gather3A_1131 : vector<16xf32>
        %add3A_1133 = vector.broadcast %add3A_1125 : i32 to vector<16xi32>
        %add3A_1134 = arith.addi %select_n3A_94, %add3A_1133 : vector<16xi32>
        %gather3A_1135 = tpu.vector_load_idx %arg6[%add3A_1134, %select_n3A_235] : memref<3200x20xf32, #tpu.memory_space<vmem>>[vector<16xi32>, vector<16xi32>], vector<16xf32>,
        %add3A_1136 = arith.addf %scan3A_1119, %gather3A_1135 : vector<16xf32>
        %add3A_1137 = vector.broadcast %add3A_1125 : i32 to vector<16xi32>
        %add3A_1138 = arith.addi %select_n3A_128, %add3A_1137 : vector<16xi32>
        %gather3A_1139 = tpu.vector_load_idx %arg6[%add3A_1138, %select_n3A_260] : memref<3200x20xf32, #tpu.memory_space<vmem>>[vector<16xi32>, vector<16xi32>], vector<16xf32>,
        %add3A_1140 = arith.addf %scan3A_1120, %gather3A_1139 : vector<16xf32>
        %add3A_1141 = vector.broadcast %add3A_1125 : i32 to vector<16xi32>
        %add3A_1142 = arith.addi %select_n3A_162, %add3A_1141 : vector<16xi32>
        %gather3A_1143 = tpu.vector_load_idx %arg6[%add3A_1142, %select_n3A_285] : memref<3200x20xf32, #tpu.memory_space<vmem>>[vector<16xi32>, vector<16xi32>], vector<16xf32>,
        %add3A_1144 = arith.addf %scan3A_1121, %gather3A_1143 : vector<16xf32>
        scf.yield %add3A_1128, %add3A_1132, %add3A_1136, %add3A_1140, %add3A_1144 : vector<16xf32>, vector<16xf32>, vector<16xf32>, vector<16xf32>, vector<16xf32>
      }
      %scan3A_842 = arith.constant 50 : i32
      %swap3A_843 = arith.constant 400 : index
      %swap3A_844 = tpu.vector_load %arg7[%swap3A_843] {strides = array<i32>} : memref<1280xf32, #tpu.memory_space<vmem>>, vector<16xf32>,
      tpu.vector_store %arg7[%swap3A_843], %scan3A_841#0 {strides = array<i32>} : memref<1280xf32, #tpu.memory_space<vmem>>, vector<16xf32>,
      %swap3A_845 = arith.constant 416 : index
      %swap3A_846 = tpu.vector_load %arg7[%swap3A_845] {strides = array<i32>} : memref<1280xf32, #tpu.memory_space<vmem>>, vector<16xf32>,
      tpu.vector_store %arg7[%swap3A_845], %scan3A_841#1 {strides = array<i32>} : memref<1280xf32, #tpu.memory_space<vmem>>, vector<16xf32>,
      %swap3A_847 = arith.constant 432 : index
      %swap3A_848 = tpu.vector_load %arg7[%swap3A_847] {strides = array<i32>} : memref<1280xf32, #tpu.memory_space<vmem>>, vector<16xf32>,
      tpu.vector_store %arg7[%swap3A_847], %scan3A_841#2 {strides = array<i32>} : memref<1280xf32, #tpu.memory_space<vmem>>, vector<16xf32>,
      %swap3A_849 = arith.constant 448 : index
      %swap3A_850 = tpu.vector_load %arg7[%swap3A_849] {strides = array<i32>} : memref<1280xf32, #tpu.memory_space<vmem>>, vector<16xf32>,
      tpu.vector_store %arg7[%swap3A_849], %scan3A_841#3 {strides = array<i32>} : memref<1280xf32, #tpu.memory_space<vmem>>, vector<16xf32>,
      %swap3A_851 = arith.constant 464 : index
      %swap3A_852 = tpu.vector_load %arg7[%swap3A_851] {strides = array<i32>} : memref<1280xf32, #tpu.memory_space<vmem>>, vector<16xf32>,
      tpu.vector_store %arg7[%swap3A_851], %scan3A_841#4 {strides = array<i32>} : memref<1280xf32, #tpu.memory_space<vmem>>, vector<16xf32>,
      %broadcast_in_dim3A_853 = arith.constant 0.000000e+00 : f32
      %broadcast_in_dim3A_854 = vector.broadcast %broadcast_in_dim3A_853 : f32 to vector<16xf32>
      %broadcast_in_dim3A_855 = arith.constant 0.000000e+00 : f32
      %broadcast_in_dim3A_856 = vector.broadcast %broadcast_in_dim3A_855 : f32 to vector<16xf32>
      %broadcast_in_dim3A_857 = arith.constant 0.000000e+00 : f32
      %broadcast_in_dim3A_858 = vector.broadcast %broadcast_in_dim3A_857 : f32 to vector<16xf32>
      %broadcast_in_dim3A_859 = arith.constant 0.000000e+00 : f32
      %broadcast_in_dim3A_860 = vector.broadcast %broadcast_in_dim3A_859 : f32 to vector<16xf32>
      %broadcast_in_dim3A_861 = arith.constant 0.000000e+00 : f32
      %broadcast_in_dim3A_862 = vector.broadcast %broadcast_in_dim3A_861 : f32 to vector<16xf32>
      %scan3A_863 = arith.constant 0 : i32
      %scan3A_864 = arith.constant 50 : i32
      %scan3A_865 = arith.addi %scan3A_863, %scan3A_864 : i32
      %scan3A_866 = arith.constant 1 : i32
      %scan3A_867:5 = scf.for %scan3A_1116 = %scan3A_863 to %scan3A_865 step %scan3A_866 iter_args(%scan3A_1117 = %broadcast_in_dim3A_854, %scan3A_1118 = %broadcast_in_dim3A_856, %scan3A_1119 = %broadcast_in_dim3A_858, %scan3A_1120 = %broadcast_in_dim3A_860, %scan3A_1121 = %broadcast_in_dim3A_862) -> (vector<16xf32>, vector<16xf32>, vector<16xf32>, vector<16xf32>, vector<16xf32>)  : i32 {
        %mul3A_1122 = arith.constant 4 : i32
        %mul3A_1123 = arith.muli %scan3A_1116, %mul3A_1122 : i32
        %add3A_1124 = arith.constant 1200 : i32
        %add3A_1125 = arith.addi %add3A_1124, %mul3A_1123 : i32
        %add3A_1126 = vector.broadcast %add3A_1125 : i32 to vector<16xi32>
        %add3A_1127 = arith.addi %select_n3A, %add3A_1126 : vector<16xi32>
        %gather3A = tpu.vector_load_idx %arg6[%add3A_1127, %select_n3A_185] : memref<3200x20xf32, #tpu.memory_space<vmem>>[vector<16xi32>, vector<16xi32>], vector<16xf32>,
        %add3A_1128 = arith.addf %scan3A_1117, %gather3A : vector<16xf32>
        %add3A_1129 = vector.broadcast %add3A_1125 : i32 to vector<16xi32>
        %add3A_1130 = arith.addi %select_n3A_60, %add3A_1129 : vector<16xi32>
        %gather3A_1131 = tpu.vector_load_idx %arg6[%add3A_1130, %select_n3A_210] : memref<3200x20xf32, #tpu.memory_space<vmem>>[vector<16xi32>, vector<16xi32>], vector<16xf32>,
        %add3A_1132 = arith.addf %scan3A_1118, %gather3A_1131 : vector<16xf32>
        %add3A_1133 = vector.broadcast %add3A_1125 : i32 to vector<16xi32>
        %add3A_1134 = arith.addi %select_n3A_94, %add3A_1133 : vector<16xi32>
        %gather3A_1135 = tpu.vector_load_idx %arg6[%add3A_1134, %select_n3A_235] : memref<3200x20xf32, #tpu.memory_space<vmem>>[vector<16xi32>, vector<16xi32>], vector<16xf32>,
        %add3A_1136 = arith.addf %scan3A_1119, %gather3A_1135 : vector<16xf32>
        %add3A_1137 = vector.broadcast %add3A_1125 : i32 to vector<16xi32>
        %add3A_1138 = arith.addi %select_n3A_128, %add3A_1137 : vector<16xi32>
        %gather3A_1139 = tpu.vector_load_idx %arg6[%add3A_1138, %select_n3A_260] : memref<3200x20xf32, #tpu.memory_space<vmem>>[vector<16xi32>, vector<16xi32>], vector<16xf32>,
        %add3A_1140 = arith.addf %scan3A_1120, %gather3A_1139 : vector<16xf32>
        %add3A_1141 = vector.broadcast %add3A_1125 : i32 to vector<16xi32>
        %add3A_1142 = arith.addi %select_n3A_162, %add3A_1141 : vector<16xi32>
        %gather3A_1143 = tpu.vector_load_idx %arg6[%add3A_1142, %select_n3A_285] : memref<3200x20xf32, #tpu.memory_space<vmem>>[vector<16xi32>, vector<16xi32>], vector<16xf32>,
        %add3A_1144 = arith.addf %scan3A_1121, %gather3A_1143 : vector<16xf32>
        scf.yield %add3A_1128, %add3A_1132, %add3A_1136, %add3A_1140, %add3A_1144 : vector<16xf32>, vector<16xf32>, vector<16xf32>, vector<16xf32>, vector<16xf32>
      }
      %scan3A_868 = arith.constant 50 : i32
      %swap3A_869 = arith.constant 480 : index
      %swap3A_870 = tpu.vector_load %arg7[%swap3A_869] {strides = array<i32>} : memref<1280xf32, #tpu.memory_space<vmem>>, vector<16xf32>,
      tpu.vector_store %arg7[%swap3A_869], %scan3A_867#0 {strides = array<i32>} : memref<1280xf32, #tpu.memory_space<vmem>>, vector<16xf32>,
      %swap3A_871 = arith.constant 496 : index
      %swap3A_872 = tpu.vector_load %arg7[%swap3A_871] {strides = array<i32>} : memref<1280xf32, #tpu.memory_space<vmem>>, vector<16xf32>,
      tpu.vector_store %arg7[%swap3A_871], %scan3A_867#1 {strides = array<i32>} : memref<1280xf32, #tpu.memory_space<vmem>>, vector<16xf32>,
      %swap3A_873 = arith.constant 512 : index
      %swap3A_874 = tpu.vector_load %arg7[%swap3A_873] {strides = array<i32>} : memref<1280xf32, #tpu.memory_space<vmem>>, vector<16xf32>,
      tpu.vector_store %arg7[%swap3A_873], %scan3A_867#2 {strides = array<i32>} : memref<1280xf32, #tpu.memory_space<vmem>>, vector<16xf32>,
      %swap3A_875 = arith.constant 528 : index
      %swap3A_876 = tpu.vector_load %arg7[%swap3A_875] {strides = array<i32>} : memref<1280xf32, #tpu.memory_space<vmem>>, vector<16xf32>,
      tpu.vector_store %arg7[%swap3A_875], %scan3A_867#3 {strides = array<i32>} : memref<1280xf32, #tpu.memory_space<vmem>>, vector<16xf32>,
      %swap3A_877 = arith.constant 544 : index
      %swap3A_878 = tpu.vector_load %arg7[%swap3A_877] {strides = array<i32>} : memref<1280xf32, #tpu.memory_space<vmem>>, vector<16xf32>,
      tpu.vector_store %arg7[%swap3A_877], %scan3A_867#4 {strides = array<i32>} : memref<1280xf32, #tpu.memory_space<vmem>>, vector<16xf32>,
      %broadcast_in_dim3A_879 = arith.constant 0.000000e+00 : f32
      %broadcast_in_dim3A_880 = vector.broadcast %broadcast_in_dim3A_879 : f32 to vector<16xf32>
      %broadcast_in_dim3A_881 = arith.constant 0.000000e+00 : f32
      %broadcast_in_dim3A_882 = vector.broadcast %broadcast_in_dim3A_881 : f32 to vector<16xf32>
      %broadcast_in_dim3A_883 = arith.constant 0.000000e+00 : f32
      %broadcast_in_dim3A_884 = vector.broadcast %broadcast_in_dim3A_883 : f32 to vector<16xf32>
      %broadcast_in_dim3A_885 = arith.constant 0.000000e+00 : f32
      %broadcast_in_dim3A_886 = vector.broadcast %broadcast_in_dim3A_885 : f32 to vector<16xf32>
      %broadcast_in_dim3A_887 = arith.constant 0.000000e+00 : f32
      %broadcast_in_dim3A_888 = vector.broadcast %broadcast_in_dim3A_887 : f32 to vector<16xf32>
      %scan3A_889 = arith.constant 0 : i32
      %scan3A_890 = arith.constant 50 : i32
      %scan3A_891 = arith.addi %scan3A_889, %scan3A_890 : i32
      %scan3A_892 = arith.constant 1 : i32
      %scan3A_893:5 = scf.for %scan3A_1116 = %scan3A_889 to %scan3A_891 step %scan3A_892 iter_args(%scan3A_1117 = %broadcast_in_dim3A_880, %scan3A_1118 = %broadcast_in_dim3A_882, %scan3A_1119 = %broadcast_in_dim3A_884, %scan3A_1120 = %broadcast_in_dim3A_886, %scan3A_1121 = %broadcast_in_dim3A_888) -> (vector<16xf32>, vector<16xf32>, vector<16xf32>, vector<16xf32>, vector<16xf32>)  : i32 {
        %mul3A_1122 = arith.constant 4 : i32
        %mul3A_1123 = arith.muli %scan3A_1116, %mul3A_1122 : i32
        %add3A_1124 = arith.constant 1400 : i32
        %add3A_1125 = arith.addi %add3A_1124, %mul3A_1123 : i32
        %add3A_1126 = vector.broadcast %add3A_1125 : i32 to vector<16xi32>
        %add3A_1127 = arith.addi %select_n3A, %add3A_1126 : vector<16xi32>
        %gather3A = tpu.vector_load_idx %arg6[%add3A_1127, %select_n3A_185] : memref<3200x20xf32, #tpu.memory_space<vmem>>[vector<16xi32>, vector<16xi32>], vector<16xf32>,
        %add3A_1128 = arith.addf %scan3A_1117, %gather3A : vector<16xf32>
        %add3A_1129 = vector.broadcast %add3A_1125 : i32 to vector<16xi32>
        %add3A_1130 = arith.addi %select_n3A_60, %add3A_1129 : vector<16xi32>
        %gather3A_1131 = tpu.vector_load_idx %arg6[%add3A_1130, %select_n3A_210] : memref<3200x20xf32, #tpu.memory_space<vmem>>[vector<16xi32>, vector<16xi32>], vector<16xf32>,
        %add3A_1132 = arith.addf %scan3A_1118, %gather3A_1131 : vector<16xf32>
        %add3A_1133 = vector.broadcast %add3A_1125 : i32 to vector<16xi32>
        %add3A_1134 = arith.addi %select_n3A_94, %add3A_1133 : vector<16xi32>
        %gather3A_1135 = tpu.vector_load_idx %arg6[%add3A_1134, %select_n3A_235] : memref<3200x20xf32, #tpu.memory_space<vmem>>[vector<16xi32>, vector<16xi32>], vector<16xf32>,
        %add3A_1136 = arith.addf %scan3A_1119, %gather3A_1135 : vector<16xf32>
        %add3A_1137 = vector.broadcast %add3A_1125 : i32 to vector<16xi32>
        %add3A_1138 = arith.addi %select_n3A_128, %add3A_1137 : vector<16xi32>
        %gather3A_1139 = tpu.vector_load_idx %arg6[%add3A_1138, %select_n3A_260] : memref<3200x20xf32, #tpu.memory_space<vmem>>[vector<16xi32>, vector<16xi32>], vector<16xf32>,
        %add3A_1140 = arith.addf %scan3A_1120, %gather3A_1139 : vector<16xf32>
        %add3A_1141 = vector.broadcast %add3A_1125 : i32 to vector<16xi32>
        %add3A_1142 = arith.addi %select_n3A_162, %add3A_1141 : vector<16xi32>
        %gather3A_1143 = tpu.vector_load_idx %arg6[%add3A_1142, %select_n3A_285] : memref<3200x20xf32, #tpu.memory_space<vmem>>[vector<16xi32>, vector<16xi32>], vector<16xf32>,
        %add3A_1144 = arith.addf %scan3A_1121, %gather3A_1143 : vector<16xf32>
        scf.yield %add3A_1128, %add3A_1132, %add3A_1136, %add3A_1140, %add3A_1144 : vector<16xf32>, vector<16xf32>, vector<16xf32>, vector<16xf32>, vector<16xf32>
      }
      %scan3A_894 = arith.constant 50 : i32
      %swap3A_895 = arith.constant 560 : index
      %swap3A_896 = tpu.vector_load %arg7[%swap3A_895] {strides = array<i32>} : memref<1280xf32, #tpu.memory_space<vmem>>, vector<16xf32>,
      tpu.vector_store %arg7[%swap3A_895], %scan3A_893#0 {strides = array<i32>} : memref<1280xf32, #tpu.memory_space<vmem>>, vector<16xf32>,
      %swap3A_897 = arith.constant 576 : index
      %swap3A_898 = tpu.vector_load %arg7[%swap3A_897] {strides = array<i32>} : memref<1280xf32, #tpu.memory_space<vmem>>, vector<16xf32>,
      tpu.vector_store %arg7[%swap3A_897], %scan3A_893#1 {strides = array<i32>} : memref<1280xf32, #tpu.memory_space<vmem>>, vector<16xf32>,
      %swap3A_899 = arith.constant 592 : index
      %swap3A_900 = tpu.vector_load %arg7[%swap3A_899] {strides = array<i32>} : memref<1280xf32, #tpu.memory_space<vmem>>, vector<16xf32>,
      tpu.vector_store %arg7[%swap3A_899], %scan3A_893#2 {strides = array<i32>} : memref<1280xf32, #tpu.memory_space<vmem>>, vector<16xf32>,
      %swap3A_901 = arith.constant 608 : index
      %swap3A_902 = tpu.vector_load %arg7[%swap3A_901] {strides = array<i32>} : memref<1280xf32, #tpu.memory_space<vmem>>, vector<16xf32>,
      tpu.vector_store %arg7[%swap3A_901], %scan3A_893#3 {strides = array<i32>} : memref<1280xf32, #tpu.memory_space<vmem>>, vector<16xf32>,
      %swap3A_903 = arith.constant 624 : index
      %swap3A_904 = tpu.vector_load %arg7[%swap3A_903] {strides = array<i32>} : memref<1280xf32, #tpu.memory_space<vmem>>, vector<16xf32>,
      tpu.vector_store %arg7[%swap3A_903], %scan3A_893#4 {strides = array<i32>} : memref<1280xf32, #tpu.memory_space<vmem>>, vector<16xf32>,
      %broadcast_in_dim3A_905 = arith.constant 0.000000e+00 : f32
      %broadcast_in_dim3A_906 = vector.broadcast %broadcast_in_dim3A_905 : f32 to vector<16xf32>
      %broadcast_in_dim3A_907 = arith.constant 0.000000e+00 : f32
      %broadcast_in_dim3A_908 = vector.broadcast %broadcast_in_dim3A_907 : f32 to vector<16xf32>
      %broadcast_in_dim3A_909 = arith.constant 0.000000e+00 : f32
      %broadcast_in_dim3A_910 = vector.broadcast %broadcast_in_dim3A_909 : f32 to vector<16xf32>
      %broadcast_in_dim3A_911 = arith.constant 0.000000e+00 : f32
      %broadcast_in_dim3A_912 = vector.broadcast %broadcast_in_dim3A_911 : f32 to vector<16xf32>
      %broadcast_in_dim3A_913 = arith.constant 0.000000e+00 : f32
      %broadcast_in_dim3A_914 = vector.broadcast %broadcast_in_dim3A_913 : f32 to vector<16xf32>
      %scan3A_915 = arith.constant 0 : i32
      %scan3A_916 = arith.constant 50 : i32
      %scan3A_917 = arith.addi %scan3A_915, %scan3A_916 : i32
      %scan3A_918 = arith.constant 1 : i32
      %scan3A_919:5 = scf.for %scan3A_1116 = %scan3A_915 to %scan3A_917 step %scan3A_918 iter_args(%scan3A_1117 = %broadcast_in_dim3A_906, %scan3A_1118 = %broadcast_in_dim3A_908, %scan3A_1119 = %broadcast_in_dim3A_910, %scan3A_1120 = %broadcast_in_dim3A_912, %scan3A_1121 = %broadcast_in_dim3A_914) -> (vector<16xf32>, vector<16xf32>, vector<16xf32>, vector<16xf32>, vector<16xf32>)  : i32 {
        %mul3A_1122 = arith.constant 4 : i32
        %mul3A_1123 = arith.muli %scan3A_1116, %mul3A_1122 : i32
        %add3A_1124 = arith.constant 1600 : i32
        %add3A_1125 = arith.addi %add3A_1124, %mul3A_1123 : i32
        %add3A_1126 = vector.broadcast %add3A_1125 : i32 to vector<16xi32>
        %add3A_1127 = arith.addi %select_n3A, %add3A_1126 : vector<16xi32>
        %gather3A = tpu.vector_load_idx %arg6[%add3A_1127, %select_n3A_185] : memref<3200x20xf32, #tpu.memory_space<vmem>>[vector<16xi32>, vector<16xi32>], vector<16xf32>,
        %add3A_1128 = arith.addf %scan3A_1117, %gather3A : vector<16xf32>
        %add3A_1129 = vector.broadcast %add3A_1125 : i32 to vector<16xi32>
        %add3A_1130 = arith.addi %select_n3A_60, %add3A_1129 : vector<16xi32>
        %gather3A_1131 = tpu.vector_load_idx %arg6[%add3A_1130, %select_n3A_210] : memref<3200x20xf32, #tpu.memory_space<vmem>>[vector<16xi32>, vector<16xi32>], vector<16xf32>,
        %add3A_1132 = arith.addf %scan3A_1118, %gather3A_1131 : vector<16xf32>
        %add3A_1133 = vector.broadcast %add3A_1125 : i32 to vector<16xi32>
        %add3A_1134 = arith.addi %select_n3A_94, %add3A_1133 : vector<16xi32>
        %gather3A_1135 = tpu.vector_load_idx %arg6[%add3A_1134, %select_n3A_235] : memref<3200x20xf32, #tpu.memory_space<vmem>>[vector<16xi32>, vector<16xi32>], vector<16xf32>,
        %add3A_1136 = arith.addf %scan3A_1119, %gather3A_1135 : vector<16xf32>
        %add3A_1137 = vector.broadcast %add3A_1125 : i32 to vector<16xi32>
        %add3A_1138 = arith.addi %select_n3A_128, %add3A_1137 : vector<16xi32>
        %gather3A_1139 = tpu.vector_load_idx %arg6[%add3A_1138, %select_n3A_260] : memref<3200x20xf32, #tpu.memory_space<vmem>>[vector<16xi32>, vector<16xi32>], vector<16xf32>,
        %add3A_1140 = arith.addf %scan3A_1120, %gather3A_1139 : vector<16xf32>
        %add3A_1141 = vector.broadcast %add3A_1125 : i32 to vector<16xi32>
        %add3A_1142 = arith.addi %select_n3A_162, %add3A_1141 : vector<16xi32>
        %gather3A_1143 = tpu.vector_load_idx %arg6[%add3A_1142, %select_n3A_285] : memref<3200x20xf32, #tpu.memory_space<vmem>>[vector<16xi32>, vector<16xi32>], vector<16xf32>,
        %add3A_1144 = arith.addf %scan3A_1121, %gather3A_1143 : vector<16xf32>
        scf.yield %add3A_1128, %add3A_1132, %add3A_1136, %add3A_1140, %add3A_1144 : vector<16xf32>, vector<16xf32>, vector<16xf32>, vector<16xf32>, vector<16xf32>
      }
      %scan3A_920 = arith.constant 50 : i32
      %swap3A_921 = arith.constant 640 : index
      %swap3A_922 = tpu.vector_load %arg7[%swap3A_921] {strides = array<i32>} : memref<1280xf32, #tpu.memory_space<vmem>>, vector<16xf32>,
      tpu.vector_store %arg7[%swap3A_921], %scan3A_919#0 {strides = array<i32>} : memref<1280xf32, #tpu.memory_space<vmem>>, vector<16xf32>,
      %swap3A_923 = arith.constant 656 : index
      %swap3A_924 = tpu.vector_load %arg7[%swap3A_923] {strides = array<i32>} : memref<1280xf32, #tpu.memory_space<vmem>>, vector<16xf32>,
      tpu.vector_store %arg7[%swap3A_923], %scan3A_919#1 {strides = array<i32>} : memref<1280xf32, #tpu.memory_space<vmem>>, vector<16xf32>,
      %swap3A_925 = arith.constant 672 : index
      %swap3A_926 = tpu.vector_load %arg7[%swap3A_925] {strides = array<i32>} : memref<1280xf32, #tpu.memory_space<vmem>>, vector<16xf32>,
      tpu.vector_store %arg7[%swap3A_925], %scan3A_919#2 {strides = array<i32>} : memref<1280xf32, #tpu.memory_space<vmem>>, vector<16xf32>,
      %swap3A_927 = arith.constant 688 : index
      %swap3A_928 = tpu.vector_load %arg7[%swap3A_927] {strides = array<i32>} : memref<1280xf32, #tpu.memory_space<vmem>>, vector<16xf32>,
      tpu.vector_store %arg7[%swap3A_927], %scan3A_919#3 {strides = array<i32>} : memref<1280xf32, #tpu.memory_space<vmem>>, vector<16xf32>,
      %swap3A_929 = arith.constant 704 : index
      %swap3A_930 = tpu.vector_load %arg7[%swap3A_929] {strides = array<i32>} : memref<1280xf32, #tpu.memory_space<vmem>>, vector<16xf32>,
      tpu.vector_store %arg7[%swap3A_929], %scan3A_919#4 {strides = array<i32>} : memref<1280xf32, #tpu.memory_space<vmem>>, vector<16xf32>,
      %broadcast_in_dim3A_931 = arith.constant 0.000000e+00 : f32
      %broadcast_in_dim3A_932 = vector.broadcast %broadcast_in_dim3A_931 : f32 to vector<16xf32>
      %broadcast_in_dim3A_933 = arith.constant 0.000000e+00 : f32
      %broadcast_in_dim3A_934 = vector.broadcast %broadcast_in_dim3A_933 : f32 to vector<16xf32>
      %broadcast_in_dim3A_935 = arith.constant 0.000000e+00 : f32
      %broadcast_in_dim3A_936 = vector.broadcast %broadcast_in_dim3A_935 : f32 to vector<16xf32>
      %broadcast_in_dim3A_937 = arith.constant 0.000000e+00 : f32
      %broadcast_in_dim3A_938 = vector.broadcast %broadcast_in_dim3A_937 : f32 to vector<16xf32>
      %broadcast_in_dim3A_939 = arith.constant 0.000000e+00 : f32
      %broadcast_in_dim3A_940 = vector.broadcast %broadcast_in_dim3A_939 : f32 to vector<16xf32>
      %scan3A_941 = arith.constant 0 : i32
      %scan3A_942 = arith.constant 50 : i32
      %scan3A_943 = arith.addi %scan3A_941, %scan3A_942 : i32
      %scan3A_944 = arith.constant 1 : i32
      %scan3A_945:5 = scf.for %scan3A_1116 = %scan3A_941 to %scan3A_943 step %scan3A_944 iter_args(%scan3A_1117 = %broadcast_in_dim3A_932, %scan3A_1118 = %broadcast_in_dim3A_934, %scan3A_1119 = %broadcast_in_dim3A_936, %scan3A_1120 = %broadcast_in_dim3A_938, %scan3A_1121 = %broadcast_in_dim3A_940) -> (vector<16xf32>, vector<16xf32>, vector<16xf32>, vector<16xf32>, vector<16xf32>)  : i32 {
        %mul3A_1122 = arith.constant 4 : i32
        %mul3A_1123 = arith.muli %scan3A_1116, %mul3A_1122 : i32
        %add3A_1124 = arith.constant 1800 : i32
        %add3A_1125 = arith.addi %add3A_1124, %mul3A_1123 : i32
        %add3A_1126 = vector.broadcast %add3A_1125 : i32 to vector<16xi32>
        %add3A_1127 = arith.addi %select_n3A, %add3A_1126 : vector<16xi32>
        %gather3A = tpu.vector_load_idx %arg6[%add3A_1127, %select_n3A_185] : memref<3200x20xf32, #tpu.memory_space<vmem>>[vector<16xi32>, vector<16xi32>], vector<16xf32>,
        %add3A_1128 = arith.addf %scan3A_1117, %gather3A : vector<16xf32>
        %add3A_1129 = vector.broadcast %add3A_1125 : i32 to vector<16xi32>
        %add3A_1130 = arith.addi %select_n3A_60, %add3A_1129 : vector<16xi32>
        %gather3A_1131 = tpu.vector_load_idx %arg6[%add3A_1130, %select_n3A_210] : memref<3200x20xf32, #tpu.memory_space<vmem>>[vector<16xi32>, vector<16xi32>], vector<16xf32>,
        %add3A_1132 = arith.addf %scan3A_1118, %gather3A_1131 : vector<16xf32>
        %add3A_1133 = vector.broadcast %add3A_1125 : i32 to vector<16xi32>
        %add3A_1134 = arith.addi %select_n3A_94, %add3A_1133 : vector<16xi32>
        %gather3A_1135 = tpu.vector_load_idx %arg6[%add3A_1134, %select_n3A_235] : memref<3200x20xf32, #tpu.memory_space<vmem>>[vector<16xi32>, vector<16xi32>], vector<16xf32>,
        %add3A_1136 = arith.addf %scan3A_1119, %gather3A_1135 : vector<16xf32>
        %add3A_1137 = vector.broadcast %add3A_1125 : i32 to vector<16xi32>
        %add3A_1138 = arith.addi %select_n3A_128, %add3A_1137 : vector<16xi32>
        %gather3A_1139 = tpu.vector_load_idx %arg6[%add3A_1138, %select_n3A_260] : memref<3200x20xf32, #tpu.memory_space<vmem>>[vector<16xi32>, vector<16xi32>], vector<16xf32>,
        %add3A_1140 = arith.addf %scan3A_1120, %gather3A_1139 : vector<16xf32>
        %add3A_1141 = vector.broadcast %add3A_1125 : i32 to vector<16xi32>
        %add3A_1142 = arith.addi %select_n3A_162, %add3A_1141 : vector<16xi32>
        %gather3A_1143 = tpu.vector_load_idx %arg6[%add3A_1142, %select_n3A_285] : memref<3200x20xf32, #tpu.memory_space<vmem>>[vector<16xi32>, vector<16xi32>], vector<16xf32>,
        %add3A_1144 = arith.addf %scan3A_1121, %gather3A_1143 : vector<16xf32>
        scf.yield %add3A_1128, %add3A_1132, %add3A_1136, %add3A_1140, %add3A_1144 : vector<16xf32>, vector<16xf32>, vector<16xf32>, vector<16xf32>, vector<16xf32>
      }
      %scan3A_946 = arith.constant 50 : i32
      %swap3A_947 = arith.constant 720 : index
      %swap3A_948 = tpu.vector_load %arg7[%swap3A_947] {strides = array<i32>} : memref<1280xf32, #tpu.memory_space<vmem>>, vector<16xf32>,
      tpu.vector_store %arg7[%swap3A_947], %scan3A_945#0 {strides = array<i32>} : memref<1280xf32, #tpu.memory_space<vmem>>, vector<16xf32>,
      %swap3A_949 = arith.constant 736 : index
      %swap3A_950 = tpu.vector_load %arg7[%swap3A_949] {strides = array<i32>} : memref<1280xf32, #tpu.memory_space<vmem>>, vector<16xf32>,
      tpu.vector_store %arg7[%swap3A_949], %scan3A_945#1 {strides = array<i32>} : memref<1280xf32, #tpu.memory_space<vmem>>, vector<16xf32>,
      %swap3A_951 = arith.constant 752 : index
      %swap3A_952 = tpu.vector_load %arg7[%swap3A_951] {strides = array<i32>} : memref<1280xf32, #tpu.memory_space<vmem>>, vector<16xf32>,
      tpu.vector_store %arg7[%swap3A_951], %scan3A_945#2 {strides = array<i32>} : memref<1280xf32, #tpu.memory_space<vmem>>, vector<16xf32>,
      %swap3A_953 = arith.constant 768 : index
      %swap3A_954 = tpu.vector_load %arg7[%swap3A_953] {strides = array<i32>} : memref<1280xf32, #tpu.memory_space<vmem>>, vector<16xf32>,
      tpu.vector_store %arg7[%swap3A_953], %scan3A_945#3 {strides = array<i32>} : memref<1280xf32, #tpu.memory_space<vmem>>, vector<16xf32>,
      %swap3A_955 = arith.constant 784 : index
      %swap3A_956 = tpu.vector_load %arg7[%swap3A_955] {strides = array<i32>} : memref<1280xf32, #tpu.memory_space<vmem>>, vector<16xf32>,
      tpu.vector_store %arg7[%swap3A_955], %scan3A_945#4 {strides = array<i32>} : memref<1280xf32, #tpu.memory_space<vmem>>, vector<16xf32>,
      %broadcast_in_dim3A_957 = arith.constant 0.000000e+00 : f32
      %broadcast_in_dim3A_958 = vector.broadcast %broadcast_in_dim3A_957 : f32 to vector<16xf32>
      %broadcast_in_dim3A_959 = arith.constant 0.000000e+00 : f32
      %broadcast_in_dim3A_960 = vector.broadcast %broadcast_in_dim3A_959 : f32 to vector<16xf32>
      %broadcast_in_dim3A_961 = arith.constant 0.000000e+00 : f32
      %broadcast_in_dim3A_962 = vector.broadcast %broadcast_in_dim3A_961 : f32 to vector<16xf32>
      %broadcast_in_dim3A_963 = arith.constant 0.000000e+00 : f32
      %broadcast_in_dim3A_964 = vector.broadcast %broadcast_in_dim3A_963 : f32 to vector<16xf32>
      %broadcast_in_dim3A_965 = arith.constant 0.000000e+00 : f32
      %broadcast_in_dim3A_966 = vector.broadcast %broadcast_in_dim3A_965 : f32 to vector<16xf32>
      %scan3A_967 = arith.constant 0 : i32
      %scan3A_968 = arith.constant 50 : i32
      %scan3A_969 = arith.addi %scan3A_967, %scan3A_968 : i32
      %scan3A_970 = arith.constant 1 : i32
      %scan3A_971:5 = scf.for %scan3A_1116 = %scan3A_967 to %scan3A_969 step %scan3A_970 iter_args(%scan3A_1117 = %broadcast_in_dim3A_958, %scan3A_1118 = %broadcast_in_dim3A_960, %scan3A_1119 = %broadcast_in_dim3A_962, %scan3A_1120 = %broadcast_in_dim3A_964, %scan3A_1121 = %broadcast_in_dim3A_966) -> (vector<16xf32>, vector<16xf32>, vector<16xf32>, vector<16xf32>, vector<16xf32>)  : i32 {
        %mul3A_1122 = arith.constant 4 : i32
        %mul3A_1123 = arith.muli %scan3A_1116, %mul3A_1122 : i32
        %add3A_1124 = arith.constant 2000 : i32
        %add3A_1125 = arith.addi %add3A_1124, %mul3A_1123 : i32
        %add3A_1126 = vector.broadcast %add3A_1125 : i32 to vector<16xi32>
        %add3A_1127 = arith.addi %select_n3A, %add3A_1126 : vector<16xi32>
        %gather3A = tpu.vector_load_idx %arg6[%add3A_1127, %select_n3A_185] : memref<3200x20xf32, #tpu.memory_space<vmem>>[vector<16xi32>, vector<16xi32>], vector<16xf32>,
        %add3A_1128 = arith.addf %scan3A_1117, %gather3A : vector<16xf32>
        %add3A_1129 = vector.broadcast %add3A_1125 : i32 to vector<16xi32>
        %add3A_1130 = arith.addi %select_n3A_60, %add3A_1129 : vector<16xi32>
        %gather3A_1131 = tpu.vector_load_idx %arg6[%add3A_1130, %select_n3A_210] : memref<3200x20xf32, #tpu.memory_space<vmem>>[vector<16xi32>, vector<16xi32>], vector<16xf32>,
        %add3A_1132 = arith.addf %scan3A_1118, %gather3A_1131 : vector<16xf32>
        %add3A_1133 = vector.broadcast %add3A_1125 : i32 to vector<16xi32>
        %add3A_1134 = arith.addi %select_n3A_94, %add3A_1133 : vector<16xi32>
        %gather3A_1135 = tpu.vector_load_idx %arg6[%add3A_1134, %select_n3A_235] : memref<3200x20xf32, #tpu.memory_space<vmem>>[vector<16xi32>, vector<16xi32>], vector<16xf32>,
        %add3A_1136 = arith.addf %scan3A_1119, %gather3A_1135 : vector<16xf32>
        %add3A_1137 = vector.broadcast %add3A_1125 : i32 to vector<16xi32>
        %add3A_1138 = arith.addi %select_n3A_128, %add3A_1137 : vector<16xi32>
        %gather3A_1139 = tpu.vector_load_idx %arg6[%add3A_1138, %select_n3A_260] : memref<3200x20xf32, #tpu.memory_space<vmem>>[vector<16xi32>, vector<16xi32>], vector<16xf32>,
        %add3A_1140 = arith.addf %scan3A_1120, %gather3A_1139 : vector<16xf32>
        %add3A_1141 = vector.broadcast %add3A_1125 : i32 to vector<16xi32>
        %add3A_1142 = arith.addi %select_n3A_162, %add3A_1141 : vector<16xi32>
        %gather3A_1143 = tpu.vector_load_idx %arg6[%add3A_1142, %select_n3A_285] : memref<3200x20xf32, #tpu.memory_space<vmem>>[vector<16xi32>, vector<16xi32>], vector<16xf32>,
        %add3A_1144 = arith.addf %scan3A_1121, %gather3A_1143 : vector<16xf32>
        scf.yield %add3A_1128, %add3A_1132, %add3A_1136, %add3A_1140, %add3A_1144 : vector<16xf32>, vector<16xf32>, vector<16xf32>, vector<16xf32>, vector<16xf32>
      }
      %scan3A_972 = arith.constant 50 : i32
      %swap3A_973 = arith.constant 800 : index
      %swap3A_974 = tpu.vector_load %arg7[%swap3A_973] {strides = array<i32>} : memref<1280xf32, #tpu.memory_space<vmem>>, vector<16xf32>,
      tpu.vector_store %arg7[%swap3A_973], %scan3A_971#0 {strides = array<i32>} : memref<1280xf32, #tpu.memory_space<vmem>>, vector<16xf32>,
      %swap3A_975 = arith.constant 816 : index
      %swap3A_976 = tpu.vector_load %arg7[%swap3A_975] {strides = array<i32>} : memref<1280xf32, #tpu.memory_space<vmem>>, vector<16xf32>,
      tpu.vector_store %arg7[%swap3A_975], %scan3A_971#1 {strides = array<i32>} : memref<1280xf32, #tpu.memory_space<vmem>>, vector<16xf32>,
      %swap3A_977 = arith.constant 832 : index
      %swap3A_978 = tpu.vector_load %arg7[%swap3A_977] {strides = array<i32>} : memref<1280xf32, #tpu.memory_space<vmem>>, vector<16xf32>,
      tpu.vector_store %arg7[%swap3A_977], %scan3A_971#2 {strides = array<i32>} : memref<1280xf32, #tpu.memory_space<vmem>>, vector<16xf32>,
      %swap3A_979 = arith.constant 848 : index
      %swap3A_980 = tpu.vector_load %arg7[%swap3A_979] {strides = array<i32>} : memref<1280xf32, #tpu.memory_space<vmem>>, vector<16xf32>,
      tpu.vector_store %arg7[%swap3A_979], %scan3A_971#3 {strides = array<i32>} : memref<1280xf32, #tpu.memory_space<vmem>>, vector<16xf32>,
      %swap3A_981 = arith.constant 864 : index
      %swap3A_982 = tpu.vector_load %arg7[%swap3A_981] {strides = array<i32>} : memref<1280xf32, #tpu.memory_space<vmem>>, vector<16xf32>,
      tpu.vector_store %arg7[%swap3A_981], %scan3A_971#4 {strides = array<i32>} : memref<1280xf32, #tpu.memory_space<vmem>>, vector<16xf32>,
      %broadcast_in_dim3A_983 = arith.constant 0.000000e+00 : f32
      %broadcast_in_dim3A_984 = vector.broadcast %broadcast_in_dim3A_983 : f32 to vector<16xf32>
      %broadcast_in_dim3A_985 = arith.constant 0.000000e+00 : f32
      %broadcast_in_dim3A_986 = vector.broadcast %broadcast_in_dim3A_985 : f32 to vector<16xf32>
      %broadcast_in_dim3A_987 = arith.constant 0.000000e+00 : f32
      %broadcast_in_dim3A_988 = vector.broadcast %broadcast_in_dim3A_987 : f32 to vector<16xf32>
      %broadcast_in_dim3A_989 = arith.constant 0.000000e+00 : f32
      %broadcast_in_dim3A_990 = vector.broadcast %broadcast_in_dim3A_989 : f32 to vector<16xf32>
      %broadcast_in_dim3A_991 = arith.constant 0.000000e+00 : f32
      %broadcast_in_dim3A_992 = vector.broadcast %broadcast_in_dim3A_991 : f32 to vector<16xf32>
      %scan3A_993 = arith.constant 0 : i32
      %scan3A_994 = arith.constant 50 : i32
      %scan3A_995 = arith.addi %scan3A_993, %scan3A_994 : i32
      %scan3A_996 = arith.constant 1 : i32
      %scan3A_997:5 = scf.for %scan3A_1116 = %scan3A_993 to %scan3A_995 step %scan3A_996 iter_args(%scan3A_1117 = %broadcast_in_dim3A_984, %scan3A_1118 = %broadcast_in_dim3A_986, %scan3A_1119 = %broadcast_in_dim3A_988, %scan3A_1120 = %broadcast_in_dim3A_990, %scan3A_1121 = %broadcast_in_dim3A_992) -> (vector<16xf32>, vector<16xf32>, vector<16xf32>, vector<16xf32>, vector<16xf32>)  : i32 {
        %mul3A_1122 = arith.constant 4 : i32
        %mul3A_1123 = arith.muli %scan3A_1116, %mul3A_1122 : i32
        %add3A_1124 = arith.constant 2200 : i32
        %add3A_1125 = arith.addi %add3A_1124, %mul3A_1123 : i32
        %add3A_1126 = vector.broadcast %add3A_1125 : i32 to vector<16xi32>
        %add3A_1127 = arith.addi %select_n3A, %add3A_1126 : vector<16xi32>
        %gather3A = tpu.vector_load_idx %arg6[%add3A_1127, %select_n3A_185] : memref<3200x20xf32, #tpu.memory_space<vmem>>[vector<16xi32>, vector<16xi32>], vector<16xf32>,
        %add3A_1128 = arith.addf %scan3A_1117, %gather3A : vector<16xf32>
        %add3A_1129 = vector.broadcast %add3A_1125 : i32 to vector<16xi32>
        %add3A_1130 = arith.addi %select_n3A_60, %add3A_1129 : vector<16xi32>
        %gather3A_1131 = tpu.vector_load_idx %arg6[%add3A_1130, %select_n3A_210] : memref<3200x20xf32, #tpu.memory_space<vmem>>[vector<16xi32>, vector<16xi32>], vector<16xf32>,
        %add3A_1132 = arith.addf %scan3A_1118, %gather3A_1131 : vector<16xf32>
        %add3A_1133 = vector.broadcast %add3A_1125 : i32 to vector<16xi32>
        %add3A_1134 = arith.addi %select_n3A_94, %add3A_1133 : vector<16xi32>
        %gather3A_1135 = tpu.vector_load_idx %arg6[%add3A_1134, %select_n3A_235] : memref<3200x20xf32, #tpu.memory_space<vmem>>[vector<16xi32>, vector<16xi32>], vector<16xf32>,
        %add3A_1136 = arith.addf %scan3A_1119, %gather3A_1135 : vector<16xf32>
        %add3A_1137 = vector.broadcast %add3A_1125 : i32 to vector<16xi32>
        %add3A_1138 = arith.addi %select_n3A_128, %add3A_1137 : vector<16xi32>
        %gather3A_1139 = tpu.vector_load_idx %arg6[%add3A_1138, %select_n3A_260] : memref<3200x20xf32, #tpu.memory_space<vmem>>[vector<16xi32>, vector<16xi32>], vector<16xf32>,
        %add3A_1140 = arith.addf %scan3A_1120, %gather3A_1139 : vector<16xf32>
        %add3A_1141 = vector.broadcast %add3A_1125 : i32 to vector<16xi32>
        %add3A_1142 = arith.addi %select_n3A_162, %add3A_1141 : vector<16xi32>
        %gather3A_1143 = tpu.vector_load_idx %arg6[%add3A_1142, %select_n3A_285] : memref<3200x20xf32, #tpu.memory_space<vmem>>[vector<16xi32>, vector<16xi32>], vector<16xf32>,
        %add3A_1144 = arith.addf %scan3A_1121, %gather3A_1143 : vector<16xf32>
        scf.yield %add3A_1128, %add3A_1132, %add3A_1136, %add3A_1140, %add3A_1144 : vector<16xf32>, vector<16xf32>, vector<16xf32>, vector<16xf32>, vector<16xf32>
      }
      %scan3A_998 = arith.constant 50 : i32
      %swap3A_999 = arith.constant 880 : index
      %swap3A_1000 = tpu.vector_load %arg7[%swap3A_999] {strides = array<i32>} : memref<1280xf32, #tpu.memory_space<vmem>>, vector<16xf32>,
      tpu.vector_store %arg7[%swap3A_999], %scan3A_997#0 {strides = array<i32>} : memref<1280xf32, #tpu.memory_space<vmem>>, vector<16xf32>,
      %swap3A_1001 = arith.constant 896 : index
      %swap3A_1002 = tpu.vector_load %arg7[%swap3A_1001] {strides = array<i32>} : memref<1280xf32, #tpu.memory_space<vmem>>, vector<16xf32>,
      tpu.vector_store %arg7[%swap3A_1001], %scan3A_997#1 {strides = array<i32>} : memref<1280xf32, #tpu.memory_space<vmem>>, vector<16xf32>,
      %swap3A_1003 = arith.constant 912 : index
      %swap3A_1004 = tpu.vector_load %arg7[%swap3A_1003] {strides = array<i32>} : memref<1280xf32, #tpu.memory_space<vmem>>, vector<16xf32>,
      tpu.vector_store %arg7[%swap3A_1003], %scan3A_997#2 {strides = array<i32>} : memref<1280xf32, #tpu.memory_space<vmem>>, vector<16xf32>,
      %swap3A_1005 = arith.constant 928 : index
      %swap3A_1006 = tpu.vector_load %arg7[%swap3A_1005] {strides = array<i32>} : memref<1280xf32, #tpu.memory_space<vmem>>, vector<16xf32>,
      tpu.vector_store %arg7[%swap3A_1005], %scan3A_997#3 {strides = array<i32>} : memref<1280xf32, #tpu.memory_space<vmem>>, vector<16xf32>,
      %swap3A_1007 = arith.constant 944 : index
      %swap3A_1008 = tpu.vector_load %arg7[%swap3A_1007] {strides = array<i32>} : memref<1280xf32, #tpu.memory_space<vmem>>, vector<16xf32>,
      tpu.vector_store %arg7[%swap3A_1007], %scan3A_997#4 {strides = array<i32>} : memref<1280xf32, #tpu.memory_space<vmem>>, vector<16xf32>,
      %broadcast_in_dim3A_1009 = arith.constant 0.000000e+00 : f32
      %broadcast_in_dim3A_1010 = vector.broadcast %broadcast_in_dim3A_1009 : f32 to vector<16xf32>
      %broadcast_in_dim3A_1011 = arith.constant 0.000000e+00 : f32
      %broadcast_in_dim3A_1012 = vector.broadcast %broadcast_in_dim3A_1011 : f32 to vector<16xf32>
      %broadcast_in_dim3A_1013 = arith.constant 0.000000e+00 : f32
      %broadcast_in_dim3A_1014 = vector.broadcast %broadcast_in_dim3A_1013 : f32 to vector<16xf32>
      %broadcast_in_dim3A_1015 = arith.constant 0.000000e+00 : f32
      %broadcast_in_dim3A_1016 = vector.broadcast %broadcast_in_dim3A_1015 : f32 to vector<16xf32>
      %broadcast_in_dim3A_1017 = arith.constant 0.000000e+00 : f32
      %broadcast_in_dim3A_1018 = vector.broadcast %broadcast_in_dim3A_1017 : f32 to vector<16xf32>
      %scan3A_1019 = arith.constant 0 : i32
      %scan3A_1020 = arith.constant 50 : i32
      %scan3A_1021 = arith.addi %scan3A_1019, %scan3A_1020 : i32
      %scan3A_1022 = arith.constant 1 : i32
      %scan3A_1023:5 = scf.for %scan3A_1116 = %scan3A_1019 to %scan3A_1021 step %scan3A_1022 iter_args(%scan3A_1117 = %broadcast_in_dim3A_1010, %scan3A_1118 = %broadcast_in_dim3A_1012, %scan3A_1119 = %broadcast_in_dim3A_1014, %scan3A_1120 = %broadcast_in_dim3A_1016, %scan3A_1121 = %broadcast_in_dim3A_1018) -> (vector<16xf32>, vector<16xf32>, vector<16xf32>, vector<16xf32>, vector<16xf32>)  : i32 {
        %mul3A_1122 = arith.constant 4 : i32
        %mul3A_1123 = arith.muli %scan3A_1116, %mul3A_1122 : i32
        %add3A_1124 = arith.constant 2400 : i32
        %add3A_1125 = arith.addi %add3A_1124, %mul3A_1123 : i32
        %add3A_1126 = vector.broadcast %add3A_1125 : i32 to vector<16xi32>
        %add3A_1127 = arith.addi %select_n3A, %add3A_1126 : vector<16xi32>
        %gather3A = tpu.vector_load_idx %arg6[%add3A_1127, %select_n3A_185] : memref<3200x20xf32, #tpu.memory_space<vmem>>[vector<16xi32>, vector<16xi32>], vector<16xf32>,
        %add3A_1128 = arith.addf %scan3A_1117, %gather3A : vector<16xf32>
        %add3A_1129 = vector.broadcast %add3A_1125 : i32 to vector<16xi32>
        %add3A_1130 = arith.addi %select_n3A_60, %add3A_1129 : vector<16xi32>
        %gather3A_1131 = tpu.vector_load_idx %arg6[%add3A_1130, %select_n3A_210] : memref<3200x20xf32, #tpu.memory_space<vmem>>[vector<16xi32>, vector<16xi32>], vector<16xf32>,
        %add3A_1132 = arith.addf %scan3A_1118, %gather3A_1131 : vector<16xf32>
        %add3A_1133 = vector.broadcast %add3A_1125 : i32 to vector<16xi32>
        %add3A_1134 = arith.addi %select_n3A_94, %add3A_1133 : vector<16xi32>
        %gather3A_1135 = tpu.vector_load_idx %arg6[%add3A_1134, %select_n3A_235] : memref<3200x20xf32, #tpu.memory_space<vmem>>[vector<16xi32>, vector<16xi32>], vector<16xf32>,
        %add3A_1136 = arith.addf %scan3A_1119, %gather3A_1135 : vector<16xf32>
        %add3A_1137 = vector.broadcast %add3A_1125 : i32 to vector<16xi32>
        %add3A_1138 = arith.addi %select_n3A_128, %add3A_1137 : vector<16xi32>
        %gather3A_1139 = tpu.vector_load_idx %arg6[%add3A_1138, %select_n3A_260] : memref<3200x20xf32, #tpu.memory_space<vmem>>[vector<16xi32>, vector<16xi32>], vector<16xf32>,
        %add3A_1140 = arith.addf %scan3A_1120, %gather3A_1139 : vector<16xf32>
        %add3A_1141 = vector.broadcast %add3A_1125 : i32 to vector<16xi32>
        %add3A_1142 = arith.addi %select_n3A_162, %add3A_1141 : vector<16xi32>
        %gather3A_1143 = tpu.vector_load_idx %arg6[%add3A_1142, %select_n3A_285] : memref<3200x20xf32, #tpu.memory_space<vmem>>[vector<16xi32>, vector<16xi32>], vector<16xf32>,
        %add3A_1144 = arith.addf %scan3A_1121, %gather3A_1143 : vector<16xf32>
        scf.yield %add3A_1128, %add3A_1132, %add3A_1136, %add3A_1140, %add3A_1144 : vector<16xf32>, vector<16xf32>, vector<16xf32>, vector<16xf32>, vector<16xf32>
      }
      %scan3A_1024 = arith.constant 50 : i32
      %swap3A_1025 = arith.constant 960 : index
      %swap3A_1026 = tpu.vector_load %arg7[%swap3A_1025] {strides = array<i32>} : memref<1280xf32, #tpu.memory_space<vmem>>, vector<16xf32>,
      tpu.vector_store %arg7[%swap3A_1025], %scan3A_1023#0 {strides = array<i32>} : memref<1280xf32, #tpu.memory_space<vmem>>, vector<16xf32>,
      %swap3A_1027 = arith.constant 976 : index
      %swap3A_1028 = tpu.vector_load %arg7[%swap3A_1027] {strides = array<i32>} : memref<1280xf32, #tpu.memory_space<vmem>>, vector<16xf32>,
      tpu.vector_store %arg7[%swap3A_1027], %scan3A_1023#1 {strides = array<i32>} : memref<1280xf32, #tpu.memory_space<vmem>>, vector<16xf32>,
      %swap3A_1029 = arith.constant 992 : index
      %swap3A_1030 = tpu.vector_load %arg7[%swap3A_1029] {strides = array<i32>} : memref<1280xf32, #tpu.memory_space<vmem>>, vector<16xf32>,
      tpu.vector_store %arg7[%swap3A_1029], %scan3A_1023#2 {strides = array<i32>} : memref<1280xf32, #tpu.memory_space<vmem>>, vector<16xf32>,
      %swap3A_1031 = arith.constant 1008 : index
      %swap3A_1032 = tpu.vector_load %arg7[%swap3A_1031] {strides = array<i32>} : memref<1280xf32, #tpu.memory_space<vmem>>, vector<16xf32>,
      tpu.vector_store %arg7[%swap3A_1031], %scan3A_1023#3 {strides = array<i32>} : memref<1280xf32, #tpu.memory_space<vmem>>, vector<16xf32>,
      %swap3A_1033 = arith.constant 1024 : index
      %swap3A_1034 = tpu.vector_load %arg7[%swap3A_1033] {strides = array<i32>} : memref<1280xf32, #tpu.memory_space<vmem>>, vector<16xf32>,
      tpu.vector_store %arg7[%swap3A_1033], %scan3A_1023#4 {strides = array<i32>} : memref<1280xf32, #tpu.memory_space<vmem>>, vector<16xf32>,
      %broadcast_in_dim3A_1035 = arith.constant 0.000000e+00 : f32
      %broadcast_in_dim3A_1036 = vector.broadcast %broadcast_in_dim3A_1035 : f32 to vector<16xf32>
      %broadcast_in_dim3A_1037 = arith.constant 0.000000e+00 : f32
      %broadcast_in_dim3A_1038 = vector.broadcast %broadcast_in_dim3A_1037 : f32 to vector<16xf32>
      %broadcast_in_dim3A_1039 = arith.constant 0.000000e+00 : f32
      %broadcast_in_dim3A_1040 = vector.broadcast %broadcast_in_dim3A_1039 : f32 to vector<16xf32>
      %broadcast_in_dim3A_1041 = arith.constant 0.000000e+00 : f32
      %broadcast_in_dim3A_1042 = vector.broadcast %broadcast_in_dim3A_1041 : f32 to vector<16xf32>
      %broadcast_in_dim3A_1043 = arith.constant 0.000000e+00 : f32
      %broadcast_in_dim3A_1044 = vector.broadcast %broadcast_in_dim3A_1043 : f32 to vector<16xf32>
      %scan3A_1045 = arith.constant 0 : i32
      %scan3A_1046 = arith.constant 50 : i32
      %scan3A_1047 = arith.addi %scan3A_1045, %scan3A_1046 : i32
      %scan3A_1048 = arith.constant 1 : i32
      %scan3A_1049:5 = scf.for %scan3A_1116 = %scan3A_1045 to %scan3A_1047 step %scan3A_1048 iter_args(%scan3A_1117 = %broadcast_in_dim3A_1036, %scan3A_1118 = %broadcast_in_dim3A_1038, %scan3A_1119 = %broadcast_in_dim3A_1040, %scan3A_1120 = %broadcast_in_dim3A_1042, %scan3A_1121 = %broadcast_in_dim3A_1044) -> (vector<16xf32>, vector<16xf32>, vector<16xf32>, vector<16xf32>, vector<16xf32>)  : i32 {
        %mul3A_1122 = arith.constant 4 : i32
        %mul3A_1123 = arith.muli %scan3A_1116, %mul3A_1122 : i32
        %add3A_1124 = arith.constant 2600 : i32
        %add3A_1125 = arith.addi %add3A_1124, %mul3A_1123 : i32
        %add3A_1126 = vector.broadcast %add3A_1125 : i32 to vector<16xi32>
        %add3A_1127 = arith.addi %select_n3A, %add3A_1126 : vector<16xi32>
        %gather3A = tpu.vector_load_idx %arg6[%add3A_1127, %select_n3A_185] : memref<3200x20xf32, #tpu.memory_space<vmem>>[vector<16xi32>, vector<16xi32>], vector<16xf32>,
        %add3A_1128 = arith.addf %scan3A_1117, %gather3A : vector<16xf32>
        %add3A_1129 = vector.broadcast %add3A_1125 : i32 to vector<16xi32>
        %add3A_1130 = arith.addi %select_n3A_60, %add3A_1129 : vector<16xi32>
        %gather3A_1131 = tpu.vector_load_idx %arg6[%add3A_1130, %select_n3A_210] : memref<3200x20xf32, #tpu.memory_space<vmem>>[vector<16xi32>, vector<16xi32>], vector<16xf32>,
        %add3A_1132 = arith.addf %scan3A_1118, %gather3A_1131 : vector<16xf32>
        %add3A_1133 = vector.broadcast %add3A_1125 : i32 to vector<16xi32>
        %add3A_1134 = arith.addi %select_n3A_94, %add3A_1133 : vector<16xi32>
        %gather3A_1135 = tpu.vector_load_idx %arg6[%add3A_1134, %select_n3A_235] : memref<3200x20xf32, #tpu.memory_space<vmem>>[vector<16xi32>, vector<16xi32>], vector<16xf32>,
        %add3A_1136 = arith.addf %scan3A_1119, %gather3A_1135 : vector<16xf32>
        %add3A_1137 = vector.broadcast %add3A_1125 : i32 to vector<16xi32>
        %add3A_1138 = arith.addi %select_n3A_128, %add3A_1137 : vector<16xi32>
        %gather3A_1139 = tpu.vector_load_idx %arg6[%add3A_1138, %select_n3A_260] : memref<3200x20xf32, #tpu.memory_space<vmem>>[vector<16xi32>, vector<16xi32>], vector<16xf32>,
        %add3A_1140 = arith.addf %scan3A_1120, %gather3A_1139 : vector<16xf32>
        %add3A_1141 = vector.broadcast %add3A_1125 : i32 to vector<16xi32>
        %add3A_1142 = arith.addi %select_n3A_162, %add3A_1141 : vector<16xi32>
        %gather3A_1143 = tpu.vector_load_idx %arg6[%add3A_1142, %select_n3A_285] : memref<3200x20xf32, #tpu.memory_space<vmem>>[vector<16xi32>, vector<16xi32>], vector<16xf32>,
        %add3A_1144 = arith.addf %scan3A_1121, %gather3A_1143 : vector<16xf32>
        scf.yield %add3A_1128, %add3A_1132, %add3A_1136, %add3A_1140, %add3A_1144 : vector<16xf32>, vector<16xf32>, vector<16xf32>, vector<16xf32>, vector<16xf32>
      }
      %scan3A_1050 = arith.constant 50 : i32
      %swap3A_1051 = arith.constant 1040 : index
      %swap3A_1052 = tpu.vector_load %arg7[%swap3A_1051] {strides = array<i32>} : memref<1280xf32, #tpu.memory_space<vmem>>, vector<16xf32>,
      tpu.vector_store %arg7[%swap3A_1051], %scan3A_1049#0 {strides = array<i32>} : memref<1280xf32, #tpu.memory_space<vmem>>, vector<16xf32>,
      %swap3A_1053 = arith.constant 1056 : index
      %swap3A_1054 = tpu.vector_load %arg7[%swap3A_1053] {strides = array<i32>} : memref<1280xf32, #tpu.memory_space<vmem>>, vector<16xf32>,
      tpu.vector_store %arg7[%swap3A_1053], %scan3A_1049#1 {strides = array<i32>} : memref<1280xf32, #tpu.memory_space<vmem>>, vector<16xf32>,
      %swap3A_1055 = arith.constant 1072 : index
      %swap3A_1056 = tpu.vector_load %arg7[%swap3A_1055] {strides = array<i32>} : memref<1280xf32, #tpu.memory_space<vmem>>, vector<16xf32>,
      tpu.vector_store %arg7[%swap3A_1055], %scan3A_1049#2 {strides = array<i32>} : memref<1280xf32, #tpu.memory_space<vmem>>, vector<16xf32>,
      %swap3A_1057 = arith.constant 1088 : index
      %swap3A_1058 = tpu.vector_load %arg7[%swap3A_1057] {strides = array<i32>} : memref<1280xf32, #tpu.memory_space<vmem>>, vector<16xf32>,
      tpu.vector_store %arg7[%swap3A_1057], %scan3A_1049#3 {strides = array<i32>} : memref<1280xf32, #tpu.memory_space<vmem>>, vector<16xf32>,
      %swap3A_1059 = arith.constant 1104 : index
      %swap3A_1060 = tpu.vector_load %arg7[%swap3A_1059] {strides = array<i32>} : memref<1280xf32, #tpu.memory_space<vmem>>, vector<16xf32>,
      tpu.vector_store %arg7[%swap3A_1059], %scan3A_1049#4 {strides = array<i32>} : memref<1280xf32, #tpu.memory_space<vmem>>, vector<16xf32>,
      %broadcast_in_dim3A_1061 = arith.constant 0.000000e+00 : f32
      %broadcast_in_dim3A_1062 = vector.broadcast %broadcast_in_dim3A_1061 : f32 to vector<16xf32>
      %broadcast_in_dim3A_1063 = arith.constant 0.000000e+00 : f32
      %broadcast_in_dim3A_1064 = vector.broadcast %broadcast_in_dim3A_1063 : f32 to vector<16xf32>
      %broadcast_in_dim3A_1065 = arith.constant 0.000000e+00 : f32
      %broadcast_in_dim3A_1066 = vector.broadcast %broadcast_in_dim3A_1065 : f32 to vector<16xf32>
      %broadcast_in_dim3A_1067 = arith.constant 0.000000e+00 : f32
      %broadcast_in_dim3A_1068 = vector.broadcast %broadcast_in_dim3A_1067 : f32 to vector<16xf32>
      %broadcast_in_dim3A_1069 = arith.constant 0.000000e+00 : f32
      %broadcast_in_dim3A_1070 = vector.broadcast %broadcast_in_dim3A_1069 : f32 to vector<16xf32>
      %scan3A_1071 = arith.constant 0 : i32
      %scan3A_1072 = arith.constant 50 : i32
      %scan3A_1073 = arith.addi %scan3A_1071, %scan3A_1072 : i32
      %scan3A_1074 = arith.constant 1 : i32
      %scan3A_1075:5 = scf.for %scan3A_1116 = %scan3A_1071 to %scan3A_1073 step %scan3A_1074 iter_args(%scan3A_1117 = %broadcast_in_dim3A_1062, %scan3A_1118 = %broadcast_in_dim3A_1064, %scan3A_1119 = %broadcast_in_dim3A_1066, %scan3A_1120 = %broadcast_in_dim3A_1068, %scan3A_1121 = %broadcast_in_dim3A_1070) -> (vector<16xf32>, vector<16xf32>, vector<16xf32>, vector<16xf32>, vector<16xf32>)  : i32 {
        %mul3A_1122 = arith.constant 4 : i32
        %mul3A_1123 = arith.muli %scan3A_1116, %mul3A_1122 : i32
        %add3A_1124 = arith.constant 2800 : i32
        %add3A_1125 = arith.addi %add3A_1124, %mul3A_1123 : i32
        %add3A_1126 = vector.broadcast %add3A_1125 : i32 to vector<16xi32>
        %add3A_1127 = arith.addi %select_n3A, %add3A_1126 : vector<16xi32>
        %gather3A = tpu.vector_load_idx %arg6[%add3A_1127, %select_n3A_185] : memref<3200x20xf32, #tpu.memory_space<vmem>>[vector<16xi32>, vector<16xi32>], vector<16xf32>,
        %add3A_1128 = arith.addf %scan3A_1117, %gather3A : vector<16xf32>
        %add3A_1129 = vector.broadcast %add3A_1125 : i32 to vector<16xi32>
        %add3A_1130 = arith.addi %select_n3A_60, %add3A_1129 : vector<16xi32>
        %gather3A_1131 = tpu.vector_load_idx %arg6[%add3A_1130, %select_n3A_210] : memref<3200x20xf32, #tpu.memory_space<vmem>>[vector<16xi32>, vector<16xi32>], vector<16xf32>,
        %add3A_1132 = arith.addf %scan3A_1118, %gather3A_1131 : vector<16xf32>
        %add3A_1133 = vector.broadcast %add3A_1125 : i32 to vector<16xi32>
        %add3A_1134 = arith.addi %select_n3A_94, %add3A_1133 : vector<16xi32>
        %gather3A_1135 = tpu.vector_load_idx %arg6[%add3A_1134, %select_n3A_235] : memref<3200x20xf32, #tpu.memory_space<vmem>>[vector<16xi32>, vector<16xi32>], vector<16xf32>,
        %add3A_1136 = arith.addf %scan3A_1119, %gather3A_1135 : vector<16xf32>
        %add3A_1137 = vector.broadcast %add3A_1125 : i32 to vector<16xi32>
        %add3A_1138 = arith.addi %select_n3A_128, %add3A_1137 : vector<16xi32>
        %gather3A_1139 = tpu.vector_load_idx %arg6[%add3A_1138, %select_n3A_260] : memref<3200x20xf32, #tpu.memory_space<vmem>>[vector<16xi32>, vector<16xi32>], vector<16xf32>,
        %add3A_1140 = arith.addf %scan3A_1120, %gather3A_1139 : vector<16xf32>
        %add3A_1141 = vector.broadcast %add3A_1125 : i32 to vector<16xi32>
        %add3A_1142 = arith.addi %select_n3A_162, %add3A_1141 : vector<16xi32>
        %gather3A_1143 = tpu.vector_load_idx %arg6[%add3A_1142, %select_n3A_285] : memref<3200x20xf32, #tpu.memory_space<vmem>>[vector<16xi32>, vector<16xi32>], vector<16xf32>,
        %add3A_1144 = arith.addf %scan3A_1121, %gather3A_1143 : vector<16xf32>
        scf.yield %add3A_1128, %add3A_1132, %add3A_1136, %add3A_1140, %add3A_1144 : vector<16xf32>, vector<16xf32>, vector<16xf32>, vector<16xf32>, vector<16xf32>
      }
      %scan3A_1076 = arith.constant 50 : i32
      %swap3A_1077 = arith.constant 1120 : index
      %swap3A_1078 = tpu.vector_load %arg7[%swap3A_1077] {strides = array<i32>} : memref<1280xf32, #tpu.memory_space<vmem>>, vector<16xf32>,
      tpu.vector_store %arg7[%swap3A_1077], %scan3A_1075#0 {strides = array<i32>} : memref<1280xf32, #tpu.memory_space<vmem>>, vector<16xf32>,
      %swap3A_1079 = arith.constant 1136 : index
      %swap3A_1080 = tpu.vector_load %arg7[%swap3A_1079] {strides = array<i32>} : memref<1280xf32, #tpu.memory_space<vmem>>, vector<16xf32>,
      tpu.vector_store %arg7[%swap3A_1079], %scan3A_1075#1 {strides = array<i32>} : memref<1280xf32, #tpu.memory_space<vmem>>, vector<16xf32>,
      %swap3A_1081 = arith.constant 1152 : index
      %swap3A_1082 = tpu.vector_load %arg7[%swap3A_1081] {strides = array<i32>} : memref<1280xf32, #tpu.memory_space<vmem>>, vector<16xf32>,
      tpu.vector_store %arg7[%swap3A_1081], %scan3A_1075#2 {strides = array<i32>} : memref<1280xf32, #tpu.memory_space<vmem>>, vector<16xf32>,
      %swap3A_1083 = arith.constant 1168 : index
      %swap3A_1084 = tpu.vector_load %arg7[%swap3A_1083] {strides = array<i32>} : memref<1280xf32, #tpu.memory_space<vmem>>, vector<16xf32>,
      tpu.vector_store %arg7[%swap3A_1083], %scan3A_1075#3 {strides = array<i32>} : memref<1280xf32, #tpu.memory_space<vmem>>, vector<16xf32>,
      %swap3A_1085 = arith.constant 1184 : index
      %swap3A_1086 = tpu.vector_load %arg7[%swap3A_1085] {strides = array<i32>} : memref<1280xf32, #tpu.memory_space<vmem>>, vector<16xf32>,
      tpu.vector_store %arg7[%swap3A_1085], %scan3A_1075#4 {strides = array<i32>} : memref<1280xf32, #tpu.memory_space<vmem>>, vector<16xf32>,
      %broadcast_in_dim3A_1087 = arith.constant 0.000000e+00 : f32
      %broadcast_in_dim3A_1088 = vector.broadcast %broadcast_in_dim3A_1087 : f32 to vector<16xf32>
      %broadcast_in_dim3A_1089 = arith.constant 0.000000e+00 : f32
      %broadcast_in_dim3A_1090 = vector.broadcast %broadcast_in_dim3A_1089 : f32 to vector<16xf32>
      %broadcast_in_dim3A_1091 = arith.constant 0.000000e+00 : f32
      %broadcast_in_dim3A_1092 = vector.broadcast %broadcast_in_dim3A_1091 : f32 to vector<16xf32>
      %broadcast_in_dim3A_1093 = arith.constant 0.000000e+00 : f32
      %broadcast_in_dim3A_1094 = vector.broadcast %broadcast_in_dim3A_1093 : f32 to vector<16xf32>
      %broadcast_in_dim3A_1095 = arith.constant 0.000000e+00 : f32
      %broadcast_in_dim3A_1096 = vector.broadcast %broadcast_in_dim3A_1095 : f32 to vector<16xf32>
      %scan3A_1097 = arith.constant 0 : i32
      %scan3A_1098 = arith.constant 50 : i32
      %scan3A_1099 = arith.addi %scan3A_1097, %scan3A_1098 : i32
      %scan3A_1100 = arith.constant 1 : i32
      %scan3A_1101:5 = scf.for %scan3A_1116 = %scan3A_1097 to %scan3A_1099 step %scan3A_1100 iter_args(%scan3A_1117 = %broadcast_in_dim3A_1088, %scan3A_1118 = %broadcast_in_dim3A_1090, %scan3A_1119 = %broadcast_in_dim3A_1092, %scan3A_1120 = %broadcast_in_dim3A_1094, %scan3A_1121 = %broadcast_in_dim3A_1096) -> (vector<16xf32>, vector<16xf32>, vector<16xf32>, vector<16xf32>, vector<16xf32>)  : i32 {
        %mul3A_1122 = arith.constant 4 : i32
        %mul3A_1123 = arith.muli %scan3A_1116, %mul3A_1122 : i32
        %add3A_1124 = arith.constant 3000 : i32
        %add3A_1125 = arith.addi %add3A_1124, %mul3A_1123 : i32
        %add3A_1126 = vector.broadcast %add3A_1125 : i32 to vector<16xi32>
        %add3A_1127 = arith.addi %select_n3A, %add3A_1126 : vector<16xi32>
        %gather3A = tpu.vector_load_idx %arg6[%add3A_1127, %select_n3A_185] : memref<3200x20xf32, #tpu.memory_space<vmem>>[vector<16xi32>, vector<16xi32>], vector<16xf32>,
        %add3A_1128 = arith.addf %scan3A_1117, %gather3A : vector<16xf32>
        %add3A_1129 = vector.broadcast %add3A_1125 : i32 to vector<16xi32>
        %add3A_1130 = arith.addi %select_n3A_60, %add3A_1129 : vector<16xi32>
        %gather3A_1131 = tpu.vector_load_idx %arg6[%add3A_1130, %select_n3A_210] : memref<3200x20xf32, #tpu.memory_space<vmem>>[vector<16xi32>, vector<16xi32>], vector<16xf32>,
        %add3A_1132 = arith.addf %scan3A_1118, %gather3A_1131 : vector<16xf32>
        %add3A_1133 = vector.broadcast %add3A_1125 : i32 to vector<16xi32>
        %add3A_1134 = arith.addi %select_n3A_94, %add3A_1133 : vector<16xi32>
        %gather3A_1135 = tpu.vector_load_idx %arg6[%add3A_1134, %select_n3A_235] : memref<3200x20xf32, #tpu.memory_space<vmem>>[vector<16xi32>, vector<16xi32>], vector<16xf32>,
        %add3A_1136 = arith.addf %scan3A_1119, %gather3A_1135 : vector<16xf32>
        %add3A_1137 = vector.broadcast %add3A_1125 : i32 to vector<16xi32>
        %add3A_1138 = arith.addi %select_n3A_128, %add3A_1137 : vector<16xi32>
        %gather3A_1139 = tpu.vector_load_idx %arg6[%add3A_1138, %select_n3A_260] : memref<3200x20xf32, #tpu.memory_space<vmem>>[vector<16xi32>, vector<16xi32>], vector<16xf32>,
        %add3A_1140 = arith.addf %scan3A_1120, %gather3A_1139 : vector<16xf32>
        %add3A_1141 = vector.broadcast %add3A_1125 : i32 to vector<16xi32>
        %add3A_1142 = arith.addi %select_n3A_162, %add3A_1141 : vector<16xi32>
        %gather3A_1143 = tpu.vector_load_idx %arg6[%add3A_1142, %select_n3A_285] : memref<3200x20xf32, #tpu.memory_space<vmem>>[vector<16xi32>, vector<16xi32>], vector<16xf32>,
        %add3A_1144 = arith.addf %scan3A_1121, %gather3A_1143 : vector<16xf32>
        scf.yield %add3A_1128, %add3A_1132, %add3A_1136, %add3A_1140, %add3A_1144 : vector<16xf32>, vector<16xf32>, vector<16xf32>, vector<16xf32>, vector<16xf32>
      }
      %scan3A_1102 = arith.constant 50 : i32
      %swap3A_1103 = arith.constant 1200 : index
      %swap3A_1104 = tpu.vector_load %arg7[%swap3A_1103] {strides = array<i32>} : memref<1280xf32, #tpu.memory_space<vmem>>, vector<16xf32>,
      tpu.vector_store %arg7[%swap3A_1103], %scan3A_1101#0 {strides = array<i32>} : memref<1280xf32, #tpu.memory_space<vmem>>, vector<16xf32>,
      %swap3A_1105 = arith.constant 1216 : index
      %swap3A_1106 = tpu.vector_load %arg7[%swap3A_1105] {strides = array<i32>} : memref<1280xf32, #tpu.memory_space<vmem>>, vector<16xf32>,
      tpu.vector_store %arg7[%swap3A_1105], %scan3A_1101#1 {strides = array<i32>} : memref<1280xf32, #tpu.memory_space<vmem>>, vector<16xf32>,
      %swap3A_1107 = arith.constant 1232 : index
      %swap3A_1108 = tpu.vector_load %arg7[%swap3A_1107] {strides = array<i32>} : memref<1280xf32, #tpu.memory_space<vmem>>, vector<16xf32>,
      tpu.vector_store %arg7[%swap3A_1107], %scan3A_1101#2 {strides = array<i32>} : memref<1280xf32, #tpu.memory_space<vmem>>, vector<16xf32>,
      %swap3A_1109 = arith.constant 1248 : index
      %swap3A_1110 = tpu.vector_load %arg7[%swap3A_1109] {strides = array<i32>} : memref<1280xf32, #tpu.memory_space<vmem>>, vector<16xf32>,
      tpu.vector_store %arg7[%swap3A_1109], %scan3A_1101#3 {strides = array<i32>} : memref<1280xf32, #tpu.memory_space<vmem>>, vector<16xf32>,
      %swap3A_1111 = arith.constant 1264 : index
      %swap3A_1112 = tpu.vector_load %arg7[%swap3A_1111] {strides = array<i32>} : memref<1280xf32, #tpu.memory_space<vmem>>, vector<16xf32>,
      tpu.vector_store %arg7[%swap3A_1111], %scan3A_1101#4 {strides = array<i32>} : memref<1280xf32, #tpu.memory_space<vmem>>, vector<16xf32>,
      %mul3A_1113 = arith.constant 80 : i32
      %mul3A_1114 = arith.muli %add3A_298, %mul3A_1113 : i32
      "tpu.region"() ({
        %run_scoped3A = tpu.sem_alloc : memref<!tpu.dma_semaphore, #tpu.memory_space<semaphore_mem>>
        %dma_start3A_1116 = tpu.memref_slice %arg4[%mul3A_1114] : memref<1310720xf32, #tpu.memory_space<hbm>> -> memref<1280xf32, #tpu.memory_space<hbm>>
        %dma_start3A_1117 = tpu.memref_slice %arg4[%mul3A_1114] : memref<1310720xf32, #tpu.memory_space<hbm>> -> memref<1280xf32, #tpu.memory_space<hbm>>
        tpu.enqueue_dma source(%arg7 : memref<1280xf32, #tpu.memory_space<vmem>>) target(%dma_start3A_1117 : memref<1280xf32, #tpu.memory_space<hbm>>) target_semaphore(%run_scoped3A : memref<!tpu.dma_semaphore, #tpu.memory_space<semaphore_mem>>)
        %dma_wait3A_1118 = tpu.memref_slice %arg4[%mul3A_1114] : memref<1310720xf32, #tpu.memory_space<hbm>> -> memref<1280xf32, #tpu.memory_space<hbm>>
        %dma_wait3A_1119 = tpu.memref_slice %arg4[%mul3A_1114] : memref<1310720xf32, #tpu.memory_space<hbm>> -> memref<1280xf32, #tpu.memory_space<hbm>>
        tpu.wait_dma2 semaphore(%run_scoped3A : memref<!tpu.dma_semaphore, #tpu.memory_space<semaphore_mem>>) src(%arg7 : memref<1280xf32, #tpu.memory_space<vmem>>) dst(%dma_wait3A_1119 : memref<1280xf32, #tpu.memory_space<hbm>>)
        tpu.yield
      }) : () -> ()
      %scan3A_1115 = arith.constant 0 : i32
      scf.yield %scan3A_1115 : i32
    }
    %scan3A_291 = arith.constant 32 : i32
    return
  }
}

module attributes {stable_mosaic.version = 14 : i64} {
  func.func @_tc_body(%arg0: i32, %arg1: memref<2048x200xi32, #tpu.memory_space<vmem>>, %arg2: memref<2048x80xf32, #tpu.memory_space<vmem>>, %arg3: memref<20x128xf32, #tpu.memory_space<vmem>>, %arg4: memref<1x128xf32, #tpu.memory_space<vmem>>, %arg5: memref<1x128xf32, #tpu.memory_space<vmem>>, %arg6: memref<1x1xf32, #tpu.memory_space<vmem>>, %arg7: memref<2048x1xf32, #tpu.memory_space<vmem>>) attributes {dimension_semantics = [#tpu.dimension_semantics<arbitrary>], iteration_bounds = array<i64: 8>, scalar_prefetch = 0 : i64, scratch_operands = 0 : i64, tpu.core_type = #tpu.core_type<tc>, window_params = [{transform_indices = @transform_0, window_bounds = array<i64: 2048, 200>}, {transform_indices = @transform_1, window_bounds = array<i64: 2048, 80>}, {pipeline_mode = #tpu.pipeline_mode<synchronous>, transform_indices = @transform_2, window_bounds = array<i64: 20, 128>}, {pipeline_mode = #tpu.pipeline_mode<synchronous>, transform_indices = @transform_3, window_bounds = array<i64: 1, 128>}, {pipeline_mode = #tpu.pipeline_mode<synchronous>, transform_indices = @transform_4, window_bounds = array<i64: 1, 128>}, {pipeline_mode = #tpu.pipeline_mode<synchronous>, transform_indices = @transform_5, window_bounds = array<i64: 1, 1>}, {transform_indices = @transform_6, window_bounds = array<i64: 2048, 1>}]} {
    %get3A = arith.constant 0 : index
    %get3A_0 = arith.constant 0 : index
    %get3A_1 = vector.load %arg1[%get3A, %get3A_0] : memref<2048x200xi32, #tpu.memory_space<vmem>>, vector<2048x200xi32>
    %ne3A = arith.constant 0 : i32
    %ne3A_2 = vector.broadcast %ne3A : i32 to vector<2048x200xi32>
    %ne3A_3 = arith.cmpi ne, %get3A_1, %ne3A_2 : vector<2048x200xi32>
    %convert_element_type3A = arith.extui %ne3A_3 : vector<2048x200xi1> to vector<2048x200xi32>
    %convert_element_type3A_4 = arith.sitofp %convert_element_type3A : vector<2048x200xi32> to vector<2048x200xf32>
    %reduce_sum3A = arith.constant dense<0.000000e+00> : vector<2048xf32>
    %reduce_sum3A_5 = vector.multi_reduction <add>, %convert_element_type3A_4, %reduce_sum3A [1] : vector<2048x200xf32> to vector<2048xf32>
    %broadcast_in_dim3A = vector.shape_cast %reduce_sum3A_5 : vector<2048xf32> to vector<2048x1xf32>
    %get3A_6 = arith.constant 0 : index
    %get3A_7 = arith.constant 0 : index
    %get3A_8 = vector.load %arg2[%get3A_6, %get3A_7] : memref<2048x80xf32, #tpu.memory_space<vmem>>, vector<2048x80xf32>
    %slice3A = vector.extract_strided_slice %get3A_8 {offsets = [0, 0], sizes = [2048, 20], strides = [1, 1]} : vector<2048x80xf32> to vector<2048x20xf32>
    %slice3A_9 = vector.extract_strided_slice %get3A_8 {offsets = [0, 20], sizes = [2048, 20], strides = [1, 1]} : vector<2048x80xf32> to vector<2048x20xf32>
    %add3A = arith.addf %slice3A, %slice3A_9 : vector<2048x20xf32>
    %slice3A_10 = vector.extract_strided_slice %get3A_8 {offsets = [0, 40], sizes = [2048, 20], strides = [1, 1]} : vector<2048x80xf32> to vector<2048x20xf32>
    %add3A_11 = arith.addf %add3A, %slice3A_10 : vector<2048x20xf32>
    %slice3A_12 = vector.extract_strided_slice %get3A_8 {offsets = [0, 60], sizes = [2048, 20], strides = [1, 1]} : vector<2048x80xf32> to vector<2048x20xf32>
    %add3A_13 = arith.addf %add3A_11, %slice3A_12 : vector<2048x20xf32>
    %max3A = arith.constant 9.99999971E-10 : f32
    %max3A_14 = vector.broadcast %max3A : f32 to vector<2048x1xf32>
    %max3A_15 = arith.maximumf %broadcast_in_dim3A, %max3A_14 : vector<2048x1xf32>
    %div3A = vector.broadcast %max3A_15 : vector<2048x1xf32> to vector<2048x20xf32>
    %div3A_16 = arith.divf %add3A_13, %div3A : vector<2048x20xf32>
    %get3A_17 = arith.constant 0 : index
    %get3A_18 = arith.constant 0 : index
    %get3A_19 = vector.load %arg3[%get3A_17, %get3A_18] : memref<20x128xf32, #tpu.memory_space<vmem>>, vector<20x128xf32>
    %dot_general3A = arith.constant dense<0.000000e+00> : vector<2048x128xf32>
    %dot_general3A_20 = tpu.matmul %div3A_16, %get3A_19, %dot_general3A {dimension_numbers = #tpu.dot_dimension_numbers<[1], [0], [0], [1], [0, 0, 1, 1], [], []>, transpose_lhs_hint = false} : vector<2048x20xf32>, vector<20x128xf32>, vector<2048x128xf32> -> vector<2048x128xf32>
    %get3A_21 = arith.constant 0 : index
    %get3A_22 = arith.constant 0 : index
    %get3A_23 = vector.load %arg4[%get3A_21, %get3A_22] : memref<1x128xf32, #tpu.memory_space<vmem>>, vector<1x128xf32>
    %add3A_24 = vector.broadcast %get3A_23 : vector<1x128xf32> to vector<2048x128xf32>
    %add3A_25 = arith.addf %dot_general3A_20, %add3A_24 : vector<2048x128xf32>
    %max3A_26 = arith.constant 0.000000e+00 : f32
    %max3A_27 = vector.broadcast %max3A_26 : f32 to vector<2048x128xf32>
    %max3A_28 = arith.maximumf %add3A_25, %max3A_27 : vector<2048x128xf32>
    %get3A_29 = arith.constant 0 : index
    %get3A_30 = arith.constant 0 : index
    %get3A_31 = vector.load %arg5[%get3A_29, %get3A_30] : memref<1x128xf32, #tpu.memory_space<vmem>>, vector<1x128xf32>
    %mul3A = vector.broadcast %get3A_31 : vector<1x128xf32> to vector<2048x128xf32>
    %mul3A_32 = arith.mulf %max3A_28, %mul3A : vector<2048x128xf32>
    %reduce_sum3A_33 = arith.constant dense<0.000000e+00> : vector<2048xf32>
    %reduce_sum3A_34 = vector.multi_reduction <add>, %mul3A_32, %reduce_sum3A_33 [1] : vector<2048x128xf32> to vector<2048xf32>
    %broadcast_in_dim3A_35 = vector.shape_cast %reduce_sum3A_34 : vector<2048xf32> to vector<2048x1xf32>
    %get3A_36 = arith.constant 0 : index
    %get3A_37 = arith.constant 0 : index
    %get3A_38 = vector.load %arg6[%get3A_36, %get3A_37] : memref<1x1xf32, #tpu.memory_space<vmem>>, vector<1x1xf32>
    %add3A_39 = vector.broadcast %get3A_38 : vector<1x1xf32> to vector<2048x1xf32>
    %add3A_40 = arith.addf %broadcast_in_dim3A_35, %add3A_39 : vector<2048x1xf32>
    %logistic3A = arith.negf %add3A_40 : vector<2048x1xf32>
    %logistic3A_41 = math.exp %logistic3A : vector<2048x1xf32>
    %logistic3A_42 = arith.constant 1.000000e+00 : f32
    %logistic3A_43 = vector.broadcast %logistic3A_42 : f32 to vector<2048x1xf32>
    %logistic3A_44 = arith.addf %logistic3A_43, %logistic3A_41 : vector<2048x1xf32>
    %logistic3A_45 = arith.divf %logistic3A_43, %logistic3A_44 : vector<2048x1xf32>
    %swap3A = arith.constant 0 : index
    %swap3A_46 = arith.constant 0 : index
    %swap3A_47 = vector.load %arg7[%swap3A, %swap3A_46] : memref<2048x1xf32, #tpu.memory_space<vmem>>, vector<2048x1xf32>
    tpu.vector_store %arg7[%swap3A, %swap3A_46], %logistic3A_45 {strides = array<i32>} : memref<2048x1xf32, #tpu.memory_space<vmem>>, vector<2048x1xf32>,
    return
  }
  func.func @transform_0(%arg0: i32) -> (i32, i32) {
    %c0_i32 = arith.constant 0 : i32
    %c0_i32_0 = arith.constant 0 : i32
    return %arg0, %c0_i32 : i32, i32
  }
  func.func @transform_1(%arg0: i32) -> (i32, i32) {
    %c0_i32 = arith.constant 0 : i32
    %c0_i32_0 = arith.constant 0 : i32
    return %arg0, %c0_i32 : i32, i32
  }
  func.func @transform_2(%arg0: i32) -> (i32, i32) {
    %c0_i32 = arith.constant 0 : i32
    %c0_i32_0 = arith.constant 0 : i32
    %c0_i32_1 = arith.constant 0 : i32
    return %c0_i32, %c0_i32_0 : i32, i32
  }
  func.func @transform_3(%arg0: i32) -> (i32, i32) {
    %c0_i32 = arith.constant 0 : i32
    %c0_i32_0 = arith.constant 0 : i32
    %c0_i32_1 = arith.constant 0 : i32
    return %c0_i32, %c0_i32_0 : i32, i32
  }
  func.func @transform_4(%arg0: i32) -> (i32, i32) {
    %c0_i32 = arith.constant 0 : i32
    %c0_i32_0 = arith.constant 0 : i32
    %c0_i32_1 = arith.constant 0 : i32
    return %c0_i32, %c0_i32_0 : i32, i32
  }
  func.func @transform_5(%arg0: i32) -> (i32, i32) {
    %c0_i32 = arith.constant 0 : i32
    %c0_i32_0 = arith.constant 0 : i32
    %c0_i32_1 = arith.constant 0 : i32
    return %c0_i32, %c0_i32_0 : i32, i32
  }
  func.func @transform_6(%arg0: i32) -> (i32, i32) {
    %c0_i32 = arith.constant 0 : i32
    %c0_i32_0 = arith.constant 0 : i32
    return %arg0, %c0_i32 : i32, i32
  }
}

</mosaic_0001>

<sc_bundles>
// kernel: kernel.4.cloned.1.call-start
scs
__scs_entry_jumppad:
0x0: {  	(pc) =	sbr.rel $0x88, $3  }
0x1: {  	(tag) =	ssettag $0x0;
	lr =	simm.s32 $0x1  }
0x2: {  	[smem:$0x3F9B] =	sst lr;
	_ =	strace $0xD0000000  }
0x3: {  	_ = 	snop  }
0x4: {  	_ = 	snop  }
0x5: {  	_ = 	snop  }
0x6: {  	_ = 	snop  }
0x7: {  	_ = 	snop  }
__scs_overlays_trampoline_lowered:
0x8: {  	[smem:$0x3FAA] =	sst s0  }
0x9: {  	[smem:$0x3FAB] =	sst s1  }
0xa: {  	[smem:$0x3FAC] =	sst s2  }
0xb: {  	[smem:$0x3FAD] =	sst s3  }
0xc: {  	[smem:$0x3FAE] =	sst s4  }
0xd: {  	[smem:$0x3FAF] =	sst s5  }
0xe: {  	[smem:$0x3FB0] =	sst s6  }
0xf: {  	[smem:$0x3FB1] =	sst s7  }
0x10: {  	[smem:$0x3FB2] =	sst s8  }
0x11: {  	[smem:$0x3FB3] =	sst s9;
	s0 =	simm.s32 @!p0 $0x0  }
0x12: {  	s1 =	sld [smem:$0x3F99];
	s0 =	simm.s32 @p0 $0x1  }
0x13: {  	[smem:$0x3FB4] =	sst s0;
	s0 =	simm.s32 @!p1 $0x0  }
0x14: {  	s2 =	sld [smem:$0x3F98];
	s0 =	simm.s32 @p1 $0x1  }
0x15: {  	[smem:$0x3FB5] =	sst s0;
	s0 =	simm.s32 @!p2 $0x0  }
0x16: {  	s3 =	sld [smem:$0x3FDB];
	s0 =	simm.s32 @p2 $0x1  }
0x17: {  	s4 =	simm.s32 $0x1BF5;
	[smem:$0x3FB7] =	sst s0  }
0x18: {  	s0 =	sld [smem:$0x3F9A];
	_ =	swait.ge [sflag:s4], $0x0  }
0x19: {  	s7 =	sld [smem:$0x3F9B]  }
0x1a: {  	s8 =	sadd.s32 $0xFFFFE003, lr  }
0x1b: {  	s9 =	sadd.s32 $0xFFFFFEF7, lr;
	s5 =	simm.s32 $0xFFFFFFFF;
	p2 =	slt.u32 s8, $0xFFFFF086  }
0x1c: {  	p1 =	slt.u32 s9, $0xF7A;
	s5 =	simm.s32 @!p2 $0x0  }
0x1d: {  	s5 =	simm.s32 @p1 $0x1;
	p0 =	seq.s32 s7, s2  }
0x1e: {  	s7 =	smul.u32 @!p0 $0xF7A, s2;
	p2 =	seq.s32 @!p0 s5, $0x0  }
0x1f: {  	s9 =	smul.u32 $0xF7A, s1;
	s8 =	simm.s32 @!p0 $0x1BF5;
	p2 =	por !p2, p0  }
0x20: {  	[sflag:s8] =	ssyncset.s32 @!p0 $0xFFFFF086;
	s6 =	sadd.s32 @!p0 s3, s7;
	s7 =	simm.s32 @!p0 $0x108  }
0x21: {  	s3 =	sadd.s32 s3, s9;
	s6 =	sadd.s32 @!p0 $0x88, s6;
	s7 =	simm.s32 @p2 $0x1082  }
0x22: {  	[simem:s7], [sflag:s8] =	dma.local @!p0 [hbm:s6], $0xF7A  }
0x23: {  	s9 =	sor.u32 $0xD0000000, s2;
	s6 =	simm.s32 $0x108;
	_ =	swait.ge @!p0 [sflag:s8], $0x0  }
0x24: {  	s3 =	sadd.s32 $0x88, s3;
	s6 =	simm.s32 @!p1 $0x1082;
	[sflag:s4] =	ssyncset.s32 $0xFFFFF086  }
0x25: {  	[simem:s6], [sflag:s4] =	dma.local [hbm:s3], $0xF7A  }
0x26: {  	[smem:$0x3F9B] =	sst s1;
	(tag) =	ssettag s2;
	_ =	strace s9  }
0x27: {  	s1 =	sld [smem:$0x3FAB]  }
0x28: {  	s2 =	sld [smem:$0x3FAC]  }
0x29: {  	s4 =	sld [smem:$0x3FAE]  }
0x2a: {  	p0 =	seq.s32 s5, $0x0;
	s5 =	sld [smem:$0x3FAF]  }
0x2b: {  	s6 =	sld [smem:$0x3FB0]  }
0x2c: {  	s7 =	sld [smem:$0x3FB1]  }
0x2d: {  	s3 =	simm.s32 $0x108;
	s8 =	sld [smem:$0x3FB2]  }
0x2e: {  	s3 =	simm.s32 @!p0 $0x1082;
	s9 =	sld [smem:$0x3FB3]  }
0x2f: {  	lr =	sadd.s32 s0, s3;
	s0 =	sld [smem:$0x3FAA]  }
0x30: {  	s3 =	sld [smem:$0x3FAD]  }
0x31: {  	[smem:$0x3FB6] =	sst s10  }
0x32: {  	s10 =	sld [smem:$0x3FB4];
	_ =	sdelay $0x3  }
0x33: {  	p0 =	seq.s32 s10, $0x1;
	s10 =	sld [smem:$0x3FB6];
	_ =	sdelay $0x3  }
0x34: {  	[smem:$0x3FB6] =	sst s10  }
0x35: {  	s10 =	sld [smem:$0x3FB5];
	_ =	sdelay $0x3  }
0x36: {  	p1 =	seq.s32 s10, $0x1;
	s10 =	sld [smem:$0x3FB6];
	_ =	sdelay $0x3  }
0x37: {  	[smem:$0x3FB6] =	sst s10  }
0x38: {  	s10 =	sld [smem:$0x3FB7]  }
0x39: {  	_ = 	snop;
	(pc) =	sbr.ind lr, $3  }
0x3a: {  	_ = 	snop  }
0x3b: {  	_ = 	snop  }
0x3c: {  	p2 =	seq.s32 s10, $0x1;
	s10 =	sld [smem:$0x3FB6]  }
0x3d: {  	_ =	shalt  }
0x3e: {  	_ =	shalt  }
0x3f: {  	_ =	shalt  }
0x40: {  	_ =	shalt  }
0x41: {  	_ =	shalt  }
0x42: {  	_ =	shalt  }
0x43: {  	_ =	shalt  }
0x44: {  	_ =	shalt  }
0x45: {  	_ =	shalt  }
0x46: {  	_ =	shalt  }
0x47: {  	_ =	shalt  }
0x48: {  	_ =	shalt  }
0x49: {  	_ =	shalt  }
0x4a: {  	_ =	shalt  }
0x4b: {  	_ =	shalt  }
0x4c: {  	_ =	shalt  }
0x4d: {  	_ =	shalt  }
0x4e: {  	_ =	shalt  }
0x4f: {  	_ =	shalt  }
0x50: {  	_ =	shalt  }
0x51: {  	_ =	shalt  }
0x52: {  	_ =	shalt  }
0x53: {  	_ =	shalt  }
0x54: {  	_ =	shalt  }
0x55: {  	_ =	shalt  }
0x56: {  	_ =	shalt  }
0x57: {  	_ =	shalt  }
0x58: {  	_ =	shalt  }
0x59: {  	_ =	shalt  }
0x5a: {  	_ =	shalt  }
0x5b: {  	_ =	shalt  }
0x5c: {  	_ =	shalt  }
0x5d: {  	_ =	shalt  }
0x5e: {  	_ =	shalt  }
0x5f: {  	_ =	shalt  }
0x60: {  	_ =	shalt  }
0x61: {  	_ =	shalt  }
0x62: {  	_ =	shalt  }
0x63: {  	_ =	shalt  }
0x64: {  	_ =	shalt  }
0x65: {  	_ =	shalt  }
0x66: {  	_ =	shalt  }
0x67: {  	_ =	shalt  }
0x68: {  	_ =	shalt  }
0x69: {  	_ =	shalt  }
0x6a: {  	_ =	shalt  }
0x6b: {  	_ =	shalt  }
0x6c: {  	_ =	shalt  }
0x6d: {  	_ =	shalt  }
0x6e: {  	_ =	shalt  }
0x6f: {  	_ =	shalt  }
0x70: {  	_ =	shalt  }
0x71: {  	_ =	shalt  }
0x72: {  	_ =	shalt  }
0x73: {  	_ =	shalt  }
0x74: {  	_ =	shalt  }
0x75: {  	_ =	shalt  }
0x76: {  	_ =	shalt  }
0x77: {  	_ =	shalt  }
0x78: {  	_ =	shalt  }
0x79: {  	_ =	shalt  }
0x7a: {  	_ =	shalt  }
0x7b: {  	_ =	shalt  }
0x7c: {  	_ =	shalt  }
0x7d: {  	_ =	shalt  }
0x7e: {  	_ =	shalt  }
0x7f: {  	_ =	shalt  }
0x80: {  	_ =	shalt  }
0x81: {  	_ =	shalt  }
0x82: {  	_ =	shalt  }
0x83: {  	_ =	shalt  }
0x84: {  	_ =	shalt  }
0x85: {  	_ =	shalt  }
0x86: {  	_ =	shalt  }
0x87: {  	_ =	shalt  }
.Lfunc_end0:
.L_simem_size_0:
called_computation_lowered:
.L_overlay_start_0:
0x88: {  	s2 =	sld [smem:$0x3FD9]  }
0x89: {  	s3 =	sld [smem:$0x3FFE];
	_ =	sdelay $0x1  }
0x8a: {  	s1 =	srdreg.scid  }
0x8b: {  	s0 =	sand.u32 $0x1, s1  }
0x8c: {  	s16 =	sshll.u32 s0, $0xA;
	s2 =	sadd.s32 s3, s2  }
0x8d: {  	s2 =	sadd.s32 s2, s16  }
0x8e: {  	[smem:$0x3FC2] =	sst s2  }
0x8f: {  	_ = 	snop  }
0x90: {  	(tm) =	ssettm $0x1  }
0x91: {  	s17 =	sld [smem:$0x3FFB];
	_ =	sdelay $0x3  }
0x92: {  	_ =	strace s17  }
0x93: {  	s2 =	sld [smem:$0x3FFC];
	_ =	sdelay $0x3  }
0x94: {  	_ =	strace s2  }
0x95: {  	s2 =	sld [smem:$0x3FFD];
	_ =	sdelay $0x3  }
0x96: {  	_ =	strace s2  }
0x97: {  	_ =	strace $0x8FFFFFFF  }
0x98: {  	s18 =	sld [smem:$0x3FDB];
	_ =	sdelay $0x1  }
0x99: {  	s19 =	simm.s32 $_scs_section_size  }
0x9a: {  	s4 =	simm.s32 $_size__tile_overlayer_lowered;
	s5 =	simm.s32 $_tile_overlayer_lowered  }
0x9b: {  	s22 =	simm.s32 $0x1BFF;
	s21 =	sshll.u32 s5, $0x1;
	s2 =	sadd.s32 s19, s18  }
0x9c: {  	s6 =	simm.s32 $0x0;
	s20 =	sshll.u32 s4, $0x1;
	s4 =	sadd.s32 s21, s2  }
0x9d: {  	[timem:s6], [sflag:s22] =	dma.local [hbm:s4], s20  }
0x9e: {  	_ =	swait.ge [sflag:s22], s20  }
0x9f: {  	s3 =	ssub.s32 $0x0, s20;
	[sflag:s22] =	ssyncset.done $0x0  }
0xa0: {  	[sflag:s22] =	ssyncadd.s32 s3;
	_ =	sdelay $0x1  }
0xa1: {  	s23 =	simm.s32 $0x1B8B  }
0xa2: {  	_ =	swait.ge [sflag:s23], $0x1  }
0xa3: {  	[sflag:s23] =	ssyncset.done $0x0  }
0xa4: {  	s25 =	simm.s32 $0x1B8E;
	s24 =	sld [smem:$0x3FFE];
	[sflag:s23] =	ssyncadd.s32 $0xFFFFFFFF  }
0xa5: {  	s26 =	simm.s32 $execute0_lowered;
	[smem:$0x3FD2] =	sst s25  }
0xa6: {  	s4 =	sshll.u32 s26, $0x1;
	_ =	strace $0x80000046;
	[dreg:$0x1] =	wrdreg $0xFFFFFFFF  }
0xa7: {  	s28 =	simm.s32 $_size_execute0_lowered;
	s2 =	sadd.s32 s2, s4;
	[dreg:$0x0] =	wrdreg $0x0  }
0xa8: {  	s4 =	sshll.u32 s28, $0x1;
	[dreg:$0x2] =	wrdreg s2  }
0xa9: {  	[dreg:$0x3] =	wrdreg s4  }
0xaa: {  	[dreg:$0x4] =	wrdreg $0xC0  }
0xab: {  	_ =	task [dreg:s6], $0x5FFFF  }
0xac: {  	[dreg:$0x1] =	wrdreg $0xFFFFFFFF  }
0xad: {  	[dreg:$0x0] =	wrdreg $0x60  }
0xae: {  	[dreg:$0x2] =	wrdreg s24  }
0xaf: {  	[dreg:$0x3] =	wrdreg $0x9  }
0xb0: {  	_ =	task.clear_ibuf [dreg:s6], $0x4FFFF;
	_ =	strace $0x90000046  }
0xb1: {  	s29 =	simm.s32 $0x9;
	_ =	strace $0x80000048  }
0xb2: {  	_ =	swait.ge [sflag:s29], $0x1  }
0xb3: {  	[sflag:s29] =	ssyncadd.s32 $0xFFFFFFFF  }
0xb4: {  	_ =	strace $0x90000048  }
0xb5: {  	_ =	sfence  }
0xb6: {  	s30 =	sld [smem:$0x0];
	_ =	sdelay $0x2  }
0xb7: {  	s31 =	sshll.u32 s1, $0xD;
	s1 =	sshrl.u32 s1, $0x2  }
0xb8: {  	s3 =	sand.u32 $0x4000, s31;
	s1 =	sadd.s32 s1, s30  }
0xb9: {  	s0 =	sor.u32 s3, s0;
	s1 =	sshll.u32 s1, $0x11  }
0xba: {  	s0 =	sor.u32 s1, s0  }
0xbb: {  	s0 =	sadd.s32 $0x8F2B, s0  }
0xbc: {  	[sflag:s0] =	ssyncadd.remote.s32 $0x1  }
0xbd: {  	_ =	sfence.sel $0xFFFF  }
0xbe: {  	[dreg:$0x0] =	wrdreg $0xFFFFFFFF;
	(pc) =	sbr.abs _section_cstart, $3  }
0xbf: {  	[dreg:$0x1] =	wrdreg $0xFFFFFFFF  }
0xc0: {  	_ =	task.clear_ibuf [dreg:s6], $0x2FFFF;
	_ =	strace $0x9FFFFFFF  }
0xc1: {  	(tm) =	ssettm $0x7FFFFFFF  }
tec
execute0_lowered:
.L_overlay_start_1:
0x0: {  	(tag) =	ssettag $0x1  }
0x1: {  	s0 =	rddreg [dreg:$0x0];
	s1 =	simm.s32 $0x0;
	v0 =	vimm.s32 $0x1F1E1D1C;
	v1 =	vimm.s32 $0x23222120  }
0x2: {  	s25 =	srdreg.scid;
	s5 =	stileid.u32;
	s23 =	simm.s32 $0x2;
	v2 =	vimm.s32 $0x13121110;
	v3 =	vimm.s32 $0x1B1A1918;
	v4 =	vimm.s32 $0x33323130  }
0x3: {  	s24 =	simm.s32 $0x80;
	v5 =	vimm.s32 $0x37363534;
	v6 =	vimm.s32 $0x27262524;
	s14 =	simm.s32 $0xCC80;
	s15 =	simm.s32 $0x880  }
0x4: {  	v7 =	vimm.s32 $0x2B2A2928;
	s16 =	simm.s32 $0xD880;
	s17 =	simm.s32 $0x900;
	s18 =	simm.s32 $0xE480  }
0x5: {  	v8 =	vimm.s32 $0x3B3A3938;
	s19 =	simm.s32 $0x980;
	s20 =	simm.s32 $0xF080;
	s21 =	simm.s32 $0xA00  }
0x6: {  	vm0 =	vcmask $0x1F10;
	v9 =	vimm.s32 $0x3F3E3D3C;
	s28 =	simm.s32 $0x10880;
	s29 =	simm.s32 $0xB00;
	s30 =	simm.s32 $0x11480;
	v0 =	vunpack.c.0.s8.s32 v0  }
0x7: {  	s31 =	simm.s32 $0xB80;
	s22 =	simm.s32 $0x12C80;
	s8 =	simm.s32 $0x13880;
	v1 =	vunpack.c.0.s8.s32 v1;
	v2 =	vunpack.c.0.s8.s32 v2;
	v3 =	vunpack.c.0.s8.s32 v3  }
0x8: {  	s10 =	simm.s32 $0x0;
	[smem:$0x7FF] =	sst s1;
	s3 =	sadd.s32 $0x80800, s0;
	v5 =	vunpack.c.0.s8.s32 v5;
	v6 =	vunpack.c.0.s8.s32 v6;
	v7 =	vunpack.c.0.s8.s32 v7  }
0x9: {  	s1 =	sand.u32 $0x1, s25;
	s4 =	sadd.s32 $0xE4800, s0;
	s7 =	sshll.u32 s5, $0xA;
	v8 =	vunpack.c.0.s8.s32 v8;
	v0 =	vsel vm0, v1, v0;
	v1 =	vimm.s32 $0x43424140  }
0xa: {  	s5 =	sadd.s32 $0x3C1000, s0;
	s25 =	simm.s32 $0xFC80;
	s2 =	ssub.s32 $0x2, s1;
	v2 =	vsel vm0, v3, v2;
	v3 =	vunpack.c.0.s8.s32 v4;
	v4 =	vimm.s32 $0x4B4A4948  }
0xb: {  	v9 =	vunpack.c.0.s8.s32 v9;
	_ =	strace $0x80000047;
	s1 =	sshll.u32 s1, $0x9;
	s6 =	sshrl.u32 s2, $0x1;
	v1 =	vunpack.c.0.s8.s32 v1;
	v4 =	vunpack.c.0.s8.s32 v4  }
0xc: {  	s26 =	ssub.s32 s2, s6;
	s6 =	sor.u32 s1, s7;
	s7 =	simm.s32 $0xC80;
	v0 =	vcombine.low v2, v0;
	v2 =	vsel vm0, v5, v3;
	v3 =	vsel vm0, v7, v6  }
0xd: {  	s2 =	simm.s32 $0xC00;
	s1 =	simm.s32 $0x1;
	s0 =	smax.u32 s26, $0x1;
	v5 =	vsel vm0, v9, v8;
	v4 =	vsel vm0, v4, v1;
	v1 =	vlaneseq.u32  }
0xe: {  	s26 =	simm.s32 $0xA80;
	[dreg:$0x2] =	wrdreg s0;
	s0 =	simm.s32 $0x12080;
	v2 =	vcombine.low v3, v2;
	v3 =	vcombine.low v5, v4;
	v4 =	vadd.s32 $0x4C, v1  }
.LBB2_1:
0xf: {  	[dreg:$0x3] =	wrdreg s10;
	s9 =	simm.s32 $0x0  }
.LBB2_2:
0x10: {  	s10 =	sshll.u32 s9, $0x4  }
0x11: {  	s10 =	sadd.s32 s6, s10  }
0x12: {  	s11 =	smul.u32 $0x19, s10;
	_ =	sdelay $0x1  }
0x13: {  	s12 =	sadd.s32 s3, s11;
	s11 =	simm.s32 $0x0  }
0x14: {  	[tilespmem:s11], [sflag:$0x2] =	stream.linear.gather [hbm4b:s12+s11], $0xC80, $0x38;
	[tilespmem:$0x13D80] =	vst v63  }
0x15: {  	_ =	swait.ge [sflag:s23], $0xC80  }
0x16: {  	[sflag:s23] =	ssyncset.done $0x0  }
0x17: {  	[sflag:s23] =	ssyncadd.s32 $0xFFFFF380  }
0x18: {  	[tilespmem:s7], [sflag:$0x1] =	stream.indirect.gather [hbm4b:s4+s24], $0x14, s11, s24, $0xb8;
	[tilespmem:$0x13D80] =	vst v63  }
0x19: {  	s13 =	simm.s32 $0x1880  }
0x1a: {  	[tilespmem:s13], [sflag:$0x1] =	stream.indirect.gather [hbm4b:s4+s24], $0x14, s24, s24, $0xb8;
	[tilespmem:$0x13D80] =	vst v63  }
0x1b: {  	s12 =	simm.s32 $0x2480;
	s13 =	simm.s32 $0x100  }
0x1c: {  	[tilespmem:s12], [sflag:$0x1] =	stream.indirect.gather [hbm4b:s4+s24], $0x14, s13, s24, $0xb8;
	[tilespmem:$0x13D80] =	vst v63  }
0x1d: {  	s12 =	simm.s32 $0x180;
	s13 =	simm.s32 $0x3080  }
0x1e: {  	[tilespmem:s13], [sflag:$0x1] =	stream.indirect.gather [hbm4b:s4+s24], $0x14, s12, s24, $0xb8;
	[tilespmem:$0x13D80] =	vst v63  }
0x1f: {  	s12 =	simm.s32 $0x200;
	s13 =	simm.s32 $0x3C80  }
0x20: {  	[tilespmem:s13], [sflag:$0x1] =	stream.indirect.gather [hbm4b:s4+s24], $0x14, s12, s24, $0xb8;
	[tilespmem:$0x13D80] =	vst v63  }
0x21: {  	s12 =	simm.s32 $0x280;
	s13 =	simm.s32 $0x4880  }
0x22: {  	[tilespmem:s13], [sflag:$0x1] =	stream.indirect.gather [hbm4b:s4+s24], $0x14, s12, s24, $0xb8;
	[tilespmem:$0x13D80] =	vst v63  }
0x23: {  	s12 =	simm.s32 $0x300;
	s13 =	simm.s32 $0x5480  }
0x24: {  	[tilespmem:s13], [sflag:$0x1] =	stream.indirect.gather [hbm4b:s4+s24], $0x14, s12, s24, $0xb8;
	[tilespmem:$0x13D80] =	vst v63  }
0x25: {  	s12 =	simm.s32 $0x380;
	s13 =	simm.s32 $0x6080  }
0x26: {  	[tilespmem:s13], [sflag:$0x1] =	stream.indirect.gather [hbm4b:s4+s24], $0x14, s12, s24, $0xb8;
	[tilespmem:$0x13D80] =	vst v63  }
0x27: {  	s12 =	simm.s32 $0x400;
	s13 =	simm.s32 $0x6C80  }
0x28: {  	[tilespmem:s13], [sflag:$0x1] =	stream.indirect.gather [hbm4b:s4+s24], $0x14, s12, s24, $0xb8;
	[tilespmem:$0x13D80] =	vst v63  }
0x29: {  	s12 =	simm.s32 $0x480;
	s13 =	simm.s32 $0x7880  }
0x2a: {  	[tilespmem:s13], [sflag:$0x1] =	stream.indirect.gather [hbm4b:s4+s24], $0x14, s12, s24, $0xb8;
	[tilespmem:$0x13D80] =	vst v63  }
0x2b: {  	s12 =	simm.s32 $0x500;
	s13 =	simm.s32 $0x8480  }
0x2c: {  	[tilespmem:s13], [sflag:$0x1] =	stream.indirect.gather [hbm4b:s4+s24], $0x14, s12, s24, $0xb8;
	[tilespmem:$0x13D80] =	vst v63  }
0x2d: {  	s12 =	simm.s32 $0x580;
	s13 =	simm.s32 $0x9080  }
0x2e: {  	[tilespmem:s13], [sflag:$0x1] =	stream.indirect.gather [hbm4b:s4+s24], $0x14, s12, s24, $0xb8;
	[tilespmem:$0x13D80] =	vst v63  }
0x2f: {  	s12 =	simm.s32 $0x600;
	s13 =	simm.s32 $0x9C80  }
0x30: {  	[tilespmem:s13], [sflag:$0x1] =	stream.indirect.gather [hbm4b:s4+s24], $0x14, s12, s24, $0xb8;
	[tilespmem:$0x13D80] =	vst v63  }
0x31: {  	s12 =	simm.s32 $0x680;
	s13 =	simm.s32 $0xA880  }
0x32: {  	[tilespmem:s13], [sflag:$0x1] =	stream.indirect.gather [hbm4b:s4+s24], $0x14, s12, s24, $0xb8;
	[tilespmem:$0x13D80] =	vst v63  }
0x33: {  	s12 =	simm.s32 $0x700;
	s13 =	simm.s32 $0xB480  }
0x34: {  	[tilespmem:s13], [sflag:$0x1] =	stream.indirect.gather [hbm4b:s4+s24], $0x14, s12, s24, $0xb8;
	[tilespmem:$0x13D80] =	vst v63  }
0x35: {  	s12 =	simm.s32 $0x780;
	s13 =	simm.s32 $0xC080  }
0x36: {  	[tilespmem:s13], [sflag:$0x1] =	stream.indirect.gather [hbm4b:s4+s24], $0x14, s12, s24, $0xb8;
	[tilespmem:$0x13D80] =	vst v63  }
0x37: {  	s13 =	simm.s32 $0x800  }
0x38: {  	[tilespmem:s14], [sflag:$0x1] =	stream.indirect.gather [hbm4b:s4+s24], $0x14, s13, s24, $0xb8;
	[tilespmem:$0x13D80] =	vst v63  }
0x39: {  	_ = 	snop  }
0x3a: {  	[tilespmem:s16], [sflag:$0x1] =	stream.indirect.gather [hbm4b:s4+s24], $0x14, s15, s24, $0xb8;
	[tilespmem:$0x13D80] =	vst v63  }
0x3b: {  	_ = 	snop  }
0x3c: {  	[tilespmem:s18], [sflag:$0x1] =	stream.indirect.gather [hbm4b:s4+s24], $0x14, s17, s24, $0xb8;
	[tilespmem:$0x13D80] =	vst v63  }
0x3d: {  	_ = 	snop  }
0x3e: {  	[tilespmem:s20], [sflag:$0x1] =	stream.indirect.gather [hbm4b:s4+s24], $0x14, s19, s24, $0xb8;
	[tilespmem:$0x13D80] =	vst v63  }
0x3f: {  	_ = 	snop  }
0x40: {  	[tilespmem:s25], [sflag:$0x1] =	stream.indirect.gather [hbm4b:s4+s24], $0x14, s21, s24, $0xb8;
	[tilespmem:$0x13D80] =	vst v63  }
0x41: {  	_ = 	snop  }
0x42: {  	[tilespmem:s28], [sflag:$0x1] =	stream.indirect.gather [hbm4b:s4+s24], $0x14, s26, s24, $0xb8;
	[tilespmem:$0x13D80] =	vst v63  }
0x43: {  	_ = 	snop  }
0x44: {  	[tilespmem:s30], [sflag:$0x1] =	stream.indirect.gather [hbm4b:s4+s24], $0x14, s29, s24, $0xb8;
	[tilespmem:$0x13D80] =	vst v63  }
0x45: {  	_ = 	snop  }
0x46: {  	[tilespmem:s0], [sflag:$0x1] =	stream.indirect.gather [hbm4b:s4+s24], $0x14, s31, s24, $0xb8;
	[tilespmem:$0x13D80] =	vst v63  }
0x47: {  	_ = 	snop  }
0x48: {  	[tilespmem:s22], [sflag:$0x1] =	stream.indirect.gather [hbm4b:s4+s24], $0x14, s2, s24, $0xb8;
	[tilespmem:$0x13D80] =	vst v63  }
0x49: {  	_ =	swait.ge [sflag:s1], $0xA00  }
0x4a: {  	[sflag:s1] =	ssyncset.done $0x0  }
0x4b: {  	[sflag:s1] =	ssyncadd.s32 $0xFFFFF600  }
0x4c: {  	_ =	swait.ge [sflag:s1], $0xA00  }
0x4d: {  	[sflag:s1] =	ssyncset.done $0x0  }
0x4e: {  	[sflag:s1] =	ssyncadd.s32 $0xFFFFF600  }
0x4f: {  	_ =	swait.ge [sflag:s1], $0xA00  }
0x50: {  	[sflag:s1] =	ssyncset.done $0x0  }
0x51: {  	[sflag:s1] =	ssyncadd.s32 $0xFFFFF600  }
0x52: {  	_ =	swait.ge [sflag:s1], $0xA00  }
0x53: {  	[sflag:s1] =	ssyncset.done $0x0  }
0x54: {  	[sflag:s1] =	ssyncadd.s32 $0xFFFFF600  }
0x55: {  	_ =	swait.ge [sflag:s1], $0xA00  }
0x56: {  	[sflag:s1] =	ssyncset.done $0x0  }
0x57: {  	[sflag:s1] =	ssyncadd.s32 $0xFFFFF600  }
0x58: {  	_ =	swait.ge [sflag:s1], $0xA00  }
0x59: {  	[sflag:s1] =	ssyncset.done $0x0  }
0x5a: {  	[sflag:s1] =	ssyncadd.s32 $0xFFFFF600  }
0x5b: {  	_ =	swait.ge [sflag:s1], $0xA00  }
0x5c: {  	[sflag:s1] =	ssyncset.done $0x0  }
0x5d: {  	[sflag:s1] =	ssyncadd.s32 $0xFFFFF600  }
0x5e: {  	_ =	swait.ge [sflag:s1], $0xA00  }
0x5f: {  	[sflag:s1] =	ssyncset.done $0x0  }
0x60: {  	[sflag:s1] =	ssyncadd.s32 $0xFFFFF600  }
0x61: {  	_ =	swait.ge [sflag:s1], $0xA00  }
0x62: {  	[sflag:s1] =	ssyncset.done $0x0  }
0x63: {  	[sflag:s1] =	ssyncadd.s32 $0xFFFFF600  }
0x64: {  	_ =	swait.ge [sflag:s1], $0xA00  }
0x65: {  	[sflag:s1] =	ssyncset.done $0x0  }
0x66: {  	[sflag:s1] =	ssyncadd.s32 $0xFFFFF600  }
0x67: {  	_ =	swait.ge [sflag:s1], $0xA00  }
0x68: {  	[sflag:s1] =	ssyncset.done $0x0  }
0x69: {  	[sflag:s1] =	ssyncadd.s32 $0xFFFFF600  }
0x6a: {  	_ =	swait.ge [sflag:s1], $0xA00  }
0x6b: {  	[sflag:s1] =	ssyncset.done $0x0  }
0x6c: {  	[sflag:s1] =	ssyncadd.s32 $0xFFFFF600  }
0x6d: {  	_ =	swait.ge [sflag:s1], $0xA00  }
0x6e: {  	[sflag:s1] =	ssyncset.done $0x0  }
0x6f: {  	[sflag:s1] =	ssyncadd.s32 $0xFFFFF600  }
0x70: {  	_ =	swait.ge [sflag:s1], $0xA00  }
0x71: {  	[sflag:s1] =	ssyncset.done $0x0  }
0x72: {  	[sflag:s1] =	ssyncadd.s32 $0xFFFFF600  }
0x73: {  	_ =	swait.ge [sflag:s1], $0xA00  }
0x74: {  	[sflag:s1] =	ssyncset.done $0x0  }
0x75: {  	[sflag:s1] =	ssyncadd.s32 $0xFFFFF600  }
0x76: {  	_ =	swait.ge [sflag:s1], $0xA00  }
0x77: {  	[sflag:s1] =	ssyncset.done $0x0  }
0x78: {  	[sflag:s1] =	ssyncadd.s32 $0xFFFFF600  }
0x79: {  	_ =	swait.ge [sflag:s1], $0xA00  }
0x7a: {  	[sflag:s1] =	ssyncset.done $0x0  }
0x7b: {  	[sflag:s1] =	ssyncadd.s32 $0xFFFFF600  }
0x7c: {  	_ =	swait.ge [sflag:s1], $0xA00  }
0x7d: {  	[sflag:s1] =	ssyncset.done $0x0  }
0x7e: {  	[sflag:s1] =	ssyncadd.s32 $0xFFFFF600  }
0x7f: {  	_ =	swait.ge [sflag:s1], $0xA00  }
0x80: {  	[sflag:s1] =	ssyncset.done $0x0  }
0x81: {  	[sflag:s1] =	ssyncadd.s32 $0xFFFFF600  }
0x82: {  	_ =	swait.ge [sflag:s1], $0xA00  }
0x83: {  	[sflag:s1] =	ssyncset.done $0x0  }
0x84: {  	[sflag:s1] =	ssyncadd.s32 $0xFFFFF600  }
0x85: {  	_ =	swait.ge [sflag:s1], $0xA00  }
0x86: {  	[sflag:s1] =	ssyncset.done $0x0  }
0x87: {  	[sflag:s1] =	ssyncadd.s32 $0xFFFFF600  }
0x88: {  	_ =	swait.ge [sflag:s1], $0xA00  }
0x89: {  	[sflag:s1] =	ssyncset.done $0x0  }
0x8a: {  	v5 =	vmov s11;
	[sflag:s1] =	ssyncadd.s32 $0xFFFFF600  }
0x8b: {  	v5 =	vmul.u32 $0x18, v5;
	_ =	swait.ge [sflag:s1], $0xA00  }
0x8c: {  	[sflag:s1] =	ssyncset.done $0x0  }
0x8d: {  	v5 =	vbroadcast v5, $0x0;
	[sflag:s1] =	ssyncadd.s32 $0xFFFFF600  }
0x8e: {  	s12 =	simm.s32 $0x4;
	_ =	swait.ge [sflag:s1], $0xA00  }
0x8f: {  	v6 =	vor.u32 v1, v5;
	v8 =	vmov s12;
	[sflag:s1] =	ssyncset.done $0x0  }
0x90: {  	v7 =	vadd.s32 v0, v5;
	v8 =	vmul.u32 $0x18, v8;
	[sflag:s1] =	ssyncadd.s32 $0xFFFFF600  }
0x91: {  	v9 =	vadd.s32 v2, v5;
	_ =	swait.ge [sflag:s1], $0xA00  }
0x92: {  	v10 =	vadd.s32 v4, v5;
	v13 =	vbroadcast v8, $0x0;
	[sflag:s1] =	ssyncset.done $0x0  }
0x93: {  	v11 =	vadd.s32 v3, v5;
	s13 =	simm.s32 $0x8;
	[sflag:s1] =	ssyncadd.s32 $0xFFFFF600  }
0x94: {  	v8 =	vmov s13;
	v18 =	vor.u32 v1, v13;
	v5 =	vld.idx.msk [tilespmem:v6+s7+$0x0], $0xffff  }
0x95: {  	v14 =	vmul.u32 $0x18, v8;
	v16 =	vadd.s32 v0, v13;
	v7 =	vld.idx.msk [tilespmem:v7+s7+$0x0], $0xffff  }
0x96: {  	v15 =	vimm.f32 $0.0e+00;
	v12 =	vadd.s32 v3, v13;
	v19 =	vadd.s32 v2, v13;
	v9 =	vld.idx.msk [tilespmem:v9+s7+$0x0], $0xffff  }
0x97: {  	v17 =	vadd.s32 v4, v13;
	v13 =	vimm.f32 $0.0e+00;
	v20 =	vbroadcast v14, $0x0;
	v8 =	vld.idx.msk [tilespmem:v10+s7+$0x0], $0xffff  }
0x98: {  	s11 =	simm.s32 $0xC;
	v14 =	vimm.f32 $0.0e+00;
	v6 =	vimm.f32 $0.0e+00;
	v10 =	vld.idx.msk [tilespmem:v11+s7+$0x0], $0xffff;
	v11 =	vimm.f32 $0.0e+00  }
.LBB2_3:
0x99: {  	p0 =	sne.s32 s11, $0xC4;
	v6 =	vadd.f32 v5, v6;
	v5 =	vld.idx.msk [tilespmem:v18+s7+$0x0], $0xffff;
	s12 =	smov.u32 s11;
	s11 =	sadd.s32 $0x4, s11  }
.Ltmp0:
0x9a: {  	v13 =	vadd.f32 v7, v13;
	v18 =	vor.u32 v1, v20;
	v7 =	vld.idx.msk [tilespmem:v16+s7+$0x0], $0xffff;
	v16 =	vadd.s32 v0, v20;
	(pc) =	sbr.rel @p0 .LBB2_3-.Ltmp0, $4  }
0x9b: {  	v21 =	vmov s12;
	v22 =	vadd.s32 v3, v20;
	v15 =	vadd.f32 v9, v15;
	v9 =	vld.idx.msk [tilespmem:v19+s7+$0x0], $0xffff  }
0x9c: {  	v21 =	vmul.u32 $0x18, v21;
	v19 =	vadd.s32 v2, v20;
	v14 =	vadd.f32 v8, v14;
	v8 =	vld.idx.msk [tilespmem:v17+s7+$0x0], $0xffff  }
0x9d: {  	v17 =	vadd.s32 v4, v20;
	v11 =	vadd.f32 v10, v11;
	v10 =	vld.idx.msk [tilespmem:v12+s7+$0x0], $0xffff;
	v12 =	vmov v22  }
0x9e: {  	v20 =	vbroadcast v21, $0x0  }
0x9f: {  	_ =	sdelay $0x2  }
0xa0: {  	v21 =	vor.u32 v1, v20  }
0xa1: {  	v18 =	vld.idx.msk [tilespmem:v18+s7+$0x0], $0xffff;
	v22 =	vadd.s32 v0, v20  }
0xa2: {  	v16 =	vld.idx.msk [tilespmem:v16+s7+$0x0], $0xffff  }
0xa3: {  	v19 =	vld.idx.msk [tilespmem:v19+s7+$0x0], $0xffff;
	v23 =	vadd.s32 v2, v20  }
0xa4: {  	v17 =	vld.idx.msk [tilespmem:v17+s7+$0x0], $0xffff;
	v24 =	vadd.s32 v3, v20  }
0xa5: {  	v20 =	vadd.s32 v4, v20;
	v21 =	vld.idx.msk [tilespmem:v21+s7+$0x0], $0xffff  }
0xa6: {  	v5 =	vadd.f32 v5, v6;
	v6 =	vld.idx.msk [tilespmem:v22+s7+$0x0], $0xffff  }
0xa7: {  	v12 =	vld.idx.msk [tilespmem:v12+s7+$0x0], $0xffff;
	s11 =	simm.s32 $0xC8;
	v7 =	vadd.f32 v7, v13  }
0xa8: {  	v9 =	vadd.f32 v9, v15;
	v15 =	vmov s11;
	v5 =	vadd.f32 v18, v5;
	v13 =	vld.idx.msk [tilespmem:v23+s7+$0x0], $0xffff  }
0xa9: {  	v8 =	vadd.f32 v8, v14;
	v15 =	vmul.u32 $0x18, v15;
	v7 =	vadd.f32 v16, v7;
	v14 =	vld.idx.msk [tilespmem:v24+s7+$0x0], $0xffff  }
0xaa: {  	v10 =	vadd.f32 v10, v11;
	v11 =	vld.idx.msk [tilespmem:v20+s7+$0x0], $0xffff;
	v5 =	vadd.f32 v21, v5  }
0xab: {  	v15 =	vbroadcast v15, $0x0;
	v9 =	vadd.f32 v19, v9;
	v6 =	vadd.f32 v6, v7  }
0xac: {  	s12 =	simm.s32 $0xCC;
	v10 =	vadd.f32 v12, v10;
	v7 =	vadd.f32 v17, v8;
	[tilespmem:$0x13880] =	vst v5  }
0xad: {  	v8 =	vadd.f32 v13, v9;
	v5 =	vor.u32 v1, v15;
	[tilespmem:$0x13890] =	vst v6;
	v6 =	vmov s12  }
0xae: {  	v9 =	vadd.f32 v14, v10;
	v10 =	vadd.s32 v0, v15;
	v6 =	vmul.u32 $0x18, v6  }
0xaf: {  	v7 =	vadd.f32 v11, v7;
	[tilespmem:$0x138A0] =	vst v8;
	v8 =	vadd.s32 v2, v15  }
0xb0: {  	[tilespmem:$0x138B0] =	vst v9;
	v11 =	vadd.s32 v4, v15;
	v13 =	vbroadcast v6, $0x0  }
0xb1: {  	s13 =	simm.s32 $0xD0;
	v14 =	vadd.s32 v3, v15;
	[tilespmem:$0x138C0] =	vst v7  }
0xb2: {  	v9 =	vmov s13;
	v5 =	vld.idx.msk [tilespmem:v5+s7+$0x0], $0xffff;
	v18 =	vor.u32 v1, v13  }
0xb3: {  	v7 =	vld.idx.msk [tilespmem:v10+s7+$0x0], $0xffff;
	v10 =	vmul.u32 $0x18, v9;
	v16 =	vadd.s32 v0, v13  }
0xb4: {  	v15 =	vimm.f32 $0.0e+00;
	v6 =	vimm.f32 $0.0e+00;
	v9 =	vld.idx.msk [tilespmem:v8+s7+$0x0], $0xffff;
	v19 =	vadd.s32 v2, v13  }
0xb5: {  	v12 =	vadd.s32 v3, v13;
	v8 =	vld.idx.msk [tilespmem:v11+s7+$0x0], $0xffff;
	v17 =	vadd.s32 v4, v13;
	v20 =	vbroadcast v10, $0x0  }
0xb6: {  	s11 =	simm.s32 $0xD4;
	v13 =	vimm.f32 $0.0e+00;
	v10 =	vld.idx.msk [tilespmem:v14+s7+$0x0], $0xffff;
	v14 =	vimm.f32 $0.0e+00;
	v11 =	vimm.f32 $0.0e+00  }
.LBB2_5:
0xb7: {  	p0 =	sne.s32 s11, $0x18C;
	v6 =	vadd.f32 v5, v6;
	v5 =	vld.idx.msk [tilespmem:v18+s7+$0x0], $0xffff;
	s12 =	smov.u32 s11;
	s11 =	sadd.s32 $0x4, s11  }
.Ltmp1:
0xb8: {  	v13 =	vadd.f32 v7, v13;
	v18 =	vor.u32 v1, v20;
	v7 =	vld.idx.msk [tilespmem:v16+s7+$0x0], $0xffff;
	v16 =	vadd.s32 v0, v20;
	(pc) =	sbr.rel @p0 .LBB2_5-.Ltmp1, $4  }
0xb9: {  	v21 =	vmov s12;
	v22 =	vadd.s32 v3, v20;
	v15 =	vadd.f32 v9, v15;
	v9 =	vld.idx.msk [tilespmem:v19+s7+$0x0], $0xffff  }
0xba: {  	v21 =	vmul.u32 $0x18, v21;
	v19 =	vadd.s32 v2, v20;
	v14 =	vadd.f32 v8, v14;
	v8 =	vld.idx.msk [tilespmem:v17+s7+$0x0], $0xffff  }
0xbb: {  	v17 =	vadd.s32 v4, v20;
	v11 =	vadd.f32 v10, v11;
	v10 =	vld.idx.msk [tilespmem:v12+s7+$0x0], $0xffff;
	v12 =	vmov v22  }
0xbc: {  	v20 =	vbroadcast v21, $0x0  }
0xbd: {  	_ =	sdelay $0x2  }
0xbe: {  	v21 =	vor.u32 v1, v20  }
0xbf: {  	v18 =	vld.idx.msk [tilespmem:v18+s7+$0x0], $0xffff;
	v22 =	vadd.s32 v0, v20  }
0xc0: {  	v16 =	vld.idx.msk [tilespmem:v16+s7+$0x0], $0xffff  }
0xc1: {  	v19 =	vld.idx.msk [tilespmem:v19+s7+$0x0], $0xffff;
	v23 =	vadd.s32 v2, v20  }
0xc2: {  	v17 =	vld.idx.msk [tilespmem:v17+s7+$0x0], $0xffff;
	v24 =	vadd.s32 v3, v20  }
0xc3: {  	v20 =	vadd.s32 v4, v20;
	v21 =	vld.idx.msk [tilespmem:v21+s7+$0x0], $0xffff  }
0xc4: {  	v5 =	vadd.f32 v5, v6;
	v6 =	vld.idx.msk [tilespmem:v22+s7+$0x0], $0xffff  }
0xc5: {  	v12 =	vld.idx.msk [tilespmem:v12+s7+$0x0], $0xffff;
	s11 =	simm.s32 $0x190;
	v7 =	vadd.f32 v7, v13  }
0xc6: {  	v9 =	vadd.f32 v9, v15;
	v15 =	vmov s11;
	v5 =	vadd.f32 v18, v5;
	v13 =	vld.idx.msk [tilespmem:v23+s7+$0x0], $0xffff  }
0xc7: {  	v8 =	vadd.f32 v8, v14;
	v15 =	vmul.u32 $0x18, v15;
	v7 =	vadd.f32 v16, v7;
	v14 =	vld.idx.msk [tilespmem:v24+s7+$0x0], $0xffff  }
0xc8: {  	v10 =	vadd.f32 v10, v11;
	v11 =	vld.idx.msk [tilespmem:v20+s7+$0x0], $0xffff;
	v5 =	vadd.f32 v21, v5  }
0xc9: {  	v15 =	vbroadcast v15, $0x0;
	v9 =	vadd.f32 v19, v9;
	v6 =	vadd.f32 v6, v7  }
0xca: {  	s12 =	simm.s32 $0x194;
	v10 =	vadd.f32 v12, v10;
	v7 =	vadd.f32 v17, v8;
	[tilespmem:$0x138D0] =	vst v5  }
0xcb: {  	v8 =	vadd.f32 v13, v9;
	v5 =	vor.u32 v1, v15;
	[tilespmem:$0x138E0] =	vst v6;
	v6 =	vmov s12  }
0xcc: {  	v9 =	vadd.f32 v14, v10;
	v10 =	vadd.s32 v0, v15;
	v6 =	vmul.u32 $0x18, v6  }
0xcd: {  	v7 =	vadd.f32 v11, v7;
	[tilespmem:$0x138F0] =	vst v8;
	v8 =	vadd.s32 v2, v15  }
0xce: {  	[tilespmem:$0x13900] =	vst v9;
	v11 =	vadd.s32 v4, v15;
	v13 =	vbroadcast v6, $0x0  }
0xcf: {  	s13 =	simm.s32 $0x198;
	v14 =	vadd.s32 v3, v15;
	[tilespmem:$0x13910] =	vst v7  }
0xd0: {  	v9 =	vmov s13;
	v5 =	vld.idx.msk [tilespmem:v5+s7+$0x0], $0xffff;
	v18 =	vor.u32 v1, v13  }
0xd1: {  	v7 =	vld.idx.msk [tilespmem:v10+s7+$0x0], $0xffff;
	v10 =	vmul.u32 $0x18, v9;
	v16 =	vadd.s32 v0, v13  }
0xd2: {  	v15 =	vimm.f32 $0.0e+00;
	v6 =	vimm.f32 $0.0e+00;
	v9 =	vld.idx.msk [tilespmem:v8+s7+$0x0], $0xffff;
	v19 =	vadd.s32 v2, v13  }
0xd3: {  	v12 =	vadd.s32 v3, v13;
	v8 =	vld.idx.msk [tilespmem:v11+s7+$0x0], $0xffff;
	v17 =	vadd.s32 v4, v13;
	v20 =	vbroadcast v10, $0x0  }
0xd4: {  	s11 =	simm.s32 $0x19C;
	v13 =	vimm.f32 $0.0e+00;
	v10 =	vld.idx.msk [tilespmem:v14+s7+$0x0], $0xffff;
	v14 =	vimm.f32 $0.0e+00;
	v11 =	vimm.f32 $0.0e+00  }
.LBB2_7:
0xd5: {  	p0 =	sne.s32 s11, $0x254;
	v6 =	vadd.f32 v5, v6;
	v5 =	vld.idx.msk [tilespmem:v18+s7+$0x0], $0xffff;
	s12 =	smov.u32 s11;
	s11 =	sadd.s32 $0x4, s11  }
.Ltmp2:
0xd6: {  	v13 =	vadd.f32 v7, v13;
	v18 =	vor.u32 v1, v20;
	v7 =	vld.idx.msk [tilespmem:v16+s7+$0x0], $0xffff;
	v16 =	vadd.s32 v0, v20;
	(pc) =	sbr.rel @p0 .LBB2_7-.Ltmp2, $4  }
0xd7: {  	v21 =	vmov s12;
	v22 =	vadd.s32 v3, v20;
	v15 =	vadd.f32 v9, v15;
	v9 =	vld.idx.msk [tilespmem:v19+s7+$0x0], $0xffff  }
0xd8: {  	v21 =	vmul.u32 $0x18, v21;
	v19 =	vadd.s32 v2, v20;
	v14 =	vadd.f32 v8, v14;
	v8 =	vld.idx.msk [tilespmem:v17+s7+$0x0], $0xffff  }
0xd9: {  	v17 =	vadd.s32 v4, v20;
	v11 =	vadd.f32 v10, v11;
	v10 =	vld.idx.msk [tilespmem:v12+s7+$0x0], $0xffff;
	v12 =	vmov v22  }
0xda: {  	v20 =	vbroadcast v21, $0x0  }
0xdb: {  	_ =	sdelay $0x2  }
0xdc: {  	v21 =	vor.u32 v1, v20  }
0xdd: {  	v18 =	vld.idx.msk [tilespmem:v18+s7+$0x0], $0xffff;
	v22 =	vadd.s32 v0, v20  }
0xde: {  	v16 =	vld.idx.msk [tilespmem:v16+s7+$0x0], $0xffff  }
0xdf: {  	v19 =	vld.idx.msk [tilespmem:v19+s7+$0x0], $0xffff;
	v23 =	vadd.s32 v2, v20  }
0xe0: {  	v17 =	vld.idx.msk [tilespmem:v17+s7+$0x0], $0xffff;
	v24 =	vadd.s32 v3, v20  }
0xe1: {  	v20 =	vadd.s32 v4, v20;
	v21 =	vld.idx.msk [tilespmem:v21+s7+$0x0], $0xffff  }
0xe2: {  	v5 =	vadd.f32 v5, v6;
	v6 =	vld.idx.msk [tilespmem:v22+s7+$0x0], $0xffff  }
0xe3: {  	v12 =	vld.idx.msk [tilespmem:v12+s7+$0x0], $0xffff;
	s11 =	simm.s32 $0x258;
	v7 =	vadd.f32 v7, v13  }
0xe4: {  	v9 =	vadd.f32 v9, v15;
	v15 =	vmov s11;
	v5 =	vadd.f32 v18, v5;
	v13 =	vld.idx.msk [tilespmem:v23+s7+$0x0], $0xffff  }
0xe5: {  	v8 =	vadd.f32 v8, v14;
	v15 =	vmul.u32 $0x18, v15;
	v7 =	vadd.f32 v16, v7;
	v14 =	vld.idx.msk [tilespmem:v24+s7+$0x0], $0xffff  }
0xe6: {  	v10 =	vadd.f32 v10, v11;
	v11 =	vld.idx.msk [tilespmem:v20+s7+$0x0], $0xffff;
	v5 =	vadd.f32 v21, v5  }
0xe7: {  	v15 =	vbroadcast v15, $0x0;
	v9 =	vadd.f32 v19, v9;
	v6 =	vadd.f32 v6, v7  }
0xe8: {  	s12 =	simm.s32 $0x25C;
	v10 =	vadd.f32 v12, v10;
	v7 =	vadd.f32 v17, v8;
	[tilespmem:$0x13920] =	vst v5  }
0xe9: {  	v8 =	vadd.f32 v13, v9;
	v5 =	vor.u32 v1, v15;
	[tilespmem:$0x13930] =	vst v6;
	v6 =	vmov s12  }
0xea: {  	v9 =	vadd.f32 v14, v10;
	v10 =	vadd.s32 v0, v15;
	v6 =	vmul.u32 $0x18, v6  }
0xeb: {  	v7 =	vadd.f32 v11, v7;
	[tilespmem:$0x13940] =	vst v8;
	v8 =	vadd.s32 v2, v15  }
0xec: {  	[tilespmem:$0x13950] =	vst v9;
	v11 =	vadd.s32 v4, v15;
	v13 =	vbroadcast v6, $0x0  }
0xed: {  	s13 =	simm.s32 $0x260;
	v14 =	vadd.s32 v3, v15;
	[tilespmem:$0x13960] =	vst v7  }
0xee: {  	v9 =	vmov s13;
	v5 =	vld.idx.msk [tilespmem:v5+s7+$0x0], $0xffff;
	v18 =	vor.u32 v1, v13  }
0xef: {  	v7 =	vld.idx.msk [tilespmem:v10+s7+$0x0], $0xffff;
	v10 =	vmul.u32 $0x18, v9;
	v16 =	vadd.s32 v0, v13  }
0xf0: {  	v15 =	vimm.f32 $0.0e+00;
	v6 =	vimm.f32 $0.0e+00;
	v9 =	vld.idx.msk [tilespmem:v8+s7+$0x0], $0xffff;
	v19 =	vadd.s32 v2, v13  }
0xf1: {  	v12 =	vadd.s32 v3, v13;
	v8 =	vld.idx.msk [tilespmem:v11+s7+$0x0], $0xffff;
	v17 =	vadd.s32 v4, v13;
	v20 =	vbroadcast v10, $0x0  }
0xf2: {  	s11 =	simm.s32 $0x264;
	v13 =	vimm.f32 $0.0e+00;
	v10 =	vld.idx.msk [tilespmem:v14+s7+$0x0], $0xffff;
	v14 =	vimm.f32 $0.0e+00;
	v11 =	vimm.f32 $0.0e+00  }
.LBB2_9:
0xf3: {  	p0 =	sne.s32 s11, $0x31C;
	v6 =	vadd.f32 v5, v6;
	v5 =	vld.idx.msk [tilespmem:v18+s7+$0x0], $0xffff;
	s12 =	smov.u32 s11;
	s11 =	sadd.s32 $0x4, s11  }
.Ltmp3:
0xf4: {  	v13 =	vadd.f32 v7, v13;
	v18 =	vor.u32 v1, v20;
	v7 =	vld.idx.msk [tilespmem:v16+s7+$0x0], $0xffff;
	v16 =	vadd.s32 v0, v20;
	(pc) =	sbr.rel @p0 .LBB2_9-.Ltmp3, $4  }
0xf5: {  	v21 =	vmov s12;
	v22 =	vadd.s32 v3, v20;
	v15 =	vadd.f32 v9, v15;
	v9 =	vld.idx.msk [tilespmem:v19+s7+$0x0], $0xffff  }
0xf6: {  	v21 =	vmul.u32 $0x18, v21;
	v19 =	vadd.s32 v2, v20;
	v14 =	vadd.f32 v8, v14;
	v8 =	vld.idx.msk [tilespmem:v17+s7+$0x0], $0xffff  }
0xf7: {  	v17 =	vadd.s32 v4, v20;
	v11 =	vadd.f32 v10, v11;
	v10 =	vld.idx.msk [tilespmem:v12+s7+$0x0], $0xffff;
	v12 =	vmov v22  }
0xf8: {  	v20 =	vbroadcast v21, $0x0  }
0xf9: {  	_ =	sdelay $0x2  }
0xfa: {  	v21 =	vor.u32 v1, v20  }
0xfb: {  	v18 =	vld.idx.msk [tilespmem:v18+s7+$0x0], $0xffff;
	v22 =	vadd.s32 v0, v20  }
0xfc: {  	v16 =	vld.idx.msk [tilespmem:v16+s7+$0x0], $0xffff  }
0xfd: {  	v19 =	vld.idx.msk [tilespmem:v19+s7+$0x0], $0xffff;
	v23 =	vadd.s32 v2, v20  }
0xfe: {  	v17 =	vld.idx.msk [tilespmem:v17+s7+$0x0], $0xffff;
	v24 =	vadd.s32 v3, v20  }
0xff: {  	v20 =	vadd.s32 v4, v20;
	v21 =	vld.idx.msk [tilespmem:v21+s7+$0x0], $0xffff  }
0x100: {  	v5 =	vadd.f32 v5, v6;
	v6 =	vld.idx.msk [tilespmem:v22+s7+$0x0], $0xffff  }
0x101: {  	v12 =	vld.idx.msk [tilespmem:v12+s7+$0x0], $0xffff;
	s11 =	simm.s32 $0x320;
	v7 =	vadd.f32 v7, v13  }
0x102: {  	v9 =	vadd.f32 v9, v15;
	v15 =	vmov s11;
	v5 =	vadd.f32 v18, v5;
	v13 =	vld.idx.msk [tilespmem:v23+s7+$0x0], $0xffff  }
0x103: {  	v8 =	vadd.f32 v8, v14;
	v15 =	vmul.u32 $0x18, v15;
	v7 =	vadd.f32 v16, v7;
	v14 =	vld.idx.msk [tilespmem:v24+s7+$0x0], $0xffff  }
0x104: {  	v10 =	vadd.f32 v10, v11;
	v11 =	vld.idx.msk [tilespmem:v20+s7+$0x0], $0xffff;
	v5 =	vadd.f32 v21, v5  }
0x105: {  	v15 =	vbroadcast v15, $0x0;
	v9 =	vadd.f32 v19, v9;
	v6 =	vadd.f32 v6, v7  }
0x106: {  	s12 =	simm.s32 $0x324;
	v10 =	vadd.f32 v12, v10;
	v7 =	vadd.f32 v17, v8;
	[tilespmem:$0x13970] =	vst v5  }
0x107: {  	v8 =	vadd.f32 v13, v9;
	v5 =	vor.u32 v1, v15;
	[tilespmem:$0x13980] =	vst v6;
	v6 =	vmov s12  }
0x108: {  	v9 =	vadd.f32 v14, v10;
	v10 =	vadd.s32 v0, v15;
	v6 =	vmul.u32 $0x18, v6  }
0x109: {  	v7 =	vadd.f32 v11, v7;
	[tilespmem:$0x13990] =	vst v8;
	v8 =	vadd.s32 v2, v15  }
0x10a: {  	[tilespmem:$0x139A0] =	vst v9;
	v11 =	vadd.s32 v4, v15;
	v13 =	vbroadcast v6, $0x0  }
0x10b: {  	s13 =	simm.s32 $0x328;
	v14 =	vadd.s32 v3, v15;
	[tilespmem:$0x139B0] =	vst v7  }
0x10c: {  	v9 =	vmov s13;
	v5 =	vld.idx.msk [tilespmem:v5+s7+$0x0], $0xffff;
	v18 =	vor.u32 v1, v13  }
0x10d: {  	v7 =	vld.idx.msk [tilespmem:v10+s7+$0x0], $0xffff;
	v10 =	vmul.u32 $0x18, v9;
	v16 =	vadd.s32 v0, v13  }
0x10e: {  	v15 =	vimm.f32 $0.0e+00;
	v6 =	vimm.f32 $0.0e+00;
	v9 =	vld.idx.msk [tilespmem:v8+s7+$0x0], $0xffff;
	v19 =	vadd.s32 v2, v13  }
0x10f: {  	v12 =	vadd.s32 v3, v13;
	v8 =	vld.idx.msk [tilespmem:v11+s7+$0x0], $0xffff;
	v17 =	vadd.s32 v4, v13;
	v20 =	vbroadcast v10, $0x0  }
0x110: {  	s11 =	simm.s32 $0x32C;
	v13 =	vimm.f32 $0.0e+00;
	v10 =	vld.idx.msk [tilespmem:v14+s7+$0x0], $0xffff;
	v14 =	vimm.f32 $0.0e+00;
	v11 =	vimm.f32 $0.0e+00  }
.LBB2_11:
0x111: {  	p0 =	sne.s32 s11, $0x3E4;
	v6 =	vadd.f32 v5, v6;
	v5 =	vld.idx.msk [tilespmem:v18+s7+$0x0], $0xffff;
	s12 =	smov.u32 s11;
	s11 =	sadd.s32 $0x4, s11  }
.Ltmp4:
0x112: {  	v13 =	vadd.f32 v7, v13;
	v18 =	vor.u32 v1, v20;
	v7 =	vld.idx.msk [tilespmem:v16+s7+$0x0], $0xffff;
	v16 =	vadd.s32 v0, v20;
	(pc) =	sbr.rel @p0 .LBB2_11-.Ltmp4, $4  }
0x113: {  	v21 =	vmov s12;
	v22 =	vadd.s32 v3, v20;
	v15 =	vadd.f32 v9, v15;
	v9 =	vld.idx.msk [tilespmem:v19+s7+$0x0], $0xffff  }
0x114: {  	v21 =	vmul.u32 $0x18, v21;
	v19 =	vadd.s32 v2, v20;
	v14 =	vadd.f32 v8, v14;
	v8 =	vld.idx.msk [tilespmem:v17+s7+$0x0], $0xffff  }
0x115: {  	v17 =	vadd.s32 v4, v20;
	v11 =	vadd.f32 v10, v11;
	v10 =	vld.idx.msk [tilespmem:v12+s7+$0x0], $0xffff;
	v12 =	vmov v22  }
0x116: {  	v20 =	vbroadcast v21, $0x0  }
0x117: {  	_ =	sdelay $0x2  }
0x118: {  	v21 =	vor.u32 v1, v20  }
0x119: {  	v18 =	vld.idx.msk [tilespmem:v18+s7+$0x0], $0xffff;
	v22 =	vadd.s32 v0, v20  }
0x11a: {  	v16 =	vld.idx.msk [tilespmem:v16+s7+$0x0], $0xffff  }
0x11b: {  	v19 =	vld.idx.msk [tilespmem:v19+s7+$0x0], $0xffff;
	v23 =	vadd.s32 v2, v20  }
0x11c: {  	v17 =	vld.idx.msk [tilespmem:v17+s7+$0x0], $0xffff;
	v24 =	vadd.s32 v3, v20  }
0x11d: {  	v20 =	vadd.s32 v4, v20;
	v21 =	vld.idx.msk [tilespmem:v21+s7+$0x0], $0xffff  }
0x11e: {  	v5 =	vadd.f32 v5, v6;
	v6 =	vld.idx.msk [tilespmem:v22+s7+$0x0], $0xffff  }
0x11f: {  	v12 =	vld.idx.msk [tilespmem:v12+s7+$0x0], $0xffff;
	s11 =	simm.s32 $0x3E8;
	v7 =	vadd.f32 v7, v13  }
0x120: {  	v9 =	vadd.f32 v9, v15;
	v15 =	vmov s11;
	v5 =	vadd.f32 v18, v5;
	v13 =	vld.idx.msk [tilespmem:v23+s7+$0x0], $0xffff  }
0x121: {  	v8 =	vadd.f32 v8, v14;
	v15 =	vmul.u32 $0x18, v15;
	v7 =	vadd.f32 v16, v7;
	v14 =	vld.idx.msk [tilespmem:v24+s7+$0x0], $0xffff  }
0x122: {  	v10 =	vadd.f32 v10, v11;
	v11 =	vld.idx.msk [tilespmem:v20+s7+$0x0], $0xffff;
	v5 =	vadd.f32 v21, v5  }
0x123: {  	v15 =	vbroadcast v15, $0x0;
	v9 =	vadd.f32 v19, v9;
	v6 =	vadd.f32 v6, v7  }
0x124: {  	s12 =	simm.s32 $0x3EC;
	v10 =	vadd.f32 v12, v10;
	v7 =	vadd.f32 v17, v8;
	[tilespmem:$0x139C0] =	vst v5  }
0x125: {  	v8 =	vadd.f32 v13, v9;
	v5 =	vor.u32 v1, v15;
	[tilespmem:$0x139D0] =	vst v6;
	v6 =	vmov s12  }
0x126: {  	v9 =	vadd.f32 v14, v10;
	v10 =	vadd.s32 v0, v15;
	v6 =	vmul.u32 $0x18, v6  }
0x127: {  	v7 =	vadd.f32 v11, v7;
	[tilespmem:$0x139E0] =	vst v8;
	v8 =	vadd.s32 v2, v15  }
0x128: {  	[tilespmem:$0x139F0] =	vst v9;
	v11 =	vadd.s32 v4, v15;
	v13 =	vbroadcast v6, $0x0  }
0x129: {  	s13 =	simm.s32 $0x3F0;
	v14 =	vadd.s32 v3, v15;
	[tilespmem:$0x13A00] =	vst v7  }
0x12a: {  	v9 =	vmov s13;
	v5 =	vld.idx.msk [tilespmem:v5+s7+$0x0], $0xffff;
	v18 =	vor.u32 v1, v13  }
0x12b: {  	v7 =	vld.idx.msk [tilespmem:v10+s7+$0x0], $0xffff;
	v10 =	vmul.u32 $0x18, v9;
	v16 =	vadd.s32 v0, v13  }
0x12c: {  	v15 =	vimm.f32 $0.0e+00;
	v6 =	vimm.f32 $0.0e+00;
	v9 =	vld.idx.msk [tilespmem:v8+s7+$0x0], $0xffff;
	v19 =	vadd.s32 v2, v13  }
0x12d: {  	v12 =	vadd.s32 v3, v13;
	v8 =	vld.idx.msk [tilespmem:v11+s7+$0x0], $0xffff;
	v17 =	vadd.s32 v4, v13;
	v20 =	vbroadcast v10, $0x0  }
0x12e: {  	s11 =	simm.s32 $0x3F4;
	v13 =	vimm.f32 $0.0e+00;
	v10 =	vld.idx.msk [tilespmem:v14+s7+$0x0], $0xffff;
	v14 =	vimm.f32 $0.0e+00;
	v11 =	vimm.f32 $0.0e+00  }
.LBB2_13:
0x12f: {  	p0 =	sne.s32 s11, $0x4AC;
	v6 =	vadd.f32 v5, v6;
	v5 =	vld.idx.msk [tilespmem:v18+s7+$0x0], $0xffff;
	s12 =	smov.u32 s11;
	s11 =	sadd.s32 $0x4, s11  }
.Ltmp5:
0x130: {  	v13 =	vadd.f32 v7, v13;
	v18 =	vor.u32 v1, v20;
	v7 =	vld.idx.msk [tilespmem:v16+s7+$0x0], $0xffff;
	v16 =	vadd.s32 v0, v20;
	(pc) =	sbr.rel @p0 .LBB2_13-.Ltmp5, $4  }
0x131: {  	v21 =	vmov s12;
	v22 =	vadd.s32 v3, v20;
	v15 =	vadd.f32 v9, v15;
	v9 =	vld.idx.msk [tilespmem:v19+s7+$0x0], $0xffff  }
0x132: {  	v21 =	vmul.u32 $0x18, v21;
	v19 =	vadd.s32 v2, v20;
	v14 =	vadd.f32 v8, v14;
	v8 =	vld.idx.msk [tilespmem:v17+s7+$0x0], $0xffff  }
0x133: {  	v17 =	vadd.s32 v4, v20;
	v11 =	vadd.f32 v10, v11;
	v10 =	vld.idx.msk [tilespmem:v12+s7+$0x0], $0xffff;
	v12 =	vmov v22  }
0x134: {  	v20 =	vbroadcast v21, $0x0  }
0x135: {  	_ =	sdelay $0x2  }
0x136: {  	v21 =	vor.u32 v1, v20  }
0x137: {  	v18 =	vld.idx.msk [tilespmem:v18+s7+$0x0], $0xffff;
	v22 =	vadd.s32 v0, v20  }
0x138: {  	v16 =	vld.idx.msk [tilespmem:v16+s7+$0x0], $0xffff  }
0x139: {  	v19 =	vld.idx.msk [tilespmem:v19+s7+$0x0], $0xffff;
	v23 =	vadd.s32 v2, v20  }
0x13a: {  	v17 =	vld.idx.msk [tilespmem:v17+s7+$0x0], $0xffff;
	v24 =	vadd.s32 v3, v20  }
0x13b: {  	v20 =	vadd.s32 v4, v20;
	v21 =	vld.idx.msk [tilespmem:v21+s7+$0x0], $0xffff  }
0x13c: {  	v5 =	vadd.f32 v5, v6;
	v6 =	vld.idx.msk [tilespmem:v22+s7+$0x0], $0xffff  }
0x13d: {  	v12 =	vld.idx.msk [tilespmem:v12+s7+$0x0], $0xffff;
	s11 =	simm.s32 $0x4B0;
	v7 =	vadd.f32 v7, v13  }
0x13e: {  	v9 =	vadd.f32 v9, v15;
	v15 =	vmov s11;
	v5 =	vadd.f32 v18, v5;
	v13 =	vld.idx.msk [tilespmem:v23+s7+$0x0], $0xffff  }
0x13f: {  	v8 =	vadd.f32 v8, v14;
	v15 =	vmul.u32 $0x18, v15;
	v7 =	vadd.f32 v16, v7;
	v14 =	vld.idx.msk [tilespmem:v24+s7+$0x0], $0xffff  }
0x140: {  	v10 =	vadd.f32 v10, v11;
	v11 =	vld.idx.msk [tilespmem:v20+s7+$0x0], $0xffff;
	v5 =	vadd.f32 v21, v5  }
0x141: {  	v15 =	vbroadcast v15, $0x0;
	v9 =	vadd.f32 v19, v9;
	v6 =	vadd.f32 v6, v7  }
0x142: {  	s12 =	simm.s32 $0x4B4;
	v10 =	vadd.f32 v12, v10;
	v7 =	vadd.f32 v17, v8;
	[tilespmem:$0x13A10] =	vst v5  }
0x143: {  	v8 =	vadd.f32 v13, v9;
	v5 =	vor.u32 v1, v15;
	[tilespmem:$0x13A20] =	vst v6;
	v6 =	vmov s12  }
0x144: {  	v9 =	vadd.f32 v14, v10;
	v10 =	vadd.s32 v0, v15;
	v6 =	vmul.u32 $0x18, v6  }
0x145: {  	v7 =	vadd.f32 v11, v7;
	[tilespmem:$0x13A30] =	vst v8;
	v8 =	vadd.s32 v2, v15  }
0x146: {  	[tilespmem:$0x13A40] =	vst v9;
	v11 =	vadd.s32 v4, v15;
	v13 =	vbroadcast v6, $0x0  }
0x147: {  	s13 =	simm.s32 $0x4B8;
	v14 =	vadd.s32 v3, v15;
	[tilespmem:$0x13A50] =	vst v7  }
0x148: {  	v9 =	vmov s13;
	v5 =	vld.idx.msk [tilespmem:v5+s7+$0x0], $0xffff;
	v18 =	vor.u32 v1, v13  }
0x149: {  	v7 =	vld.idx.msk [tilespmem:v10+s7+$0x0], $0xffff;
	v10 =	vmul.u32 $0x18, v9;
	v16 =	vadd.s32 v0, v13  }
0x14a: {  	v15 =	vimm.f32 $0.0e+00;
	v6 =	vimm.f32 $0.0e+00;
	v9 =	vld.idx.msk [tilespmem:v8+s7+$0x0], $0xffff;
	v19 =	vadd.s32 v2, v13  }
0x14b: {  	v12 =	vadd.s32 v3, v13;
	v8 =	vld.idx.msk [tilespmem:v11+s7+$0x0], $0xffff;
	v17 =	vadd.s32 v4, v13;
	v20 =	vbroadcast v10, $0x0  }
0x14c: {  	s11 =	simm.s32 $0x4BC;
	v13 =	vimm.f32 $0.0e+00;
	v10 =	vld.idx.msk [tilespmem:v14+s7+$0x0], $0xffff;
	v14 =	vimm.f32 $0.0e+00;
	v11 =	vimm.f32 $0.0e+00  }
.LBB2_15:
0x14d: {  	p0 =	sne.s32 s11, $0x574;
	v6 =	vadd.f32 v5, v6;
	v5 =	vld.idx.msk [tilespmem:v18+s7+$0x0], $0xffff;
	s12 =	smov.u32 s11;
	s11 =	sadd.s32 $0x4, s11  }
.Ltmp6:
0x14e: {  	v13 =	vadd.f32 v7, v13;
	v18 =	vor.u32 v1, v20;
	v7 =	vld.idx.msk [tilespmem:v16+s7+$0x0], $0xffff;
	v16 =	vadd.s32 v0, v20;
	(pc) =	sbr.rel @p0 .LBB2_15-.Ltmp6, $4  }
0x14f: {  	v21 =	vmov s12;
	v22 =	vadd.s32 v3, v20;
	v15 =	vadd.f32 v9, v15;
	v9 =	vld.idx.msk [tilespmem:v19+s7+$0x0], $0xffff  }
0x150: {  	v21 =	vmul.u32 $0x18, v21;
	v19 =	vadd.s32 v2, v20;
	v14 =	vadd.f32 v8, v14;
	v8 =	vld.idx.msk [tilespmem:v17+s7+$0x0], $0xffff  }
0x151: {  	v17 =	vadd.s32 v4, v20;
	v11 =	vadd.f32 v10, v11;
	v10 =	vld.idx.msk [tilespmem:v12+s7+$0x0], $0xffff;
	v12 =	vmov v22  }
0x152: {  	v20 =	vbroadcast v21, $0x0  }
0x153: {  	_ =	sdelay $0x2  }
0x154: {  	v21 =	vor.u32 v1, v20  }
0x155: {  	v18 =	vld.idx.msk [tilespmem:v18+s7+$0x0], $0xffff;
	v22 =	vadd.s32 v0, v20  }
0x156: {  	v16 =	vld.idx.msk [tilespmem:v16+s7+$0x0], $0xffff  }
0x157: {  	v19 =	vld.idx.msk [tilespmem:v19+s7+$0x0], $0xffff;
	v23 =	vadd.s32 v2, v20  }
0x158: {  	v17 =	vld.idx.msk [tilespmem:v17+s7+$0x0], $0xffff;
	v24 =	vadd.s32 v3, v20  }
0x159: {  	v20 =	vadd.s32 v4, v20;
	v21 =	vld.idx.msk [tilespmem:v21+s7+$0x0], $0xffff  }
0x15a: {  	v5 =	vadd.f32 v5, v6;
	v6 =	vld.idx.msk [tilespmem:v22+s7+$0x0], $0xffff  }
0x15b: {  	v12 =	vld.idx.msk [tilespmem:v12+s7+$0x0], $0xffff;
	s11 =	simm.s32 $0x578;
	v7 =	vadd.f32 v7, v13  }
0x15c: {  	v9 =	vadd.f32 v9, v15;
	v15 =	vmov s11;
	v5 =	vadd.f32 v18, v5;
	v13 =	vld.idx.msk [tilespmem:v23+s7+$0x0], $0xffff  }
0x15d: {  	v8 =	vadd.f32 v8, v14;
	v15 =	vmul.u32 $0x18, v15;
	v7 =	vadd.f32 v16, v7;
	v14 =	vld.idx.msk [tilespmem:v24+s7+$0x0], $0xffff  }
0x15e: {  	v10 =	vadd.f32 v10, v11;
	v11 =	vld.idx.msk [tilespmem:v20+s7+$0x0], $0xffff;
	v5 =	vadd.f32 v21, v5  }
0x15f: {  	v15 =	vbroadcast v15, $0x0;
	v9 =	vadd.f32 v19, v9;
	v6 =	vadd.f32 v6, v7  }
0x160: {  	s12 =	simm.s32 $0x57C;
	v10 =	vadd.f32 v12, v10;
	v7 =	vadd.f32 v17, v8;
	[tilespmem:$0x13A60] =	vst v5  }
0x161: {  	v8 =	vadd.f32 v13, v9;
	v5 =	vor.u32 v1, v15;
	[tilespmem:$0x13A70] =	vst v6;
	v6 =	vmov s12  }
0x162: {  	v9 =	vadd.f32 v14, v10;
	v10 =	vadd.s32 v0, v15;
	v6 =	vmul.u32 $0x18, v6  }
0x163: {  	v7 =	vadd.f32 v11, v7;
	[tilespmem:$0x13A80] =	vst v8;
	v8 =	vadd.s32 v2, v15  }
0x164: {  	[tilespmem:$0x13A90] =	vst v9;
	v11 =	vadd.s32 v4, v15;
	v13 =	vbroadcast v6, $0x0  }
0x165: {  	s13 =	simm.s32 $0x580;
	v14 =	vadd.s32 v3, v15;
	[tilespmem:$0x13AA0] =	vst v7  }
0x166: {  	v9 =	vmov s13;
	v5 =	vld.idx.msk [tilespmem:v5+s7+$0x0], $0xffff;
	v18 =	vor.u32 v1, v13  }
0x167: {  	v7 =	vld.idx.msk [tilespmem:v10+s7+$0x0], $0xffff;
	v10 =	vmul.u32 $0x18, v9;
	v16 =	vadd.s32 v0, v13  }
0x168: {  	v15 =	vimm.f32 $0.0e+00;
	v6 =	vimm.f32 $0.0e+00;
	v9 =	vld.idx.msk [tilespmem:v8+s7+$0x0], $0xffff;
	v19 =	vadd.s32 v2, v13  }
0x169: {  	v12 =	vadd.s32 v3, v13;
	v8 =	vld.idx.msk [tilespmem:v11+s7+$0x0], $0xffff;
	v17 =	vadd.s32 v4, v13;
	v20 =	vbroadcast v10, $0x0  }
0x16a: {  	s11 =	simm.s32 $0x584;
	v13 =	vimm.f32 $0.0e+00;
	v10 =	vld.idx.msk [tilespmem:v14+s7+$0x0], $0xffff;
	v14 =	vimm.f32 $0.0e+00;
	v11 =	vimm.f32 $0.0e+00  }
.LBB2_17:
0x16b: {  	p0 =	sne.s32 s11, $0x63C;
	v6 =	vadd.f32 v5, v6;
	v5 =	vld.idx.msk [tilespmem:v18+s7+$0x0], $0xffff;
	s12 =	smov.u32 s11;
	s11 =	sadd.s32 $0x4, s11  }
.Ltmp7:
0x16c: {  	v13 =	vadd.f32 v7, v13;
	v18 =	vor.u32 v1, v20;
	v7 =	vld.idx.msk [tilespmem:v16+s7+$0x0], $0xffff;
	v16 =	vadd.s32 v0, v20;
	(pc) =	sbr.rel @p0 .LBB2_17-.Ltmp7, $4  }
0x16d: {  	v21 =	vmov s12;
	v22 =	vadd.s32 v3, v20;
	v15 =	vadd.f32 v9, v15;
	v9 =	vld.idx.msk [tilespmem:v19+s7+$0x0], $0xffff  }
0x16e: {  	v21 =	vmul.u32 $0x18, v21;
	v19 =	vadd.s32 v2, v20;
	v14 =	vadd.f32 v8, v14;
	v8 =	vld.idx.msk [tilespmem:v17+s7+$0x0], $0xffff  }
0x16f: {  	v17 =	vadd.s32 v4, v20;
	v11 =	vadd.f32 v10, v11;
	v10 =	vld.idx.msk [tilespmem:v12+s7+$0x0], $0xffff;
	v12 =	vmov v22  }
0x170: {  	v20 =	vbroadcast v21, $0x0  }
0x171: {  	_ =	sdelay $0x2  }
0x172: {  	v21 =	vor.u32 v1, v20  }
0x173: {  	v18 =	vld.idx.msk [tilespmem:v18+s7+$0x0], $0xffff;
	v22 =	vadd.s32 v0, v20  }
0x174: {  	v16 =	vld.idx.msk [tilespmem:v16+s7+$0x0], $0xffff  }
0x175: {  	v19 =	vld.idx.msk [tilespmem:v19+s7+$0x0], $0xffff;
	v23 =	vadd.s32 v2, v20  }
0x176: {  	v17 =	vld.idx.msk [tilespmem:v17+s7+$0x0], $0xffff;
	v24 =	vadd.s32 v3, v20  }
0x177: {  	v20 =	vadd.s32 v4, v20;
	v21 =	vld.idx.msk [tilespmem:v21+s7+$0x0], $0xffff  }
0x178: {  	v5 =	vadd.f32 v5, v6;
	v6 =	vld.idx.msk [tilespmem:v22+s7+$0x0], $0xffff  }
0x179: {  	v12 =	vld.idx.msk [tilespmem:v12+s7+$0x0], $0xffff;
	s11 =	simm.s32 $0x640;
	v7 =	vadd.f32 v7, v13  }
0x17a: {  	v9 =	vadd.f32 v9, v15;
	v15 =	vmov s11;
	v5 =	vadd.f32 v18, v5;
	v13 =	vld.idx.msk [tilespmem:v23+s7+$0x0], $0xffff  }
0x17b: {  	v8 =	vadd.f32 v8, v14;
	v15 =	vmul.u32 $0x18, v15;
	v7 =	vadd.f32 v16, v7;
	v14 =	vld.idx.msk [tilespmem:v24+s7+$0x0], $0xffff  }
0x17c: {  	v10 =	vadd.f32 v10, v11;
	v11 =	vld.idx.msk [tilespmem:v20+s7+$0x0], $0xffff;
	v5 =	vadd.f32 v21, v5  }
0x17d: {  	v15 =	vbroadcast v15, $0x0;
	v9 =	vadd.f32 v19, v9;
	v6 =	vadd.f32 v6, v7  }
0x17e: {  	s12 =	simm.s32 $0x644;
	v10 =	vadd.f32 v12, v10;
	v7 =	vadd.f32 v17, v8;
	[tilespmem:$0x13AB0] =	vst v5  }
0x17f: {  	v8 =	vadd.f32 v13, v9;
	v5 =	vor.u32 v1, v15;
	[tilespmem:$0x13AC0] =	vst v6;
	v6 =	vmov s12  }
0x180: {  	v9 =	vadd.f32 v14, v10;
	v10 =	vadd.s32 v0, v15;
	v6 =	vmul.u32 $0x18, v6  }
0x181: {  	v7 =	vadd.f32 v11, v7;
	[tilespmem:$0x13AD0] =	vst v8;
	v8 =	vadd.s32 v2, v15  }
0x182: {  	[tilespmem:$0x13AE0] =	vst v9;
	v11 =	vadd.s32 v4, v15;
	v13 =	vbroadcast v6, $0x0  }
0x183: {  	s13 =	simm.s32 $0x648;
	v14 =	vadd.s32 v3, v15;
	[tilespmem:$0x13AF0] =	vst v7  }
0x184: {  	v9 =	vmov s13;
	v5 =	vld.idx.msk [tilespmem:v5+s7+$0x0], $0xffff;
	v18 =	vor.u32 v1, v13  }
0x185: {  	v7 =	vld.idx.msk [tilespmem:v10+s7+$0x0], $0xffff;
	v10 =	vmul.u32 $0x18, v9;
	v16 =	vadd.s32 v0, v13  }
0x186: {  	v15 =	vimm.f32 $0.0e+00;
	v6 =	vimm.f32 $0.0e+00;
	v9 =	vld.idx.msk [tilespmem:v8+s7+$0x0], $0xffff;
	v19 =	vadd.s32 v2, v13  }
0x187: {  	v12 =	vadd.s32 v3, v13;
	v8 =	vld.idx.msk [tilespmem:v11+s7+$0x0], $0xffff;
	v17 =	vadd.s32 v4, v13;
	v20 =	vbroadcast v10, $0x0  }
0x188: {  	s11 =	simm.s32 $0x64C;
	v13 =	vimm.f32 $0.0e+00;
	v10 =	vld.idx.msk [tilespmem:v14+s7+$0x0], $0xffff;
	v14 =	vimm.f32 $0.0e+00;
	v11 =	vimm.f32 $0.0e+00  }
.LBB2_19:
0x189: {  	p0 =	sne.s32 s11, $0x704;
	v6 =	vadd.f32 v5, v6;
	v5 =	vld.idx.msk [tilespmem:v18+s7+$0x0], $0xffff;
	s12 =	smov.u32 s11;
	s11 =	sadd.s32 $0x4, s11  }
.Ltmp8:
0x18a: {  	v13 =	vadd.f32 v7, v13;
	v18 =	vor.u32 v1, v20;
	v7 =	vld.idx.msk [tilespmem:v16+s7+$0x0], $0xffff;
	v16 =	vadd.s32 v0, v20;
	(pc) =	sbr.rel @p0 .LBB2_19-.Ltmp8, $4  }
0x18b: {  	v21 =	vmov s12;
	v22 =	vadd.s32 v3, v20;
	v15 =	vadd.f32 v9, v15;
	v9 =	vld.idx.msk [tilespmem:v19+s7+$0x0], $0xffff  }
0x18c: {  	v21 =	vmul.u32 $0x18, v21;
	v19 =	vadd.s32 v2, v20;
	v14 =	vadd.f32 v8, v14;
	v8 =	vld.idx.msk [tilespmem:v17+s7+$0x0], $0xffff  }
0x18d: {  	v17 =	vadd.s32 v4, v20;
	v11 =	vadd.f32 v10, v11;
	v10 =	vld.idx.msk [tilespmem:v12+s7+$0x0], $0xffff;
	v12 =	vmov v22  }
0x18e: {  	v20 =	vbroadcast v21, $0x0  }
0x18f: {  	_ =	sdelay $0x2  }
0x190: {  	v21 =	vor.u32 v1, v20  }
0x191: {  	v18 =	vld.idx.msk [tilespmem:v18+s7+$0x0], $0xffff;
	v22 =	vadd.s32 v0, v20  }
0x192: {  	v16 =	vld.idx.msk [tilespmem:v16+s7+$0x0], $0xffff  }
0x193: {  	v19 =	vld.idx.msk [tilespmem:v19+s7+$0x0], $0xffff;
	v23 =	vadd.s32 v2, v20  }
0x194: {  	v17 =	vld.idx.msk [tilespmem:v17+s7+$0x0], $0xffff;
	v24 =	vadd.s32 v3, v20  }
0x195: {  	v20 =	vadd.s32 v4, v20;
	v21 =	vld.idx.msk [tilespmem:v21+s7+$0x0], $0xffff  }
0x196: {  	v5 =	vadd.f32 v5, v6;
	v6 =	vld.idx.msk [tilespmem:v22+s7+$0x0], $0xffff  }
0x197: {  	v12 =	vld.idx.msk [tilespmem:v12+s7+$0x0], $0xffff;
	s11 =	simm.s32 $0x708;
	v7 =	vadd.f32 v7, v13  }
0x198: {  	v9 =	vadd.f32 v9, v15;
	v15 =	vmov s11;
	v5 =	vadd.f32 v18, v5;
	v13 =	vld.idx.msk [tilespmem:v23+s7+$0x0], $0xffff  }
0x199: {  	v8 =	vadd.f32 v8, v14;
	v15 =	vmul.u32 $0x18, v15;
	v7 =	vadd.f32 v16, v7;
	v14 =	vld.idx.msk [tilespmem:v24+s7+$0x0], $0xffff  }
0x19a: {  	v10 =	vadd.f32 v10, v11;
	v11 =	vld.idx.msk [tilespmem:v20+s7+$0x0], $0xffff;
	v5 =	vadd.f32 v21, v5  }
0x19b: {  	v15 =	vbroadcast v15, $0x0;
	v9 =	vadd.f32 v19, v9;
	v6 =	vadd.f32 v6, v7  }
0x19c: {  	s12 =	simm.s32 $0x70C;
	v10 =	vadd.f32 v12, v10;
	v7 =	vadd.f32 v17, v8;
	[tilespmem:$0x13B00] =	vst v5  }
0x19d: {  	v8 =	vadd.f32 v13, v9;
	v5 =	vor.u32 v1, v15;
	[tilespmem:$0x13B10] =	vst v6;
	v6 =	vmov s12  }
0x19e: {  	v9 =	vadd.f32 v14, v10;
	v10 =	vadd.s32 v0, v15;
	v6 =	vmul.u32 $0x18, v6  }
0x19f: {  	v7 =	vadd.f32 v11, v7;
	[tilespmem:$0x13B20] =	vst v8;
	v8 =	vadd.s32 v2, v15  }
0x1a0: {  	[tilespmem:$0x13B30] =	vst v9;
	v11 =	vadd.s32 v4, v15;
	v13 =	vbroadcast v6, $0x0  }
0x1a1: {  	s13 =	simm.s32 $0x710;
	v14 =	vadd.s32 v3, v15;
	[tilespmem:$0x13B40] =	vst v7  }
0x1a2: {  	v9 =	vmov s13;
	v5 =	vld.idx.msk [tilespmem:v5+s7+$0x0], $0xffff;
	v18 =	vor.u32 v1, v13  }
0x1a3: {  	v7 =	vld.idx.msk [tilespmem:v10+s7+$0x0], $0xffff;
	v10 =	vmul.u32 $0x18, v9;
	v16 =	vadd.s32 v0, v13  }
0x1a4: {  	v15 =	vimm.f32 $0.0e+00;
	v6 =	vimm.f32 $0.0e+00;
	v9 =	vld.idx.msk [tilespmem:v8+s7+$0x0], $0xffff;
	v19 =	vadd.s32 v2, v13  }
0x1a5: {  	v12 =	vadd.s32 v3, v13;
	v8 =	vld.idx.msk [tilespmem:v11+s7+$0x0], $0xffff;
	v17 =	vadd.s32 v4, v13;
	v20 =	vbroadcast v10, $0x0  }
0x1a6: {  	s11 =	simm.s32 $0x714;
	v13 =	vimm.f32 $0.0e+00;
	v10 =	vld.idx.msk [tilespmem:v14+s7+$0x0], $0xffff;
	v14 =	vimm.f32 $0.0e+00;
	v11 =	vimm.f32 $0.0e+00  }
.LBB2_21:
0x1a7: {  	p0 =	sne.s32 s11, $0x7CC;
	v6 =	vadd.f32 v5, v6;
	v5 =	vld.idx.msk [tilespmem:v18+s7+$0x0], $0xffff;
	s12 =	smov.u32 s11;
	s11 =	sadd.s32 $0x4, s11  }
.Ltmp9:
0x1a8: {  	v13 =	vadd.f32 v7, v13;
	v18 =	vor.u32 v1, v20;
	v7 =	vld.idx.msk [tilespmem:v16+s7+$0x0], $0xffff;
	v16 =	vadd.s32 v0, v20;
	(pc) =	sbr.rel @p0 .LBB2_21-.Ltmp9, $4  }
0x1a9: {  	v21 =	vmov s12;
	v22 =	vadd.s32 v3, v20;
	v15 =	vadd.f32 v9, v15;
	v9 =	vld.idx.msk [tilespmem:v19+s7+$0x0], $0xffff  }
0x1aa: {  	v21 =	vmul.u32 $0x18, v21;
	v19 =	vadd.s32 v2, v20;
	v14 =	vadd.f32 v8, v14;
	v8 =	vld.idx.msk [tilespmem:v17+s7+$0x0], $0xffff  }
0x1ab: {  	v17 =	vadd.s32 v4, v20;
	v11 =	vadd.f32 v10, v11;
	v10 =	vld.idx.msk [tilespmem:v12+s7+$0x0], $0xffff;
	v12 =	vmov v22  }
0x1ac: {  	v20 =	vbroadcast v21, $0x0  }
0x1ad: {  	_ =	sdelay $0x2  }
0x1ae: {  	v21 =	vor.u32 v1, v20  }
0x1af: {  	v18 =	vld.idx.msk [tilespmem:v18+s7+$0x0], $0xffff;
	v22 =	vadd.s32 v0, v20  }
0x1b0: {  	v16 =	vld.idx.msk [tilespmem:v16+s7+$0x0], $0xffff  }
0x1b1: {  	v19 =	vld.idx.msk [tilespmem:v19+s7+$0x0], $0xffff;
	v23 =	vadd.s32 v2, v20  }
0x1b2: {  	v17 =	vld.idx.msk [tilespmem:v17+s7+$0x0], $0xffff;
	v24 =	vadd.s32 v3, v20  }
0x1b3: {  	v20 =	vadd.s32 v4, v20;
	v21 =	vld.idx.msk [tilespmem:v21+s7+$0x0], $0xffff  }
0x1b4: {  	v5 =	vadd.f32 v5, v6;
	v6 =	vld.idx.msk [tilespmem:v22+s7+$0x0], $0xffff  }
0x1b5: {  	v12 =	vld.idx.msk [tilespmem:v12+s7+$0x0], $0xffff;
	s11 =	simm.s32 $0x7D0;
	v7 =	vadd.f32 v7, v13  }
0x1b6: {  	v9 =	vadd.f32 v9, v15;
	v15 =	vmov s11;
	v5 =	vadd.f32 v18, v5;
	v13 =	vld.idx.msk [tilespmem:v23+s7+$0x0], $0xffff  }
0x1b7: {  	v8 =	vadd.f32 v8, v14;
	v15 =	vmul.u32 $0x18, v15;
	v7 =	vadd.f32 v16, v7;
	v14 =	vld.idx.msk [tilespmem:v24+s7+$0x0], $0xffff  }
0x1b8: {  	v10 =	vadd.f32 v10, v11;
	v11 =	vld.idx.msk [tilespmem:v20+s7+$0x0], $0xffff;
	v5 =	vadd.f32 v21, v5  }
0x1b9: {  	v15 =	vbroadcast v15, $0x0;
	v9 =	vadd.f32 v19, v9;
	v6 =	vadd.f32 v6, v7  }
0x1ba: {  	s12 =	simm.s32 $0x7D4;
	v10 =	vadd.f32 v12, v10;
	v7 =	vadd.f32 v17, v8;
	[tilespmem:$0x13B50] =	vst v5  }
0x1bb: {  	v8 =	vadd.f32 v13, v9;
	v5 =	vor.u32 v1, v15;
	[tilespmem:$0x13B60] =	vst v6;
	v6 =	vmov s12  }
0x1bc: {  	v9 =	vadd.f32 v14, v10;
	v10 =	vadd.s32 v0, v15;
	v6 =	vmul.u32 $0x18, v6  }
0x1bd: {  	v7 =	vadd.f32 v11, v7;
	[tilespmem:$0x13B70] =	vst v8;
	v8 =	vadd.s32 v2, v15  }
0x1be: {  	[tilespmem:$0x13B80] =	vst v9;
	v11 =	vadd.s32 v4, v15;
	v13 =	vbroadcast v6, $0x0  }
0x1bf: {  	s13 =	simm.s32 $0x7D8;
	v14 =	vadd.s32 v3, v15;
	[tilespmem:$0x13B90] =	vst v7  }
0x1c0: {  	v9 =	vmov s13;
	v5 =	vld.idx.msk [tilespmem:v5+s7+$0x0], $0xffff;
	v18 =	vor.u32 v1, v13  }
0x1c1: {  	v7 =	vld.idx.msk [tilespmem:v10+s7+$0x0], $0xffff;
	v10 =	vmul.u32 $0x18, v9;
	v16 =	vadd.s32 v0, v13  }
0x1c2: {  	v15 =	vimm.f32 $0.0e+00;
	v6 =	vimm.f32 $0.0e+00;
	v9 =	vld.idx.msk [tilespmem:v8+s7+$0x0], $0xffff;
	v19 =	vadd.s32 v2, v13  }
0x1c3: {  	v12 =	vadd.s32 v3, v13;
	v8 =	vld.idx.msk [tilespmem:v11+s7+$0x0], $0xffff;
	v17 =	vadd.s32 v4, v13;
	v20 =	vbroadcast v10, $0x0  }
0x1c4: {  	s11 =	simm.s32 $0x7DC;
	v13 =	vimm.f32 $0.0e+00;
	v10 =	vld.idx.msk [tilespmem:v14+s7+$0x0], $0xffff;
	v14 =	vimm.f32 $0.0e+00;
	v11 =	vimm.f32 $0.0e+00  }
.LBB2_23:
0x1c5: {  	p0 =	sne.s32 s11, $0x894;
	v6 =	vadd.f32 v5, v6;
	v5 =	vld.idx.msk [tilespmem:v18+s7+$0x0], $0xffff;
	s12 =	smov.u32 s11;
	s11 =	sadd.s32 $0x4, s11  }
.Ltmp10:
0x1c6: {  	v13 =	vadd.f32 v7, v13;
	v18 =	vor.u32 v1, v20;
	v7 =	vld.idx.msk [tilespmem:v16+s7+$0x0], $0xffff;
	v16 =	vadd.s32 v0, v20;
	(pc) =	sbr.rel @p0 .LBB2_23-.Ltmp10, $4  }
0x1c7: {  	v21 =	vmov s12;
	v22 =	vadd.s32 v3, v20;
	v15 =	vadd.f32 v9, v15;
	v9 =	vld.idx.msk [tilespmem:v19+s7+$0x0], $0xffff  }
0x1c8: {  	v21 =	vmul.u32 $0x18, v21;
	v19 =	vadd.s32 v2, v20;
	v14 =	vadd.f32 v8, v14;
	v8 =	vld.idx.msk [tilespmem:v17+s7+$0x0], $0xffff  }
0x1c9: {  	v17 =	vadd.s32 v4, v20;
	v11 =	vadd.f32 v10, v11;
	v10 =	vld.idx.msk [tilespmem:v12+s7+$0x0], $0xffff;
	v12 =	vmov v22  }
0x1ca: {  	v20 =	vbroadcast v21, $0x0  }
0x1cb: {  	_ =	sdelay $0x2  }
0x1cc: {  	v21 =	vor.u32 v1, v20  }
0x1cd: {  	v18 =	vld.idx.msk [tilespmem:v18+s7+$0x0], $0xffff;
	v22 =	vadd.s32 v0, v20  }
0x1ce: {  	v16 =	vld.idx.msk [tilespmem:v16+s7+$0x0], $0xffff  }
0x1cf: {  	v19 =	vld.idx.msk [tilespmem:v19+s7+$0x0], $0xffff;
	v23 =	vadd.s32 v2, v20  }
0x1d0: {  	v17 =	vld.idx.msk [tilespmem:v17+s7+$0x0], $0xffff;
	v24 =	vadd.s32 v3, v20  }
0x1d1: {  	v20 =	vadd.s32 v4, v20;
	v21 =	vld.idx.msk [tilespmem:v21+s7+$0x0], $0xffff  }
0x1d2: {  	v5 =	vadd.f32 v5, v6;
	v6 =	vld.idx.msk [tilespmem:v22+s7+$0x0], $0xffff  }
0x1d3: {  	v12 =	vld.idx.msk [tilespmem:v12+s7+$0x0], $0xffff;
	s11 =	simm.s32 $0x898;
	v7 =	vadd.f32 v7, v13  }
0x1d4: {  	v9 =	vadd.f32 v9, v15;
	v15 =	vmov s11;
	v5 =	vadd.f32 v18, v5;
	v13 =	vld.idx.msk [tilespmem:v23+s7+$0x0], $0xffff  }
0x1d5: {  	v8 =	vadd.f32 v8, v14;
	v15 =	vmul.u32 $0x18, v15;
	v7 =	vadd.f32 v16, v7;
	v14 =	vld.idx.msk [tilespmem:v24+s7+$0x0], $0xffff  }
0x1d6: {  	v10 =	vadd.f32 v10, v11;
	v11 =	vld.idx.msk [tilespmem:v20+s7+$0x0], $0xffff;
	v5 =	vadd.f32 v21, v5  }
0x1d7: {  	v15 =	vbroadcast v15, $0x0;
	v9 =	vadd.f32 v19, v9;
	v6 =	vadd.f32 v6, v7  }
0x1d8: {  	s12 =	simm.s32 $0x89C;
	v10 =	vadd.f32 v12, v10;
	v7 =	vadd.f32 v17, v8;
	[tilespmem:$0x13BA0] =	vst v5  }
0x1d9: {  	v8 =	vadd.f32 v13, v9;
	v5 =	vor.u32 v1, v15;
	[tilespmem:$0x13BB0] =	vst v6;
	v6 =	vmov s12  }
0x1da: {  	v9 =	vadd.f32 v14, v10;
	v10 =	vadd.s32 v0, v15;
	v6 =	vmul.u32 $0x18, v6  }
0x1db: {  	v7 =	vadd.f32 v11, v7;
	[tilespmem:$0x13BC0] =	vst v8;
	v8 =	vadd.s32 v2, v15  }
0x1dc: {  	[tilespmem:$0x13BD0] =	vst v9;
	v11 =	vadd.s32 v4, v15;
	v13 =	vbroadcast v6, $0x0  }
0x1dd: {  	s13 =	simm.s32 $0x8A0;
	v14 =	vadd.s32 v3, v15;
	[tilespmem:$0x13BE0] =	vst v7  }
0x1de: {  	v9 =	vmov s13;
	v5 =	vld.idx.msk [tilespmem:v5+s7+$0x0], $0xffff;
	v18 =	vor.u32 v1, v13  }
0x1df: {  	v7 =	vld.idx.msk [tilespmem:v10+s7+$0x0], $0xffff;
	v10 =	vmul.u32 $0x18, v9;
	v16 =	vadd.s32 v0, v13  }
0x1e0: {  	v15 =	vimm.f32 $0.0e+00;
	v6 =	vimm.f32 $0.0e+00;
	v9 =	vld.idx.msk [tilespmem:v8+s7+$0x0], $0xffff;
	v19 =	vadd.s32 v2, v13  }
0x1e1: {  	v12 =	vadd.s32 v3, v13;
	v8 =	vld.idx.msk [tilespmem:v11+s7+$0x0], $0xffff;
	v17 =	vadd.s32 v4, v13;
	v20 =	vbroadcast v10, $0x0  }
0x1e2: {  	s11 =	simm.s32 $0x8A4;
	v13 =	vimm.f32 $0.0e+00;
	v10 =	vld.idx.msk [tilespmem:v14+s7+$0x0], $0xffff;
	v14 =	vimm.f32 $0.0e+00;
	v11 =	vimm.f32 $0.0e+00  }
.LBB2_25:
0x1e3: {  	p0 =	sne.s32 s11, $0x95C;
	v6 =	vadd.f32 v5, v6;
	v5 =	vld.idx.msk [tilespmem:v18+s7+$0x0], $0xffff;
	s12 =	smov.u32 s11;
	s11 =	sadd.s32 $0x4, s11  }
.Ltmp11:
0x1e4: {  	v13 =	vadd.f32 v7, v13;
	v18 =	vor.u32 v1, v20;
	v7 =	vld.idx.msk [tilespmem:v16+s7+$0x0], $0xffff;
	v16 =	vadd.s32 v0, v20;
	(pc) =	sbr.rel @p0 .LBB2_25-.Ltmp11, $4  }
0x1e5: {  	v21 =	vmov s12;
	v22 =	vadd.s32 v3, v20;
	v15 =	vadd.f32 v9, v15;
	v9 =	vld.idx.msk [tilespmem:v19+s7+$0x0], $0xffff  }
0x1e6: {  	v21 =	vmul.u32 $0x18, v21;
	v19 =	vadd.s32 v2, v20;
	v14 =	vadd.f32 v8, v14;
	v8 =	vld.idx.msk [tilespmem:v17+s7+$0x0], $0xffff  }
0x1e7: {  	v17 =	vadd.s32 v4, v20;
	v11 =	vadd.f32 v10, v11;
	v10 =	vld.idx.msk [tilespmem:v12+s7+$0x0], $0xffff;
	v12 =	vmov v22  }
0x1e8: {  	v20 =	vbroadcast v21, $0x0  }
0x1e9: {  	_ =	sdelay $0x2  }
0x1ea: {  	v21 =	vor.u32 v1, v20  }
0x1eb: {  	v18 =	vld.idx.msk [tilespmem:v18+s7+$0x0], $0xffff;
	v22 =	vadd.s32 v0, v20  }
0x1ec: {  	v16 =	vld.idx.msk [tilespmem:v16+s7+$0x0], $0xffff  }
0x1ed: {  	v19 =	vld.idx.msk [tilespmem:v19+s7+$0x0], $0xffff;
	v23 =	vadd.s32 v2, v20  }
0x1ee: {  	v17 =	vld.idx.msk [tilespmem:v17+s7+$0x0], $0xffff;
	v24 =	vadd.s32 v3, v20  }
0x1ef: {  	v20 =	vadd.s32 v4, v20;
	v21 =	vld.idx.msk [tilespmem:v21+s7+$0x0], $0xffff  }
0x1f0: {  	v5 =	vadd.f32 v5, v6;
	v6 =	vld.idx.msk [tilespmem:v22+s7+$0x0], $0xffff  }
0x1f1: {  	v12 =	vld.idx.msk [tilespmem:v12+s7+$0x0], $0xffff;
	s11 =	simm.s32 $0x960;
	v7 =	vadd.f32 v7, v13  }
0x1f2: {  	v9 =	vadd.f32 v9, v15;
	v15 =	vmov s11;
	v5 =	vadd.f32 v18, v5;
	v13 =	vld.idx.msk [tilespmem:v23+s7+$0x0], $0xffff  }
0x1f3: {  	v8 =	vadd.f32 v8, v14;
	v15 =	vmul.u32 $0x18, v15;
	v7 =	vadd.f32 v16, v7;
	v14 =	vld.idx.msk [tilespmem:v24+s7+$0x0], $0xffff  }
0x1f4: {  	v10 =	vadd.f32 v10, v11;
	v11 =	vld.idx.msk [tilespmem:v20+s7+$0x0], $0xffff;
	v5 =	vadd.f32 v21, v5  }
0x1f5: {  	v15 =	vbroadcast v15, $0x0;
	v9 =	vadd.f32 v19, v9;
	v6 =	vadd.f32 v6, v7  }
0x1f6: {  	s12 =	simm.s32 $0x964;
	v10 =	vadd.f32 v12, v10;
	v7 =	vadd.f32 v17, v8;
	[tilespmem:$0x13BF0] =	vst v5  }
0x1f7: {  	v8 =	vadd.f32 v13, v9;
	v5 =	vor.u32 v1, v15;
	[tilespmem:$0x13C00] =	vst v6;
	v6 =	vmov s12  }
0x1f8: {  	v9 =	vadd.f32 v14, v10;
	v10 =	vadd.s32 v0, v15;
	v6 =	vmul.u32 $0x18, v6  }
0x1f9: {  	v7 =	vadd.f32 v11, v7;
	[tilespmem:$0x13C10] =	vst v8;
	v8 =	vadd.s32 v2, v15  }
0x1fa: {  	[tilespmem:$0x13C20] =	vst v9;
	v11 =	vadd.s32 v4, v15;
	v13 =	vbroadcast v6, $0x0  }
0x1fb: {  	s13 =	simm.s32 $0x968;
	v14 =	vadd.s32 v3, v15;
	[tilespmem:$0x13C30] =	vst v7  }
0x1fc: {  	v9 =	vmov s13;
	v5 =	vld.idx.msk [tilespmem:v5+s7+$0x0], $0xffff;
	v18 =	vor.u32 v1, v13  }
0x1fd: {  	v7 =	vld.idx.msk [tilespmem:v10+s7+$0x0], $0xffff;
	v10 =	vmul.u32 $0x18, v9;
	v16 =	vadd.s32 v0, v13  }
0x1fe: {  	v15 =	vimm.f32 $0.0e+00;
	v6 =	vimm.f32 $0.0e+00;
	v9 =	vld.idx.msk [tilespmem:v8+s7+$0x0], $0xffff;
	v19 =	vadd.s32 v2, v13  }
0x1ff: {  	v12 =	vadd.s32 v3, v13;
	v8 =	vld.idx.msk [tilespmem:v11+s7+$0x0], $0xffff;
	v17 =	vadd.s32 v4, v13;
	v20 =	vbroadcast v10, $0x0  }
0x200: {  	s11 =	simm.s32 $0x96C;
	v13 =	vimm.f32 $0.0e+00;
	v10 =	vld.idx.msk [tilespmem:v14+s7+$0x0], $0xffff;
	v14 =	vimm.f32 $0.0e+00;
	v11 =	vimm.f32 $0.0e+00  }
.LBB2_27:
0x201: {  	p0 =	sne.s32 s11, $0xA24;
	v6 =	vadd.f32 v5, v6;
	v5 =	vld.idx.msk [tilespmem:v18+s7+$0x0], $0xffff;
	s12 =	smov.u32 s11;
	s11 =	sadd.s32 $0x4, s11  }
.Ltmp12:
0x202: {  	v13 =	vadd.f32 v7, v13;
	v18 =	vor.u32 v1, v20;
	v7 =	vld.idx.msk [tilespmem:v16+s7+$0x0], $0xffff;
	v16 =	vadd.s32 v0, v20;
	(pc) =	sbr.rel @p0 .LBB2_27-.Ltmp12, $4  }
0x203: {  	v21 =	vmov s12;
	v22 =	vadd.s32 v3, v20;
	v15 =	vadd.f32 v9, v15;
	v9 =	vld.idx.msk [tilespmem:v19+s7+$0x0], $0xffff  }
0x204: {  	v21 =	vmul.u32 $0x18, v21;
	v19 =	vadd.s32 v2, v20;
	v14 =	vadd.f32 v8, v14;
	v8 =	vld.idx.msk [tilespmem:v17+s7+$0x0], $0xffff  }
0x205: {  	v17 =	vadd.s32 v4, v20;
	v11 =	vadd.f32 v10, v11;
	v10 =	vld.idx.msk [tilespmem:v12+s7+$0x0], $0xffff;
	v12 =	vmov v22  }
0x206: {  	v20 =	vbroadcast v21, $0x0  }
0x207: {  	_ =	sdelay $0x2  }
0x208: {  	v21 =	vor.u32 v1, v20  }
0x209: {  	v18 =	vld.idx.msk [tilespmem:v18+s7+$0x0], $0xffff;
	v22 =	vadd.s32 v0, v20  }
0x20a: {  	v16 =	vld.idx.msk [tilespmem:v16+s7+$0x0], $0xffff  }
0x20b: {  	v19 =	vld.idx.msk [tilespmem:v19+s7+$0x0], $0xffff;
	v23 =	vadd.s32 v2, v20  }
0x20c: {  	v17 =	vld.idx.msk [tilespmem:v17+s7+$0x0], $0xffff;
	v24 =	vadd.s32 v3, v20  }
0x20d: {  	v20 =	vadd.s32 v4, v20;
	v21 =	vld.idx.msk [tilespmem:v21+s7+$0x0], $0xffff  }
0x20e: {  	v5 =	vadd.f32 v5, v6;
	v6 =	vld.idx.msk [tilespmem:v22+s7+$0x0], $0xffff  }
0x20f: {  	v12 =	vld.idx.msk [tilespmem:v12+s7+$0x0], $0xffff;
	s11 =	simm.s32 $0xA28;
	v7 =	vadd.f32 v7, v13  }
0x210: {  	v9 =	vadd.f32 v9, v15;
	v15 =	vmov s11;
	v5 =	vadd.f32 v18, v5;
	v13 =	vld.idx.msk [tilespmem:v23+s7+$0x0], $0xffff  }
0x211: {  	v8 =	vadd.f32 v8, v14;
	v15 =	vmul.u32 $0x18, v15;
	v7 =	vadd.f32 v16, v7;
	v14 =	vld.idx.msk [tilespmem:v24+s7+$0x0], $0xffff  }
0x212: {  	v10 =	vadd.f32 v10, v11;
	v11 =	vld.idx.msk [tilespmem:v20+s7+$0x0], $0xffff;
	v5 =	vadd.f32 v21, v5  }
0x213: {  	v15 =	vbroadcast v15, $0x0;
	v9 =	vadd.f32 v19, v9;
	v6 =	vadd.f32 v6, v7  }
0x214: {  	s12 =	simm.s32 $0xA2C;
	v10 =	vadd.f32 v12, v10;
	v7 =	vadd.f32 v17, v8;
	[tilespmem:$0x13C40] =	vst v5  }
0x215: {  	v8 =	vadd.f32 v13, v9;
	v5 =	vor.u32 v1, v15;
	[tilespmem:$0x13C50] =	vst v6;
	v6 =	vmov s12  }
0x216: {  	v9 =	vadd.f32 v14, v10;
	v10 =	vadd.s32 v0, v15;
	v6 =	vmul.u32 $0x18, v6  }
0x217: {  	v7 =	vadd.f32 v11, v7;
	[tilespmem:$0x13C60] =	vst v8;
	v8 =	vadd.s32 v2, v15  }
0x218: {  	[tilespmem:$0x13C70] =	vst v9;
	v11 =	vadd.s32 v4, v15;
	v13 =	vbroadcast v6, $0x0  }
0x219: {  	s13 =	simm.s32 $0xA30;
	v14 =	vadd.s32 v3, v15;
	[tilespmem:$0x13C80] =	vst v7  }
0x21a: {  	v9 =	vmov s13;
	v5 =	vld.idx.msk [tilespmem:v5+s7+$0x0], $0xffff;
	v18 =	vor.u32 v1, v13  }
0x21b: {  	v7 =	vld.idx.msk [tilespmem:v10+s7+$0x0], $0xffff;
	v10 =	vmul.u32 $0x18, v9;
	v16 =	vadd.s32 v0, v13  }
0x21c: {  	v15 =	vimm.f32 $0.0e+00;
	v6 =	vimm.f32 $0.0e+00;
	v9 =	vld.idx.msk [tilespmem:v8+s7+$0x0], $0xffff;
	v19 =	vadd.s32 v2, v13  }
0x21d: {  	v12 =	vadd.s32 v3, v13;
	v8 =	vld.idx.msk [tilespmem:v11+s7+$0x0], $0xffff;
	v17 =	vadd.s32 v4, v13;
	v20 =	vbroadcast v10, $0x0  }
0x21e: {  	s11 =	simm.s32 $0xA34;
	v13 =	vimm.f32 $0.0e+00;
	v10 =	vld.idx.msk [tilespmem:v14+s7+$0x0], $0xffff;
	v14 =	vimm.f32 $0.0e+00;
	v11 =	vimm.f32 $0.0e+00  }
.LBB2_29:
0x21f: {  	p0 =	sne.s32 s11, $0xAEC;
	v6 =	vadd.f32 v5, v6;
	v5 =	vld.idx.msk [tilespmem:v18+s7+$0x0], $0xffff;
	s12 =	smov.u32 s11;
	s11 =	sadd.s32 $0x4, s11  }
.Ltmp13:
0x220: {  	v13 =	vadd.f32 v7, v13;
	v18 =	vor.u32 v1, v20;
	v7 =	vld.idx.msk [tilespmem:v16+s7+$0x0], $0xffff;
	v16 =	vadd.s32 v0, v20;
	(pc) =	sbr.rel @p0 .LBB2_29-.Ltmp13, $4  }
0x221: {  	v21 =	vmov s12;
	v22 =	vadd.s32 v3, v20;
	v15 =	vadd.f32 v9, v15;
	v9 =	vld.idx.msk [tilespmem:v19+s7+$0x0], $0xffff  }
0x222: {  	v21 =	vmul.u32 $0x18, v21;
	v19 =	vadd.s32 v2, v20;
	v14 =	vadd.f32 v8, v14;
	v8 =	vld.idx.msk [tilespmem:v17+s7+$0x0], $0xffff  }
0x223: {  	v17 =	vadd.s32 v4, v20;
	v11 =	vadd.f32 v10, v11;
	v10 =	vld.idx.msk [tilespmem:v12+s7+$0x0], $0xffff;
	v12 =	vmov v22  }
0x224: {  	v20 =	vbroadcast v21, $0x0  }
0x225: {  	_ =	sdelay $0x2  }
0x226: {  	v21 =	vor.u32 v1, v20  }
0x227: {  	v18 =	vld.idx.msk [tilespmem:v18+s7+$0x0], $0xffff;
	v22 =	vadd.s32 v0, v20  }
0x228: {  	v16 =	vld.idx.msk [tilespmem:v16+s7+$0x0], $0xffff  }
0x229: {  	v19 =	vld.idx.msk [tilespmem:v19+s7+$0x0], $0xffff;
	v23 =	vadd.s32 v2, v20  }
0x22a: {  	v17 =	vld.idx.msk [tilespmem:v17+s7+$0x0], $0xffff;
	v24 =	vadd.s32 v3, v20  }
0x22b: {  	v20 =	vadd.s32 v4, v20;
	v21 =	vld.idx.msk [tilespmem:v21+s7+$0x0], $0xffff  }
0x22c: {  	v5 =	vadd.f32 v5, v6;
	v6 =	vld.idx.msk [tilespmem:v22+s7+$0x0], $0xffff  }
0x22d: {  	v12 =	vld.idx.msk [tilespmem:v12+s7+$0x0], $0xffff;
	s11 =	simm.s32 $0xAF0;
	v7 =	vadd.f32 v7, v13  }
0x22e: {  	v9 =	vadd.f32 v9, v15;
	v15 =	vmov s11;
	v5 =	vadd.f32 v18, v5;
	v13 =	vld.idx.msk [tilespmem:v23+s7+$0x0], $0xffff  }
0x22f: {  	v8 =	vadd.f32 v8, v14;
	v15 =	vmul.u32 $0x18, v15;
	v7 =	vadd.f32 v16, v7;
	v14 =	vld.idx.msk [tilespmem:v24+s7+$0x0], $0xffff  }
0x230: {  	v10 =	vadd.f32 v10, v11;
	v11 =	vld.idx.msk [tilespmem:v20+s7+$0x0], $0xffff;
	v5 =	vadd.f32 v21, v5  }
0x231: {  	v15 =	vbroadcast v15, $0x0;
	v9 =	vadd.f32 v19, v9;
	v6 =	vadd.f32 v6, v7  }
0x232: {  	s12 =	simm.s32 $0xAF4;
	v10 =	vadd.f32 v12, v10;
	v7 =	vadd.f32 v17, v8;
	[tilespmem:$0x13C90] =	vst v5  }
0x233: {  	v8 =	vadd.f32 v13, v9;
	v5 =	vor.u32 v1, v15;
	[tilespmem:$0x13CA0] =	vst v6;
	v6 =	vmov s12  }
0x234: {  	v9 =	vadd.f32 v14, v10;
	v10 =	vadd.s32 v0, v15;
	v6 =	vmul.u32 $0x18, v6  }
0x235: {  	v7 =	vadd.f32 v11, v7;
	[tilespmem:$0x13CB0] =	vst v8;
	v8 =	vadd.s32 v2, v15  }
0x236: {  	[tilespmem:$0x13CC0] =	vst v9;
	v11 =	vadd.s32 v4, v15;
	v13 =	vbroadcast v6, $0x0  }
0x237: {  	s13 =	simm.s32 $0xAF8;
	v14 =	vadd.s32 v3, v15;
	[tilespmem:$0x13CD0] =	vst v7  }
0x238: {  	v9 =	vmov s13;
	v5 =	vld.idx.msk [tilespmem:v5+s7+$0x0], $0xffff;
	v18 =	vor.u32 v1, v13  }
0x239: {  	v7 =	vld.idx.msk [tilespmem:v10+s7+$0x0], $0xffff;
	v10 =	vmul.u32 $0x18, v9;
	v16 =	vadd.s32 v0, v13  }
0x23a: {  	v15 =	vimm.f32 $0.0e+00;
	v6 =	vimm.f32 $0.0e+00;
	v9 =	vld.idx.msk [tilespmem:v8+s7+$0x0], $0xffff;
	v19 =	vadd.s32 v2, v13  }
0x23b: {  	v12 =	vadd.s32 v3, v13;
	v8 =	vld.idx.msk [tilespmem:v11+s7+$0x0], $0xffff;
	v17 =	vadd.s32 v4, v13;
	v20 =	vbroadcast v10, $0x0  }
0x23c: {  	s11 =	simm.s32 $0xAFC;
	v13 =	vimm.f32 $0.0e+00;
	v10 =	vld.idx.msk [tilespmem:v14+s7+$0x0], $0xffff;
	v14 =	vimm.f32 $0.0e+00;
	v11 =	vimm.f32 $0.0e+00  }
.LBB2_31:
0x23d: {  	p0 =	sne.s32 s11, $0xBB4;
	v6 =	vadd.f32 v5, v6;
	v5 =	vld.idx.msk [tilespmem:v18+s7+$0x0], $0xffff;
	s12 =	smov.u32 s11;
	s11 =	sadd.s32 $0x4, s11  }
.Ltmp14:
0x23e: {  	v13 =	vadd.f32 v7, v13;
	v18 =	vor.u32 v1, v20;
	v7 =	vld.idx.msk [tilespmem:v16+s7+$0x0], $0xffff;
	v16 =	vadd.s32 v0, v20;
	(pc) =	sbr.rel @p0 .LBB2_31-.Ltmp14, $4  }
0x23f: {  	v21 =	vmov s12;
	v22 =	vadd.s32 v3, v20;
	v15 =	vadd.f32 v9, v15;
	v9 =	vld.idx.msk [tilespmem:v19+s7+$0x0], $0xffff  }
0x240: {  	v21 =	vmul.u32 $0x18, v21;
	v19 =	vadd.s32 v2, v20;
	v14 =	vadd.f32 v8, v14;
	v8 =	vld.idx.msk [tilespmem:v17+s7+$0x0], $0xffff  }
0x241: {  	v17 =	vadd.s32 v4, v20;
	v11 =	vadd.f32 v10, v11;
	v10 =	vld.idx.msk [tilespmem:v12+s7+$0x0], $0xffff;
	v12 =	vmov v22  }
0x242: {  	v20 =	vbroadcast v21, $0x0  }
0x243: {  	_ =	sdelay $0x2  }
0x244: {  	v21 =	vor.u32 v1, v20  }
0x245: {  	v18 =	vld.idx.msk [tilespmem:v18+s7+$0x0], $0xffff;
	v22 =	vadd.s32 v0, v20  }
0x246: {  	v16 =	vld.idx.msk [tilespmem:v16+s7+$0x0], $0xffff  }
0x247: {  	v19 =	vld.idx.msk [tilespmem:v19+s7+$0x0], $0xffff;
	v23 =	vadd.s32 v2, v20  }
0x248: {  	v17 =	vld.idx.msk [tilespmem:v17+s7+$0x0], $0xffff;
	v24 =	vadd.s32 v3, v20  }
0x249: {  	v20 =	vadd.s32 v4, v20;
	v21 =	vld.idx.msk [tilespmem:v21+s7+$0x0], $0xffff  }
0x24a: {  	v5 =	vadd.f32 v5, v6;
	v6 =	vld.idx.msk [tilespmem:v22+s7+$0x0], $0xffff  }
0x24b: {  	v12 =	vld.idx.msk [tilespmem:v12+s7+$0x0], $0xffff;
	s11 =	simm.s32 $0xBB8;
	v7 =	vadd.f32 v7, v13  }
0x24c: {  	v9 =	vadd.f32 v9, v15;
	v15 =	vmov s11;
	v5 =	vadd.f32 v18, v5;
	v13 =	vld.idx.msk [tilespmem:v23+s7+$0x0], $0xffff  }
0x24d: {  	v8 =	vadd.f32 v8, v14;
	v15 =	vmul.u32 $0x18, v15;
	v7 =	vadd.f32 v16, v7;
	v14 =	vld.idx.msk [tilespmem:v24+s7+$0x0], $0xffff  }
0x24e: {  	v10 =	vadd.f32 v10, v11;
	v11 =	vld.idx.msk [tilespmem:v20+s7+$0x0], $0xffff;
	v5 =	vadd.f32 v21, v5  }
0x24f: {  	v15 =	vbroadcast v15, $0x0;
	v9 =	vadd.f32 v19, v9;
	v6 =	vadd.f32 v6, v7  }
0x250: {  	s12 =	simm.s32 $0xBBC;
	v10 =	vadd.f32 v12, v10;
	v7 =	vadd.f32 v17, v8;
	[tilespmem:$0x13CE0] =	vst v5  }
0x251: {  	v8 =	vadd.f32 v13, v9;
	v5 =	vor.u32 v1, v15;
	[tilespmem:$0x13CF0] =	vst v6;
	v6 =	vmov s12  }
0x252: {  	v9 =	vadd.f32 v14, v10;
	v10 =	vadd.s32 v0, v15;
	v6 =	vmul.u32 $0x18, v6  }
0x253: {  	v7 =	vadd.f32 v11, v7;
	[tilespmem:$0x13D00] =	vst v8;
	v8 =	vadd.s32 v2, v15  }
0x254: {  	[tilespmem:$0x13D10] =	vst v9;
	v9 =	vadd.s32 v4, v15;
	v13 =	vbroadcast v6, $0x0  }
0x255: {  	v12 =	vadd.s32 v3, v15;
	[tilespmem:$0x13D20] =	vst v7  }
0x256: {  	s13 =	simm.s32 $0xBC0;
	v5 =	vld.idx.msk [tilespmem:v5+s7+$0x0], $0xffff;
	v18 =	vor.u32 v1, v13  }
0x257: {  	v14 =	vimm.f32 $0.0e+00;
	v11 =	vmov s13;
	v7 =	vld.idx.msk [tilespmem:v10+s7+$0x0], $0xffff;
	v16 =	vadd.s32 v0, v13  }
0x258: {  	v15 =	vimm.f32 $0.0e+00;
	v10 =	vmul.u32 $0x18, v11;
	v8 =	vld.idx.msk [tilespmem:v8+s7+$0x0], $0xffff;
	v19 =	vadd.s32 v2, v13  }
0x259: {  	v6 =	vimm.f32 $0.0e+00;
	v11 =	vadd.s32 v3, v13;
	v9 =	vld.idx.msk [tilespmem:v9+s7+$0x0], $0xffff;
	v17 =	vadd.s32 v4, v13  }
0x25a: {  	s11 =	simm.s32 $0xBC4;
	v20 =	vbroadcast v10, $0x0;
	v13 =	vimm.f32 $0.0e+00;
	v10 =	vld.idx.msk [tilespmem:v12+s7+$0x0], $0xffff;
	v12 =	vimm.f32 $0.0e+00  }
.LBB2_33:
0x25b: {  	p0 =	sne.s32 s11, $0xC7C;
	v6 =	vadd.f32 v5, v6;
	v5 =	vld.idx.msk [tilespmem:v18+s7+$0x0], $0xffff;
	s12 =	smov.u32 s11;
	s11 =	sadd.s32 $0x4, s11  }
.Ltmp15:
0x25c: {  	v13 =	vadd.f32 v7, v13;
	v18 =	vor.u32 v1, v20;
	v7 =	vld.idx.msk [tilespmem:v16+s7+$0x0], $0xffff;
	v16 =	vadd.s32 v0, v20;
	(pc) =	sbr.rel @p0 .LBB2_33-.Ltmp15, $4  }
0x25d: {  	v21 =	vmov s12;
	v22 =	vadd.s32 v3, v20;
	v15 =	vadd.f32 v8, v15;
	v8 =	vld.idx.msk [tilespmem:v19+s7+$0x0], $0xffff  }
0x25e: {  	v21 =	vmul.u32 $0x18, v21;
	v19 =	vadd.s32 v2, v20;
	v14 =	vadd.f32 v9, v14;
	v9 =	vld.idx.msk [tilespmem:v17+s7+$0x0], $0xffff  }
0x25f: {  	v17 =	vadd.s32 v4, v20;
	v12 =	vadd.f32 v10, v12;
	v10 =	vld.idx.msk [tilespmem:v11+s7+$0x0], $0xffff;
	v11 =	vmov v22  }
0x260: {  	v20 =	vbroadcast v21, $0x0  }
0x261: {  	_ =	sdelay $0x3  }
0x262: {  	v18 =	vld.idx.msk [tilespmem:v18+s7+$0x0], $0xffff;
	v21 =	vor.u32 v1, v20  }
0x263: {  	v16 =	vld.idx.msk [tilespmem:v16+s7+$0x0], $0xffff;
	v22 =	vadd.s32 v0, v20  }
0x264: {  	v19 =	vld.idx.msk [tilespmem:v19+s7+$0x0], $0xffff;
	v23 =	vadd.s32 v2, v20  }
0x265: {  	v17 =	vld.idx.msk [tilespmem:v17+s7+$0x0], $0xffff;
	v24 =	vadd.s32 v3, v20  }
0x266: {  	v11 =	vld.idx.msk [tilespmem:v11+s7+$0x0], $0xffff;
	v60 =	vadd.s32 v4, v20  }
0x267: {  	v21 =	vld.idx.msk [tilespmem:v21+s7+$0x0], $0xffff  }
0x268: {  	v5 =	vadd.f32 v5, v6;
	v6 =	vld.idx.msk [tilespmem:v22+s7+$0x0], $0xffff  }
0x269: {  	v7 =	vadd.f32 v7, v13;
	v8 =	vadd.f32 v8, v15;
	v61 =	vld.idx.msk [tilespmem:v23+s7+$0x0], $0xffff  }
0x26a: {  	v9 =	vadd.f32 v9, v14;
	v5 =	vadd.f32 v18, v5;
	v62 =	vld.idx.msk [tilespmem:v24+s7+$0x0], $0xffff  }
0x26b: {  	v10 =	vadd.f32 v10, v12;
	v7 =	vadd.f32 v16, v7;
	v63 =	vld.idx.msk [tilespmem:v60+s7+$0x0], $0xffff  }
0x26c: {  	v8 =	vadd.f32 v19, v8;
	v5 =	vadd.f32 v21, v5  }
0x26d: {  	v10 =	vadd.f32 v11, v10;
	v6 =	vadd.f32 v6, v7  }
0x26e: {  	v7 =	vadd.f32 v17, v9;
	v8 =	vadd.f32 v61, v8;
	[tilespmem:$0x13D30] =	vst v5  }
0x26f: {  	v5 =	vadd.f32 v62, v10;
	[tilespmem:$0x13D40] =	vst v6  }
0x270: {  	s10 =	smul.u32 $0xA, s10;
	s9 =	sadd.s32 $0x1, s9;
	v6 =	vadd.f32 v63, v7;
	[tilespmem:$0x13D50] =	vst v8  }
0x271: {  	p0 =	sne.s32 s9, $0x20;
	[tilespmem:$0x13D60] =	vst v5  }
.Ltmp16:
0x272: {  	s11 =	simm.s32 $0x0;
	s10 =	sadd.s32 s5, s10;
	[tilespmem:$0x13D70] =	vst v6;
	(pc) =	sbr.rel @p0 .LBB2_2-.Ltmp16, $4  }
0x273: {  	[hbm4b:s10+s11] =	stream.linear.scatter [tilespmem:s8], [sflag:$0x2], $0x500, $0x38;
	[tilespmem:$0x13D80] =	vst v63  }
0x274: {  	_ =	swait.ge [sflag:s23], $0x500  }
0x275: {  	[sflag:s23] =	ssyncset.done $0x0  }
0x276: {  	[sflag:s23] =	ssyncadd.s32 $0xFFFFFB00  }
0x277: {  	s10 =	rddreg [dreg:$0x3]  }
0x278: {  	s9 =	rddreg [dreg:$0x2];
	s10 =	sadd.s32 $0x1, s10  }
0x279: {  	p0 =	sne.s32 s10, s9  }
.Ltmp17:
0x27a: {  	_ = 	snop;
	(pc) =	sbr.rel @p0 .LBB2_1-.Ltmp17, $1  }
0x27b: {  	_ =	sdelay $0x3  }
0x27c: {  	_ =	sfence.sel $0x180000  }
0x27d: {  	[bflag:$0x0] =	sbarrier.arrive $0xFFFF  }
0x27e: {  	_ =	strace $0x90000047  }
0x27f: {  	s0 =	stileid.u32;
	[bflag:$0x2] =	sbarrier.arrive $0xFFFF  }
0x280: {  	p0 =	sne.s32 s0, $0x0;
	s0 =	rddreg [dreg:$0x1]  }
0x281: {  	s0 =	sadd.s32 @!p0 $0x100000, s0  }
0x282: {  	[sflag:s0] =	ssyncadd.tile.s32 @!p0 $0x1;
	_ =	shalt  }
.Lfunc_end2:
_tile_overlayer_lowered:
.L_overlay_start_2:
0x283: {  	(tag) =	ssettag $0x2  }
0x284: {  	s0 =	rddreg [dreg:$0x0];
	s2 =	stileid.u32  }
0x285: {  	s1 =	rddreg [dreg:$0x1];
	p0 =	sne.s32 s2, $0x0  }
0x286: {  	s3 =	rddreg [dreg:$0x2];
	[bflag:$0x3] =	sbarrier.arrive $0xFFFF;
	s2 =	simm.s32 @!p0 $0x1C02  }
0x287: {  	[timem:s3], [sflag:s2] =	dma.local @!p0 [hbm:s0], s1  }
0x288: {  	s0 =	simm.s32 @!p0 $0x2  }
0x289: {  	_ =	swait.ge @!p0 [sflag:s0], s1  }
0x28a: {  	s1 =	ssub.s32 @!p0 $0x0, s1;
	[sflag:s0] =	ssyncset.done @!p0 $0x0  }
0x28b: {  	[sflag:s0] =	ssyncadd.s32 @!p0 s1  }
0x28c: {  	[bflag:$0x3] =	sbarrier.arrive $0xFFFF  }
0x28d: {  	_ =	shalt  }

</sc_bundles>
